<compile_context>
chip_gen: v7x
topology: tpu7x:2x2x1
jax: 0.10.2.dev20260603
libtpu: 0.0.44.dev20260713+nightly
codegen_flags: <defaults>
</compile_context>

<pallas_src>
import jax
import jax.numpy as jnp
from jax import lax
from jax.experimental import pallas as pl
from jax.experimental.pallas import tpu as pltpu
from jax.experimental.pallas import tpu_sc as plsc

R = 128
C = 32768
CS = 8192
CT = C - CS
NC = 2
NS = 16
NW = NC * NS
RPW = R // NW
L = 16
NV = CS // L
NB = 8
KV = NV // NB
ACC = 4

TCW = 2048
NCHUNK = CT // TCW


def _shuffle(v, idx):
    dnums = lax.GatherDimensionNumbers(
        offset_dims=(), collapsed_slice_dims=(0,), start_index_map=(0,))
    return lax.gather(v, idx[:, None], dnums, (1,),
                      mode=lax.GatherScatterMode.PROMISE_IN_BOUNDS)


def _bfly(v, op):
    lane = lax.iota(jnp.int32, L)
    for s in (8, 4, 2, 1):
        v = op(v, _shuffle(v, lane ^ s))
    return v


def _scan_row(buf):
    lane = lax.iota(jnp.int32, L)
    neg = jnp.full((L,), -jnp.inf, jnp.float32)
    big = jnp.full((L,), C, jnp.int32)

    def blk(b, carry):
        g, gb = carry
        base = b * (KV * L)

        def it(i, accs):
            off = base + i * (ACC * L)
            vs = [buf[pl.ds(off + k * L, L)] for k in range(ACC)]
            return tuple(jnp.maximum(a, v) for a, v in zip(accs, vs))

        accs = lax.fori_loop(0, KV // ACC, it, (neg,) * ACC, unroll=4)
        bm = jnp.maximum(jnp.maximum(accs[0], accs[1]),
                         jnp.maximum(accs[2], accs[3]))
        gt = bm > g
        return jnp.where(gt, bm, g), jnp.where(gt, b, gb)

    g, gb = lax.fori_loop(0, NB, blk, (neg, jnp.zeros((L,), jnp.int32)))
    m = _bfly(g, jnp.maximum)

    fb = jnp.where(g == m, gb, NB)
    bstar = _bfly(fb, jnp.minimum)[0]

    ebase = bstar * (KV * L)

    def it3(i, carry):
        f0, f1, iv = carry
        v0 = buf[pl.ds(ebase + i * (2 * L), L)]
        v1 = buf[pl.ds(ebase + i * (2 * L) + L, L)]
        f0 = jnp.minimum(f0, jnp.where(v0 == m, iv, big))
        f1 = jnp.minimum(f1, jnp.where(v1 == m, iv + L, big))
        return f0, f1, iv + 2 * L

    f0, f1, _ = lax.fori_loop(0, KV // 2, it3, (big, big, lane + ebase),
                              unroll=2)
    return m, _bfly(jnp.minimum(f0, f1), jnp.minimum)


def _sc_body(x_hbm, outv_hbm, outi_hbm, buf0, buf1, resv, resi, sem0, sem1):
    cid = lax.axis_index("c")
    sid = lax.axis_index("s")
    wid = sid * NC + cid
    r0 = wid * RPW

    bufs = (buf0, buf1)
    sems = (sem0, sem1)

    cps = [pltpu.async_copy(x_hbm.at[r0 + j].at[pl.ds(0, CS)], bufs[j],
                            sems[j])
           for j in range(2)]
    for j in range(RPW):
        b = j % 2
        cps[b].wait()
        m, amax = _scan_row(bufs[b])
        if j + 2 < RPW:
            cps[b] = pltpu.async_copy(x_hbm.at[r0 + j + 2].at[pl.ds(0, CS)],
                                      bufs[b], sems[b])
        resv[j, :] = m
        resi[j, :] = amax

    pltpu.sync_copy(resv, outv_hbm.at[wid])
    pltpu.sync_copy(resi, outi_hbm.at[wid])


def _merge_body(scv_ref, sci_ref, tcv_ref, tci_ref, out_ref):
    scv = scv_ref[...][:, 0]
    sci = sci_ref[...][:, 0]
    gt = scv >= tcv_ref[...]
    out_ref[...] = jnp.where(gt, sci, tci_ref[...] + CS)


def _tc_body(x_ref, vout_ref, iout_ref, bestv, besti):
    step = pl.program_id(0)
    blk = x_ref[...]
    bv = jnp.max(blk, axis=1)
    ii = lax.broadcasted_iota(jnp.int32, blk.shape, 1)
    bi = jnp.min(jnp.where(blk == bv[:, None], ii, TCW), axis=1) + step * TCW

    @pl.when(step == 0)
    def _():
        bestv[...] = bv
        besti[...] = bi

    @pl.when(step > 0)
    def _():
        gt = bv > bestv[...]
        bestv[...] = jnp.where(gt, bv, bestv[...])
        besti[...] = jnp.where(gt, bi, besti[...])

    @pl.when(step == NCHUNK - 1)
    def _():
        vout_ref[...] = bestv[...]
        iout_ref[...] = besti[...]


@jax.jit
def _argmax_hybrid(x):
    mesh = plsc.VectorSubcoreMesh(core_axis_name="c", subcore_axis_name="s")
    sc_k = pl.kernel(
        _sc_body,
        mesh=mesh,
        out_type=(
            jax.ShapeDtypeStruct((NW, RPW, L), jnp.float32),
            jax.ShapeDtypeStruct((NW, RPW, L), jnp.int32),
        ),
        scratch_types=[
            pltpu.VMEM((CS,), jnp.float32),
            pltpu.VMEM((CS,), jnp.float32),
            pltpu.VMEM((RPW, L), jnp.float32),
            pltpu.VMEM((RPW, L), jnp.int32),
            pltpu.SemaphoreType.DMA,
            pltpu.SemaphoreType.DMA,
        ],
    )
    sc_v, sc_i = sc_k(x)

    tc_v, tc_i = pl.pallas_call(
        _tc_body,
        grid=(NCHUNK,),
        in_specs=[pl.BlockSpec((R, TCW), lambda i: (0, i + CS // TCW))],
        out_specs=[pl.BlockSpec((R,), lambda i: (0,)),
                   pl.BlockSpec((R,), lambda i: (0,))],
        out_shape=[jax.ShapeDtypeStruct((R,), jnp.float32),
                   jax.ShapeDtypeStruct((R,), jnp.int32)],
        scratch_shapes=[pltpu.VMEM((R,), jnp.float32),
                        pltpu.VMEM((R,), jnp.int32)],
        compiler_params=pltpu.CompilerParams(
            dimension_semantics=("arbitrary",)),
    )(x)

    return pl.pallas_call(
        _merge_body,
        out_shape=jax.ShapeDtypeStruct((R,), jnp.int32),
    )(sc_v.reshape(R, L), sc_i.reshape(R, L), tc_v, tc_i)


def kernel(x):
    return _argmax_hybrid(x)

# --- scband reference (transcript-rebuilt; emitter-appended) ---
"""Pipeline reference for scband-model-new-73315091744158 (READ-ONLY COPY).

The authoritative reference and input builder live on the scoring server;
editing this copy changes nothing except your own understanding.
"""

import jax, jax.numpy as jnp
import numpy as np


def setup_inputs(seed: int = 0) -> dict:
    key = jax.random.key(seed)
    x = jax.random.normal(key, (128, 32768), dtype=jnp.float32)
    return {"x": x}


def reference(x):
    # Faithful translation of the custom CUDA argmax kernel: argmax over dim=1,
    # returning int32 indices (kernel writes int output).
    return jnp.argmax(x, axis=1).astype(jnp.int32)

if __name__ == "__main__":
    import jax
    _d = setup_inputs()
    print(jax.jit(kernel)(*tuple(_d.values())))

</pallas_src>

<mosaic_0001>
#map = affine_map<(d0, d1) -> (0, 0)>
#map1 = affine_map<(d0, d1) -> (0, 0, 0)>
module attributes {stable_mosaic.version = 14 : i64} {
  func.func @_sc_body(%arg0: i32, %arg1: i32, %arg2: memref<128x32768xf32, #tpu.memory_space<hbm>>, %arg3: memref<32x4x16xf32, #tpu.memory_space<hbm>>, %arg4: memref<32x4x16xi32, #tpu.memory_space<hbm>>, %arg5: memref<8192xf32, #tpu.memory_space<vmem>>, %arg6: memref<8192xf32, #tpu.memory_space<vmem>>, %arg7: memref<4x16xf32, #tpu.memory_space<vmem>>, %arg8: memref<4x16xi32, #tpu.memory_space<vmem>>, %arg9: memref<!tpu.dma_semaphore, #tpu.memory_space<semaphore_mem>>, %arg10: memref<!tpu.dma_semaphore, #tpu.memory_space<semaphore_mem>>) attributes {dimension_semantics = [#tpu.dimension_semantics<core_parallel>, #tpu.dimension_semantics<subcore_parallel>], iteration_bounds = array<i64: 2, 16>, scalar_prefetch = 0 : i64, scratch_operands = 6 : i64, tpu.core_type = #tpu.core_type<sc_vector_subcore>, window_params = [{transform_indices = #map}, {transform_indices = #map1}, {transform_indices = #map1}]} {
    %mul3A = arith.constant 2 : i32
    %mul3A_0 = arith.muli %arg1, %mul3A : i32
    %add3A = arith.addi %mul3A_0, %arg0 : i32
    %mul3A_1 = arith.constant 4 : i32
    %mul3A_2 = arith.muli %add3A, %mul3A_1 : i32
    %add3A_3 = arith.constant 0 : i32
    %add3A_4 = arith.addi %mul3A_2, %add3A_3 : i32
    %dma_start3A = arith.constant 0 : i32
    %dma_start3A_5 = tpu.memref_slice %arg2[%add3A_4, %dma_start3A] : memref<128x32768xf32, #tpu.memory_space<hbm>> -> memref<1x32768xf32, #tpu.memory_space<hbm>>
    %dma_start3A_6 = tpu.memref_squeeze %dma_start3A_5 : memref<1x32768xf32, #tpu.memory_space<hbm>> -> memref<32768xf32, #tpu.memory_space<hbm>>
    %dma_start3A_7 = arith.constant 0 : i32
    %dma_start3A_8 = tpu.memref_slice %dma_start3A_6[%dma_start3A_7] : memref<32768xf32, #tpu.memory_space<hbm>> -> memref<8192xf32, #tpu.memory_space<hbm>>
    %dma_start3A_9 = arith.constant 0 : i32
    %dma_start3A_10 = tpu.memref_slice %arg2[%add3A_4, %dma_start3A_9] : memref<128x32768xf32, #tpu.memory_space<hbm>> -> memref<1x32768xf32, #tpu.memory_space<hbm>>
    %dma_start3A_11 = tpu.memref_squeeze %dma_start3A_10 : memref<1x32768xf32, #tpu.memory_space<hbm>> -> memref<32768xf32, #tpu.memory_space<hbm>>
    %dma_start3A_12 = arith.constant 0 : i32
    %dma_start3A_13 = tpu.memref_slice %dma_start3A_11[%dma_start3A_12] : memref<32768xf32, #tpu.memory_space<hbm>> -> memref<8192xf32, #tpu.memory_space<hbm>>
    tpu.enqueue_dma source(%dma_start3A_13 : memref<8192xf32, #tpu.memory_space<hbm>>) target(%arg5 : memref<8192xf32, #tpu.memory_space<vmem>>) target_semaphore(%arg9 : memref<!tpu.dma_semaphore, #tpu.memory_space<semaphore_mem>>)
    %add3A_14 = arith.constant 1 : i32
    %add3A_15 = arith.addi %mul3A_2, %add3A_14 : i32
    %dma_start3A_16 = arith.constant 0 : i32
    %dma_start3A_17 = tpu.memref_slice %arg2[%add3A_15, %dma_start3A_16] : memref<128x32768xf32, #tpu.memory_space<hbm>> -> memref<1x32768xf32, #tpu.memory_space<hbm>>
    %dma_start3A_18 = tpu.memref_squeeze %dma_start3A_17 : memref<1x32768xf32, #tpu.memory_space<hbm>> -> memref<32768xf32, #tpu.memory_space<hbm>>
    %dma_start3A_19 = arith.constant 0 : i32
    %dma_start3A_20 = tpu.memref_slice %dma_start3A_18[%dma_start3A_19] : memref<32768xf32, #tpu.memory_space<hbm>> -> memref<8192xf32, #tpu.memory_space<hbm>>
    %dma_start3A_21 = arith.constant 0 : i32
    %dma_start3A_22 = tpu.memref_slice %arg2[%add3A_15, %dma_start3A_21] : memref<128x32768xf32, #tpu.memory_space<hbm>> -> memref<1x32768xf32, #tpu.memory_space<hbm>>
    %dma_start3A_23 = tpu.memref_squeeze %dma_start3A_22 : memref<1x32768xf32, #tpu.memory_space<hbm>> -> memref<32768xf32, #tpu.memory_space<hbm>>
    %dma_start3A_24 = arith.constant 0 : i32
    %dma_start3A_25 = tpu.memref_slice %dma_start3A_23[%dma_start3A_24] : memref<32768xf32, #tpu.memory_space<hbm>> -> memref<8192xf32, #tpu.memory_space<hbm>>
    tpu.enqueue_dma source(%dma_start3A_25 : memref<8192xf32, #tpu.memory_space<hbm>>) target(%arg6 : memref<8192xf32, #tpu.memory_space<vmem>>) target_semaphore(%arg10 : memref<!tpu.dma_semaphore, #tpu.memory_space<semaphore_mem>>)
    %dma_wait3A = arith.constant 0 : i32
    %dma_wait3A_26 = tpu.memref_slice %arg2[%add3A_4, %dma_wait3A] : memref<128x32768xf32, #tpu.memory_space<hbm>> -> memref<1x32768xf32, #tpu.memory_space<hbm>>
    %dma_wait3A_27 = tpu.memref_squeeze %dma_wait3A_26 : memref<1x32768xf32, #tpu.memory_space<hbm>> -> memref<32768xf32, #tpu.memory_space<hbm>>
    %dma_wait3A_28 = arith.constant 0 : i32
    %dma_wait3A_29 = tpu.memref_slice %dma_wait3A_27[%dma_wait3A_28] : memref<32768xf32, #tpu.memory_space<hbm>> -> memref<8192xf32, #tpu.memory_space<hbm>>
    %dma_wait3A_30 = arith.constant 0 : i32
    %dma_wait3A_31 = tpu.memref_slice %arg2[%add3A_4, %dma_wait3A_30] : memref<128x32768xf32, #tpu.memory_space<hbm>> -> memref<1x32768xf32, #tpu.memory_space<hbm>>
    %dma_wait3A_32 = tpu.memref_squeeze %dma_wait3A_31 : memref<1x32768xf32, #tpu.memory_space<hbm>> -> memref<32768xf32, #tpu.memory_space<hbm>>
    %dma_wait3A_33 = arith.constant 0 : i32
    %dma_wait3A_34 = tpu.memref_slice %dma_wait3A_32[%dma_wait3A_33] : memref<32768xf32, #tpu.memory_space<hbm>> -> memref<8192xf32, #tpu.memory_space<hbm>>
    tpu.wait_dma2 semaphore(%arg9 : memref<!tpu.dma_semaphore, #tpu.memory_space<semaphore_mem>>) src(%dma_wait3A_34 : memref<8192xf32, #tpu.memory_space<hbm>>) dst(%arg5 : memref<8192xf32, #tpu.memory_space<vmem>>)
    %iota3A = tpu.iota {dimensions = array<i32: 0>} : vector<16xi32>
    %broadcast_in_dim3A = arith.constant 0xFF800000 : f32
    %broadcast_in_dim3A_35 = vector.broadcast %broadcast_in_dim3A : f32 to vector<16xf32>
    %broadcast_in_dim3A_36 = arith.constant 32768 : i32
    %broadcast_in_dim3A_37 = vector.broadcast %broadcast_in_dim3A_36 : i32 to vector<16xi32>
    %broadcast_in_dim3A_38 = arith.constant 0 : i32
    %broadcast_in_dim3A_39 = vector.broadcast %broadcast_in_dim3A_38 : i32 to vector<16xi32>
    %scan3A = arith.constant 0 : i32
    %scan3A_40 = arith.constant 8 : i32
    %scan3A_41 = arith.addi %scan3A, %scan3A_40 : i32
    %scan3A_42 = arith.constant 1 : i32
    %scan3A_43:2 = scf.for %scan3A_596 = %scan3A to %scan3A_41 step %scan3A_42 iter_args(%scan3A_597 = %broadcast_in_dim3A_35, %scan3A_598 = %broadcast_in_dim3A_39) -> (vector<16xf32>, vector<16xi32>)  : i32 {
      %mul3A_599 = arith.constant 1024 : i32
      %mul3A_600 = arith.muli %scan3A_596, %mul3A_599 : i32
      %scan3A_601 = arith.constant 0 : i32
      %scan3A_602 = arith.constant 16 : i32
      %scan3A_603 = arith.addi %scan3A_601, %scan3A_602 : i32
      %scan3A_604 = arith.constant 4 : i32
      %scan3A_605:4 = scf.for %scan3A_613 = %scan3A_601 to %scan3A_603 step %scan3A_604 iter_args(%scan3A_614 = %broadcast_in_dim3A_35, %scan3A_615 = %broadcast_in_dim3A_35, %scan3A_616 = %broadcast_in_dim3A_35, %scan3A_617 = %broadcast_in_dim3A_35) -> (vector<16xf32>, vector<16xf32>, vector<16xf32>, vector<16xf32>)  : i32 {
        %mul3A_618 = arith.constant 64 : i32
        %mul3A_619 = arith.muli %scan3A_613, %mul3A_618 : i32
        %add3A_620 = arith.addi %mul3A_600, %mul3A_619 : i32
        %add3A_621 = arith.constant 0 : i32
        %add3A_622 = arith.addi %add3A_620, %add3A_621 : i32
        %get3A = arith.index_cast %add3A_622 : i32 to index
        %get3A_623 = tpu.vector_load %arg5[%get3A] {strides = array<i32>} : memref<8192xf32, #tpu.memory_space<vmem>>, vector<16xf32>,
        %get3A_624 = vector.shape_cast %get3A_623 : vector<16xf32> to vector<16xf32>
        %add3A_625 = arith.constant 16 : i32
        %add3A_626 = arith.addi %add3A_620, %add3A_625 : i32
        %get3A_627 = arith.index_cast %add3A_626 : i32 to index
        %get3A_628 = tpu.vector_load %arg5[%get3A_627] {strides = array<i32>} : memref<8192xf32, #tpu.memory_space<vmem>>, vector<16xf32>,
        %get3A_629 = vector.shape_cast %get3A_628 : vector<16xf32> to vector<16xf32>
        %add3A_630 = arith.constant 32 : i32
        %add3A_631 = arith.addi %add3A_620, %add3A_630 : i32
        %get3A_632 = arith.index_cast %add3A_631 : i32 to index
        %get3A_633 = tpu.vector_load %arg5[%get3A_632] {strides = array<i32>} : memref<8192xf32, #tpu.memory_space<vmem>>, vector<16xf32>,
        %get3A_634 = vector.shape_cast %get3A_633 : vector<16xf32> to vector<16xf32>
        %add3A_635 = arith.constant 48 : i32
        %add3A_636 = arith.addi %add3A_620, %add3A_635 : i32
        %get3A_637 = arith.index_cast %add3A_636 : i32 to index
        %get3A_638 = tpu.vector_load %arg5[%get3A_637] {strides = array<i32>} : memref<8192xf32, #tpu.memory_space<vmem>>, vector<16xf32>,
        %get3A_639 = vector.shape_cast %get3A_638 : vector<16xf32> to vector<16xf32>
        %max3A_640 = arith.maximumf %scan3A_614, %get3A_624 : vector<16xf32>
        %max3A_641 = arith.maximumf %scan3A_615, %get3A_629 : vector<16xf32>
        %max3A_642 = arith.maximumf %scan3A_616, %get3A_634 : vector<16xf32>
        %max3A_643 = arith.maximumf %scan3A_617, %get3A_639 : vector<16xf32>
        %scan3A_644 = arith.constant 1 : i32
        %scan3A_645 = arith.addi %scan3A_613, %scan3A_644 : i32
        %mul3A_646 = arith.constant 64 : i32
        %mul3A_647 = arith.muli %scan3A_645, %mul3A_646 : i32
        %add3A_648 = arith.addi %mul3A_600, %mul3A_647 : i32
        %add3A_649 = arith.constant 0 : i32
        %add3A_650 = arith.addi %add3A_648, %add3A_649 : i32
        %get3A_651 = arith.index_cast %add3A_650 : i32 to index
        %get3A_652 = tpu.vector_load %arg5[%get3A_651] {strides = array<i32>} : memref<8192xf32, #tpu.memory_space<vmem>>, vector<16xf32>,
        %get3A_653 = vector.shape_cast %get3A_652 : vector<16xf32> to vector<16xf32>
        %add3A_654 = arith.constant 16 : i32
        %add3A_655 = arith.addi %add3A_648, %add3A_654 : i32
        %get3A_656 = arith.index_cast %add3A_655 : i32 to index
        %get3A_657 = tpu.vector_load %arg5[%get3A_656] {strides = array<i32>} : memref<8192xf32, #tpu.memory_space<vmem>>, vector<16xf32>,
        %get3A_658 = vector.shape_cast %get3A_657 : vector<16xf32> to vector<16xf32>
        %add3A_659 = arith.constant 32 : i32
        %add3A_660 = arith.addi %add3A_648, %add3A_659 : i32
        %get3A_661 = arith.index_cast %add3A_660 : i32 to index
        %get3A_662 = tpu.vector_load %arg5[%get3A_661] {strides = array<i32>} : memref<8192xf32, #tpu.memory_space<vmem>>, vector<16xf32>,
        %get3A_663 = vector.shape_cast %get3A_662 : vector<16xf32> to vector<16xf32>
        %add3A_664 = arith.constant 48 : i32
        %add3A_665 = arith.addi %add3A_648, %add3A_664 : i32
        %get3A_666 = arith.index_cast %add3A_665 : i32 to index
        %get3A_667 = tpu.vector_load %arg5[%get3A_666] {strides = array<i32>} : memref<8192xf32, #tpu.memory_space<vmem>>, vector<16xf32>,
        %get3A_668 = vector.shape_cast %get3A_667 : vector<16xf32> to vector<16xf32>
        %max3A_669 = arith.maximumf %max3A_640, %get3A_653 : vector<16xf32>
        %max3A_670 = arith.maximumf %max3A_641, %get3A_658 : vector<16xf32>
        %max3A_671 = arith.maximumf %max3A_642, %get3A_663 : vector<16xf32>
        %max3A_672 = arith.maximumf %max3A_643, %get3A_668 : vector<16xf32>
        %scan3A_673 = arith.constant 2 : i32
        %scan3A_674 = arith.addi %scan3A_613, %scan3A_673 : i32
        %mul3A_675 = arith.constant 64 : i32
        %mul3A_676 = arith.muli %scan3A_674, %mul3A_675 : i32
        %add3A_677 = arith.addi %mul3A_600, %mul3A_676 : i32
        %add3A_678 = arith.constant 0 : i32
        %add3A_679 = arith.addi %add3A_677, %add3A_678 : i32
        %get3A_680 = arith.index_cast %add3A_679 : i32 to index
        %get3A_681 = tpu.vector_load %arg5[%get3A_680] {strides = array<i32>} : memref<8192xf32, #tpu.memory_space<vmem>>, vector<16xf32>,
        %get3A_682 = vector.shape_cast %get3A_681 : vector<16xf32> to vector<16xf32>
        %add3A_683 = arith.constant 16 : i32
        %add3A_684 = arith.addi %add3A_677, %add3A_683 : i32
        %get3A_685 = arith.index_cast %add3A_684 : i32 to index
        %get3A_686 = tpu.vector_load %arg5[%get3A_685] {strides = array<i32>} : memref<8192xf32, #tpu.memory_space<vmem>>, vector<16xf32>,
        %get3A_687 = vector.shape_cast %get3A_686 : vector<16xf32> to vector<16xf32>
        %add3A_688 = arith.constant 32 : i32
        %add3A_689 = arith.addi %add3A_677, %add3A_688 : i32
        %get3A_690 = arith.index_cast %add3A_689 : i32 to index
        %get3A_691 = tpu.vector_load %arg5[%get3A_690] {strides = array<i32>} : memref<8192xf32, #tpu.memory_space<vmem>>, vector<16xf32>,
        %get3A_692 = vector.shape_cast %get3A_691 : vector<16xf32> to vector<16xf32>
        %add3A_693 = arith.constant 48 : i32
        %add3A_694 = arith.addi %add3A_677, %add3A_693 : i32
        %get3A_695 = arith.index_cast %add3A_694 : i32 to index
        %get3A_696 = tpu.vector_load %arg5[%get3A_695] {strides = array<i32>} : memref<8192xf32, #tpu.memory_space<vmem>>, vector<16xf32>,
        %get3A_697 = vector.shape_cast %get3A_696 : vector<16xf32> to vector<16xf32>
        %max3A_698 = arith.maximumf %max3A_669, %get3A_682 : vector<16xf32>
        %max3A_699 = arith.maximumf %max3A_670, %get3A_687 : vector<16xf32>
        %max3A_700 = arith.maximumf %max3A_671, %get3A_692 : vector<16xf32>
        %max3A_701 = arith.maximumf %max3A_672, %get3A_697 : vector<16xf32>
        %scan3A_702 = arith.constant 3 : i32
        %scan3A_703 = arith.addi %scan3A_613, %scan3A_702 : i32
        %mul3A_704 = arith.constant 64 : i32
        %mul3A_705 = arith.muli %scan3A_703, %mul3A_704 : i32
        %add3A_706 = arith.addi %mul3A_600, %mul3A_705 : i32
        %add3A_707 = arith.constant 0 : i32
        %add3A_708 = arith.addi %add3A_706, %add3A_707 : i32
        %get3A_709 = arith.index_cast %add3A_708 : i32 to index
        %get3A_710 = tpu.vector_load %arg5[%get3A_709] {strides = array<i32>} : memref<8192xf32, #tpu.memory_space<vmem>>, vector<16xf32>,
        %get3A_711 = vector.shape_cast %get3A_710 : vector<16xf32> to vector<16xf32>
        %add3A_712 = arith.constant 16 : i32
        %add3A_713 = arith.addi %add3A_706, %add3A_712 : i32
        %get3A_714 = arith.index_cast %add3A_713 : i32 to index
        %get3A_715 = tpu.vector_load %arg5[%get3A_714] {strides = array<i32>} : memref<8192xf32, #tpu.memory_space<vmem>>, vector<16xf32>,
        %get3A_716 = vector.shape_cast %get3A_715 : vector<16xf32> to vector<16xf32>
        %add3A_717 = arith.constant 32 : i32
        %add3A_718 = arith.addi %add3A_706, %add3A_717 : i32
        %get3A_719 = arith.index_cast %add3A_718 : i32 to index
        %get3A_720 = tpu.vector_load %arg5[%get3A_719] {strides = array<i32>} : memref<8192xf32, #tpu.memory_space<vmem>>, vector<16xf32>,
        %get3A_721 = vector.shape_cast %get3A_720 : vector<16xf32> to vector<16xf32>
        %add3A_722 = arith.constant 48 : i32
        %add3A_723 = arith.addi %add3A_706, %add3A_722 : i32
        %get3A_724 = arith.index_cast %add3A_723 : i32 to index
        %get3A_725 = tpu.vector_load %arg5[%get3A_724] {strides = array<i32>} : memref<8192xf32, #tpu.memory_space<vmem>>, vector<16xf32>,
        %get3A_726 = vector.shape_cast %get3A_725 : vector<16xf32> to vector<16xf32>
        %max3A_727 = arith.maximumf %max3A_698, %get3A_711 : vector<16xf32>
        %max3A_728 = arith.maximumf %max3A_699, %get3A_716 : vector<16xf32>
        %max3A_729 = arith.maximumf %max3A_700, %get3A_721 : vector<16xf32>
        %max3A_730 = arith.maximumf %max3A_701, %get3A_726 : vector<16xf32>
        scf.yield %max3A_727, %max3A_728, %max3A_729, %max3A_730 : vector<16xf32>, vector<16xf32>, vector<16xf32>, vector<16xf32>
      }
      %scan3A_606 = arith.constant 16 : i32
      %max3A_607 = arith.maximumf %scan3A_605#0, %scan3A_605#1 : vector<16xf32>
      %max3A_608 = arith.maximumf %scan3A_605#2, %scan3A_605#3 : vector<16xf32>
      %max3A_609 = arith.maximumf %max3A_607, %max3A_608 : vector<16xf32>
      %gt3A = arith.cmpf ogt, %max3A_609, %scan3A_597 : vector<16xf32>
      %select_n3A_610 = arith.select %gt3A, %max3A_609, %scan3A_597 : vector<16xi1>, vector<16xf32>
      %broadcast_in_dim3A_611 = vector.broadcast %scan3A_596 : i32 to vector<16xi32>
      %select_n3A_612 = arith.select %gt3A, %broadcast_in_dim3A_611, %scan3A_598 : vector<16xi1>, vector<16xi32>
      scf.yield %select_n3A_610, %select_n3A_612 : vector<16xf32>, vector<16xi32>
    }
    %scan3A_44 = arith.constant 8 : i32
    %iota3A_45 = tpu.iota {dimensions = array<i32: 0>} : vector<16xi32>
    %xor3A = arith.constant 8 : i32
    %xor3A_46 = vector.broadcast %xor3A : i32 to vector<16xi32>
    %xor3A_47 = arith.xori %iota3A_45, %xor3A_46 : vector<16xi32>
    %broadcast_in_dim3A_48 = vector.shape_cast %xor3A_47 : vector<16xi32> to vector<16x1xi32>
    %gather3A = vector.shape_cast %broadcast_in_dim3A_48 : vector<16x1xi32> to vector<16xi32>
    %gather3A_49 = tpu.dynamic_gather %scan3A_43#0[%gather3A] in [0] : vector<16xf32>, vector<16xi32> -> vector<16xf32>
    %max3A = arith.maximumf %scan3A_43#0, %gather3A_49 : vector<16xf32>
    %xor3A_50 = arith.constant 4 : i32
    %xor3A_51 = vector.broadcast %xor3A_50 : i32 to vector<16xi32>
    %xor3A_52 = arith.xori %iota3A_45, %xor3A_51 : vector<16xi32>
    %broadcast_in_dim3A_53 = vector.shape_cast %xor3A_52 : vector<16xi32> to vector<16x1xi32>
    %gather3A_54 = vector.shape_cast %broadcast_in_dim3A_53 : vector<16x1xi32> to vector<16xi32>
    %gather3A_55 = tpu.dynamic_gather %max3A[%gather3A_54] in [0] : vector<16xf32>, vector<16xi32> -> vector<16xf32>
    %max3A_56 = arith.maximumf %max3A, %gather3A_55 : vector<16xf32>
    %xor3A_57 = arith.constant 2 : i32
    %xor3A_58 = vector.broadcast %xor3A_57 : i32 to vector<16xi32>
    %xor3A_59 = arith.xori %iota3A_45, %xor3A_58 : vector<16xi32>
    %broadcast_in_dim3A_60 = vector.shape_cast %xor3A_59 : vector<16xi32> to vector<16x1xi32>
    %gather3A_61 = vector.shape_cast %broadcast_in_dim3A_60 : vector<16x1xi32> to vector<16xi32>
    %gather3A_62 = tpu.dynamic_gather %max3A_56[%gather3A_61] in [0] : vector<16xf32>, vector<16xi32> -> vector<16xf32>
    %max3A_63 = arith.maximumf %max3A_56, %gather3A_62 : vector<16xf32>
    %xor3A_64 = arith.constant 1 : i32
    %xor3A_65 = vector.broadcast %xor3A_64 : i32 to vector<16xi32>
    %xor3A_66 = arith.xori %iota3A_45, %xor3A_65 : vector<16xi32>
    %broadcast_in_dim3A_67 = vector.shape_cast %xor3A_66 : vector<16xi32> to vector<16x1xi32>
    %gather3A_68 = vector.shape_cast %broadcast_in_dim3A_67 : vector<16x1xi32> to vector<16xi32>
    %gather3A_69 = tpu.dynamic_gather %max3A_63[%gather3A_68] in [0] : vector<16xf32>, vector<16xi32> -> vector<16xf32>
    %max3A_70 = arith.maximumf %max3A_63, %gather3A_69 : vector<16xf32>
    %eq3A = arith.cmpf oeq, %scan3A_43#0, %max3A_70 : vector<16xf32>
    %jit3A = arith.constant 8 : i32
    %broadcast_in_dim3A_71 = vector.broadcast %jit3A : i32 to vector<16xi32>
    %select_n3A = arith.select %eq3A, %scan3A_43#1, %broadcast_in_dim3A_71 : vector<16xi1>, vector<16xi32>
    %iota3A_72 = tpu.iota {dimensions = array<i32: 0>} : vector<16xi32>
    %xor3A_73 = arith.constant 8 : i32
    %xor3A_74 = vector.broadcast %xor3A_73 : i32 to vector<16xi32>
    %xor3A_75 = arith.xori %iota3A_72, %xor3A_74 : vector<16xi32>
    %broadcast_in_dim3A_76 = vector.shape_cast %xor3A_75 : vector<16xi32> to vector<16x1xi32>
    %gather3A_77 = vector.shape_cast %broadcast_in_dim3A_76 : vector<16x1xi32> to vector<16xi32>
    %gather3A_78 = tpu.dynamic_gather %select_n3A[%gather3A_77] in [0] : vector<16xi32>, vector<16xi32> -> vector<16xi32>
    %min3A = arith.minsi %select_n3A, %gather3A_78 : vector<16xi32>
    %xor3A_79 = arith.constant 4 : i32
    %xor3A_80 = vector.broadcast %xor3A_79 : i32 to vector<16xi32>
    %xor3A_81 = arith.xori %iota3A_72, %xor3A_80 : vector<16xi32>
    %broadcast_in_dim3A_82 = vector.shape_cast %xor3A_81 : vector<16xi32> to vector<16x1xi32>
    %gather3A_83 = vector.shape_cast %broadcast_in_dim3A_82 : vector<16x1xi32> to vector<16xi32>
    %gather3A_84 = tpu.dynamic_gather %min3A[%gather3A_83] in [0] : vector<16xi32>, vector<16xi32> -> vector<16xi32>
    %min3A_85 = arith.minsi %min3A, %gather3A_84 : vector<16xi32>
    %xor3A_86 = arith.constant 2 : i32
    %xor3A_87 = vector.broadcast %xor3A_86 : i32 to vector<16xi32>
    %xor3A_88 = arith.xori %iota3A_72, %xor3A_87 : vector<16xi32>
    %broadcast_in_dim3A_89 = vector.shape_cast %xor3A_88 : vector<16xi32> to vector<16x1xi32>
    %gather3A_90 = vector.shape_cast %broadcast_in_dim3A_89 : vector<16x1xi32> to vector<16xi32>
    %gather3A_91 = tpu.dynamic_gather %min3A_85[%gather3A_90] in [0] : vector<16xi32>, vector<16xi32> -> vector<16xi32>
    %min3A_92 = arith.minsi %min3A_85, %gather3A_91 : vector<16xi32>
    %xor3A_93 = arith.constant 1 : i32
    %xor3A_94 = vector.broadcast %xor3A_93 : i32 to vector<16xi32>
    %xor3A_95 = arith.xori %iota3A_72, %xor3A_94 : vector<16xi32>
    %broadcast_in_dim3A_96 = vector.shape_cast %xor3A_95 : vector<16xi32> to vector<16x1xi32>
    %gather3A_97 = vector.shape_cast %broadcast_in_dim3A_96 : vector<16x1xi32> to vector<16xi32>
    %gather3A_98 = tpu.dynamic_gather %min3A_92[%gather3A_97] in [0] : vector<16xi32>, vector<16xi32> -> vector<16xi32>
    %min3A_99 = arith.minsi %min3A_92, %gather3A_98 : vector<16xi32>
    %slice3A = vector.extract_strided_slice %min3A_99 {offsets = [0], sizes = [1], strides = [1]} : vector<16xi32> to vector<1xi32>
    %squeeze3A = vector.extract %slice3A[0] : i32 from vector<1xi32>
    %mul3A_100 = arith.constant 1024 : i32
    %mul3A_101 = arith.muli %squeeze3A, %mul3A_100 : i32
    %add3A_102 = vector.broadcast %mul3A_101 : i32 to vector<16xi32>
    %add3A_103 = arith.addi %iota3A, %add3A_102 : vector<16xi32>
    %scan3A_104 = arith.constant 0 : i32
    %scan3A_105 = arith.constant 32 : i32
    %scan3A_106 = arith.addi %scan3A_104, %scan3A_105 : i32
    %scan3A_107 = arith.constant 2 : i32
    %scan3A_108:3 = scf.for %scan3A_596 = %scan3A_104 to %scan3A_106 step %scan3A_107 iter_args(%scan3A_597 = %broadcast_in_dim3A_37, %scan3A_598 = %broadcast_in_dim3A_37, %scan3A_599 = %add3A_103) -> (vector<16xi32>, vector<16xi32>, vector<16xi32>)  : i32 {
      %mul3A_600 = arith.constant 32 : i32
      %mul3A_601 = arith.muli %scan3A_596, %mul3A_600 : i32
      %add3A_602 = arith.addi %mul3A_101, %mul3A_601 : i32
      %get3A = arith.index_cast %add3A_602 : i32 to index
      %get3A_603 = tpu.vector_load %arg5[%get3A] {strides = array<i32>} : memref<8192xf32, #tpu.memory_space<vmem>>, vector<16xf32>,
      %get3A_604 = vector.shape_cast %get3A_603 : vector<16xf32> to vector<16xf32>
      %mul3A_605 = arith.constant 32 : i32
      %mul3A_606 = arith.muli %scan3A_596, %mul3A_605 : i32
      %add3A_607 = arith.addi %mul3A_101, %mul3A_606 : i32
      %add3A_608 = arith.constant 16 : i32
      %add3A_609 = arith.addi %add3A_607, %add3A_608 : i32
      %get3A_610 = arith.index_cast %add3A_609 : i32 to index
      %get3A_611 = tpu.vector_load %arg5[%get3A_610] {strides = array<i32>} : memref<8192xf32, #tpu.memory_space<vmem>>, vector<16xf32>,
      %get3A_612 = vector.shape_cast %get3A_611 : vector<16xf32> to vector<16xf32>
      %eq3A_613 = arith.cmpf oeq, %get3A_604, %max3A_70 : vector<16xf32>
      %select_n3A_614 = arith.select %eq3A_613, %scan3A_599, %broadcast_in_dim3A_37 : vector<16xi1>, vector<16xi32>
      %min3A_615 = arith.minsi %scan3A_597, %select_n3A_614 : vector<16xi32>
      %eq3A_616 = arith.cmpf oeq, %get3A_612, %max3A_70 : vector<16xf32>
      %add3A_617 = arith.constant 16 : i32
      %add3A_618 = vector.broadcast %add3A_617 : i32 to vector<16xi32>
      %add3A_619 = arith.addi %scan3A_599, %add3A_618 : vector<16xi32>
      %select_n3A_620 = arith.select %eq3A_616, %add3A_619, %broadcast_in_dim3A_37 : vector<16xi1>, vector<16xi32>
      %min3A_621 = arith.minsi %scan3A_598, %select_n3A_620 : vector<16xi32>
      %add3A_622 = arith.constant 32 : i32
      %add3A_623 = vector.broadcast %add3A_622 : i32 to vector<16xi32>
      %add3A_624 = arith.addi %scan3A_599, %add3A_623 : vector<16xi32>
      %scan3A_625 = arith.constant 1 : i32
      %scan3A_626 = arith.addi %scan3A_596, %scan3A_625 : i32
      %mul3A_627 = arith.constant 32 : i32
      %mul3A_628 = arith.muli %scan3A_626, %mul3A_627 : i32
      %add3A_629 = arith.addi %mul3A_101, %mul3A_628 : i32
      %get3A_630 = arith.index_cast %add3A_629 : i32 to index
      %get3A_631 = tpu.vector_load %arg5[%get3A_630] {strides = array<i32>} : memref<8192xf32, #tpu.memory_space<vmem>>, vector<16xf32>,
      %get3A_632 = vector.shape_cast %get3A_631 : vector<16xf32> to vector<16xf32>
      %mul3A_633 = arith.constant 32 : i32
      %mul3A_634 = arith.muli %scan3A_626, %mul3A_633 : i32
      %add3A_635 = arith.addi %mul3A_101, %mul3A_634 : i32
      %add3A_636 = arith.constant 16 : i32
      %add3A_637 = arith.addi %add3A_635, %add3A_636 : i32
      %get3A_638 = arith.index_cast %add3A_637 : i32 to index
      %get3A_639 = tpu.vector_load %arg5[%get3A_638] {strides = array<i32>} : memref<8192xf32, #tpu.memory_space<vmem>>, vector<16xf32>,
      %get3A_640 = vector.shape_cast %get3A_639 : vector<16xf32> to vector<16xf32>
      %eq3A_641 = arith.cmpf oeq, %get3A_632, %max3A_70 : vector<16xf32>
      %select_n3A_642 = arith.select %eq3A_641, %add3A_624, %broadcast_in_dim3A_37 : vector<16xi1>, vector<16xi32>
      %min3A_643 = arith.minsi %min3A_615, %select_n3A_642 : vector<16xi32>
      %eq3A_644 = arith.cmpf oeq, %get3A_640, %max3A_70 : vector<16xf32>
      %add3A_645 = arith.constant 16 : i32
      %add3A_646 = vector.broadcast %add3A_645 : i32 to vector<16xi32>
      %add3A_647 = arith.addi %add3A_624, %add3A_646 : vector<16xi32>
      %select_n3A_648 = arith.select %eq3A_644, %add3A_647, %broadcast_in_dim3A_37 : vector<16xi1>, vector<16xi32>
      %min3A_649 = arith.minsi %min3A_621, %select_n3A_648 : vector<16xi32>
      %add3A_650 = arith.constant 32 : i32
      %add3A_651 = vector.broadcast %add3A_650 : i32 to vector<16xi32>
      %add3A_652 = arith.addi %add3A_624, %add3A_651 : vector<16xi32>
      scf.yield %min3A_643, %min3A_649, %add3A_652 : vector<16xi32>, vector<16xi32>, vector<16xi32>
    }
    %scan3A_109 = arith.constant 32 : i32
    %min3A_110 = arith.minsi %scan3A_108#0, %scan3A_108#1 : vector<16xi32>
    %iota3A_111 = tpu.iota {dimensions = array<i32: 0>} : vector<16xi32>
    %xor3A_112 = arith.constant 8 : i32
    %xor3A_113 = vector.broadcast %xor3A_112 : i32 to vector<16xi32>
    %xor3A_114 = arith.xori %iota3A_111, %xor3A_113 : vector<16xi32>
    %broadcast_in_dim3A_115 = vector.shape_cast %xor3A_114 : vector<16xi32> to vector<16x1xi32>
    %gather3A_116 = vector.shape_cast %broadcast_in_dim3A_115 : vector<16x1xi32> to vector<16xi32>
    %gather3A_117 = tpu.dynamic_gather %min3A_110[%gather3A_116] in [0] : vector<16xi32>, vector<16xi32> -> vector<16xi32>
    %min3A_118 = arith.minsi %min3A_110, %gather3A_117 : vector<16xi32>
    %xor3A_119 = arith.constant 4 : i32
    %xor3A_120 = vector.broadcast %xor3A_119 : i32 to vector<16xi32>
    %xor3A_121 = arith.xori %iota3A_111, %xor3A_120 : vector<16xi32>
    %broadcast_in_dim3A_122 = vector.shape_cast %xor3A_121 : vector<16xi32> to vector<16x1xi32>
    %gather3A_123 = vector.shape_cast %broadcast_in_dim3A_122 : vector<16x1xi32> to vector<16xi32>
    %gather3A_124 = tpu.dynamic_gather %min3A_118[%gather3A_123] in [0] : vector<16xi32>, vector<16xi32> -> vector<16xi32>
    %min3A_125 = arith.minsi %min3A_118, %gather3A_124 : vector<16xi32>
    %xor3A_126 = arith.constant 2 : i32
    %xor3A_127 = vector.broadcast %xor3A_126 : i32 to vector<16xi32>
    %xor3A_128 = arith.xori %iota3A_111, %xor3A_127 : vector<16xi32>
    %broadcast_in_dim3A_129 = vector.shape_cast %xor3A_128 : vector<16xi32> to vector<16x1xi32>
    %gather3A_130 = vector.shape_cast %broadcast_in_dim3A_129 : vector<16x1xi32> to vector<16xi32>
    %gather3A_131 = tpu.dynamic_gather %min3A_125[%gather3A_130] in [0] : vector<16xi32>, vector<16xi32> -> vector<16xi32>
    %min3A_132 = arith.minsi %min3A_125, %gather3A_131 : vector<16xi32>
    %xor3A_133 = arith.constant 1 : i32
    %xor3A_134 = vector.broadcast %xor3A_133 : i32 to vector<16xi32>
    %xor3A_135 = arith.xori %iota3A_111, %xor3A_134 : vector<16xi32>
    %broadcast_in_dim3A_136 = vector.shape_cast %xor3A_135 : vector<16xi32> to vector<16x1xi32>
    %gather3A_137 = vector.shape_cast %broadcast_in_dim3A_136 : vector<16x1xi32> to vector<16xi32>
    %gather3A_138 = tpu.dynamic_gather %min3A_132[%gather3A_137] in [0] : vector<16xi32>, vector<16xi32> -> vector<16xi32>
    %min3A_139 = arith.minsi %min3A_132, %gather3A_138 : vector<16xi32>
    %add3A_140 = arith.constant 0 : i32
    %add3A_141 = arith.addi %mul3A_2, %add3A_140 : i32
    %add3A_142 = arith.constant 2 : i32
    %add3A_143 = arith.addi %add3A_141, %add3A_142 : i32
    %dma_start3A_144 = arith.constant 0 : i32
    %dma_start3A_145 = tpu.memref_slice %arg2[%add3A_143, %dma_start3A_144] : memref<128x32768xf32, #tpu.memory_space<hbm>> -> memref<1x32768xf32, #tpu.memory_space<hbm>>
    %dma_start3A_146 = tpu.memref_squeeze %dma_start3A_145 : memref<1x32768xf32, #tpu.memory_space<hbm>> -> memref<32768xf32, #tpu.memory_space<hbm>>
    %dma_start3A_147 = arith.constant 0 : i32
    %dma_start3A_148 = tpu.memref_slice %dma_start3A_146[%dma_start3A_147] : memref<32768xf32, #tpu.memory_space<hbm>> -> memref<8192xf32, #tpu.memory_space<hbm>>
    %dma_start3A_149 = arith.constant 0 : i32
    %dma_start3A_150 = tpu.memref_slice %arg2[%add3A_143, %dma_start3A_149] : memref<128x32768xf32, #tpu.memory_space<hbm>> -> memref<1x32768xf32, #tpu.memory_space<hbm>>
    %dma_start3A_151 = tpu.memref_squeeze %dma_start3A_150 : memref<1x32768xf32, #tpu.memory_space<hbm>> -> memref<32768xf32, #tpu.memory_space<hbm>>
    %dma_start3A_152 = arith.constant 0 : i32
    %dma_start3A_153 = tpu.memref_slice %dma_start3A_151[%dma_start3A_152] : memref<32768xf32, #tpu.memory_space<hbm>> -> memref<8192xf32, #tpu.memory_space<hbm>>
    tpu.enqueue_dma source(%dma_start3A_153 : memref<8192xf32, #tpu.memory_space<hbm>>) target(%arg5 : memref<8192xf32, #tpu.memory_space<vmem>>) target_semaphore(%arg9 : memref<!tpu.dma_semaphore, #tpu.memory_space<semaphore_mem>>)
    %swap3A = arith.constant 0 : i32
    %swap3A_154 = arith.index_cast %swap3A : i32 to index
    %swap3A_155 = arith.constant 0 : index
    %swap3A_156 = tpu.vector_load %arg7[%swap3A_154, %swap3A_155] {strides = array<i32>} : memref<4x16xf32, #tpu.memory_space<vmem>>, vector<1x16xf32>,
    %swap3A_157 = vector.shape_cast %swap3A_156 : vector<1x16xf32> to vector<16xf32>
    %swap3A_158 = vector.shape_cast %max3A_70 : vector<16xf32> to vector<1x16xf32>
    tpu.vector_store %arg7[%swap3A_154, %swap3A_155], %swap3A_158 {strides = array<i32>} : memref<4x16xf32, #tpu.memory_space<vmem>>, vector<1x16xf32>,
    %swap3A_159 = arith.constant 0 : i32
    %swap3A_160 = arith.index_cast %swap3A_159 : i32 to index
    %swap3A_161 = arith.constant 0 : index
    %swap3A_162 = tpu.vector_load %arg8[%swap3A_160, %swap3A_161] {strides = array<i32>} : memref<4x16xi32, #tpu.memory_space<vmem>>, vector<1x16xi32>,
    %swap3A_163 = vector.shape_cast %swap3A_162 : vector<1x16xi32> to vector<16xi32>
    %swap3A_164 = vector.shape_cast %min3A_139 : vector<16xi32> to vector<1x16xi32>
    tpu.vector_store %arg8[%swap3A_160, %swap3A_161], %swap3A_164 {strides = array<i32>} : memref<4x16xi32, #tpu.memory_space<vmem>>, vector<1x16xi32>,
    %dma_wait3A_165 = arith.constant 0 : i32
    %dma_wait3A_166 = tpu.memref_slice %arg2[%add3A_15, %dma_wait3A_165] : memref<128x32768xf32, #tpu.memory_space<hbm>> -> memref<1x32768xf32, #tpu.memory_space<hbm>>
    %dma_wait3A_167 = tpu.memref_squeeze %dma_wait3A_166 : memref<1x32768xf32, #tpu.memory_space<hbm>> -> memref<32768xf32, #tpu.memory_space<hbm>>
    %dma_wait3A_168 = arith.constant 0 : i32
    %dma_wait3A_169 = tpu.memref_slice %dma_wait3A_167[%dma_wait3A_168] : memref<32768xf32, #tpu.memory_space<hbm>> -> memref<8192xf32, #tpu.memory_space<hbm>>
    %dma_wait3A_170 = arith.constant 0 : i32
    %dma_wait3A_171 = tpu.memref_slice %arg2[%add3A_15, %dma_wait3A_170] : memref<128x32768xf32, #tpu.memory_space<hbm>> -> memref<1x32768xf32, #tpu.memory_space<hbm>>
    %dma_wait3A_172 = tpu.memref_squeeze %dma_wait3A_171 : memref<1x32768xf32, #tpu.memory_space<hbm>> -> memref<32768xf32, #tpu.memory_space<hbm>>
    %dma_wait3A_173 = arith.constant 0 : i32
    %dma_wait3A_174 = tpu.memref_slice %dma_wait3A_172[%dma_wait3A_173] : memref<32768xf32, #tpu.memory_space<hbm>> -> memref<8192xf32, #tpu.memory_space<hbm>>
    tpu.wait_dma2 semaphore(%arg10 : memref<!tpu.dma_semaphore, #tpu.memory_space<semaphore_mem>>) src(%dma_wait3A_174 : memref<8192xf32, #tpu.memory_space<hbm>>) dst(%arg6 : memref<8192xf32, #tpu.memory_space<vmem>>)
    %iota3A_175 = tpu.iota {dimensions = array<i32: 0>} : vector<16xi32>
    %broadcast_in_dim3A_176 = arith.constant 0xFF800000 : f32
    %broadcast_in_dim3A_177 = vector.broadcast %broadcast_in_dim3A_176 : f32 to vector<16xf32>
    %broadcast_in_dim3A_178 = arith.constant 32768 : i32
    %broadcast_in_dim3A_179 = vector.broadcast %broadcast_in_dim3A_178 : i32 to vector<16xi32>
    %broadcast_in_dim3A_180 = arith.constant 0 : i32
    %broadcast_in_dim3A_181 = vector.broadcast %broadcast_in_dim3A_180 : i32 to vector<16xi32>
    %scan3A_182 = arith.constant 0 : i32
    %scan3A_183 = arith.constant 8 : i32
    %scan3A_184 = arith.addi %scan3A_182, %scan3A_183 : i32
    %scan3A_185 = arith.constant 1 : i32
    %scan3A_186:2 = scf.for %scan3A_596 = %scan3A_182 to %scan3A_184 step %scan3A_185 iter_args(%scan3A_597 = %broadcast_in_dim3A_177, %scan3A_598 = %broadcast_in_dim3A_181) -> (vector<16xf32>, vector<16xi32>)  : i32 {
      %mul3A_599 = arith.constant 1024 : i32
      %mul3A_600 = arith.muli %scan3A_596, %mul3A_599 : i32
      %scan3A_601 = arith.constant 0 : i32
      %scan3A_602 = arith.constant 16 : i32
      %scan3A_603 = arith.addi %scan3A_601, %scan3A_602 : i32
      %scan3A_604 = arith.constant 4 : i32
      %scan3A_605:4 = scf.for %scan3A_613 = %scan3A_601 to %scan3A_603 step %scan3A_604 iter_args(%scan3A_614 = %broadcast_in_dim3A_177, %scan3A_615 = %broadcast_in_dim3A_177, %scan3A_616 = %broadcast_in_dim3A_177, %scan3A_617 = %broadcast_in_dim3A_177) -> (vector<16xf32>, vector<16xf32>, vector<16xf32>, vector<16xf32>)  : i32 {
        %mul3A_618 = arith.constant 64 : i32
        %mul3A_619 = arith.muli %scan3A_613, %mul3A_618 : i32
        %add3A_620 = arith.addi %mul3A_600, %mul3A_619 : i32
        %add3A_621 = arith.constant 0 : i32
        %add3A_622 = arith.addi %add3A_620, %add3A_621 : i32
        %get3A = arith.index_cast %add3A_622 : i32 to index
        %get3A_623 = tpu.vector_load %arg6[%get3A] {strides = array<i32>} : memref<8192xf32, #tpu.memory_space<vmem>>, vector<16xf32>,
        %get3A_624 = vector.shape_cast %get3A_623 : vector<16xf32> to vector<16xf32>
        %add3A_625 = arith.constant 16 : i32
        %add3A_626 = arith.addi %add3A_620, %add3A_625 : i32
        %get3A_627 = arith.index_cast %add3A_626 : i32 to index
        %get3A_628 = tpu.vector_load %arg6[%get3A_627] {strides = array<i32>} : memref<8192xf32, #tpu.memory_space<vmem>>, vector<16xf32>,
        %get3A_629 = vector.shape_cast %get3A_628 : vector<16xf32> to vector<16xf32>
        %add3A_630 = arith.constant 32 : i32
        %add3A_631 = arith.addi %add3A_620, %add3A_630 : i32
        %get3A_632 = arith.index_cast %add3A_631 : i32 to index
        %get3A_633 = tpu.vector_load %arg6[%get3A_632] {strides = array<i32>} : memref<8192xf32, #tpu.memory_space<vmem>>, vector<16xf32>,
        %get3A_634 = vector.shape_cast %get3A_633 : vector<16xf32> to vector<16xf32>
        %add3A_635 = arith.constant 48 : i32
        %add3A_636 = arith.addi %add3A_620, %add3A_635 : i32
        %get3A_637 = arith.index_cast %add3A_636 : i32 to index
        %get3A_638 = tpu.vector_load %arg6[%get3A_637] {strides = array<i32>} : memref<8192xf32, #tpu.memory_space<vmem>>, vector<16xf32>,
        %get3A_639 = vector.shape_cast %get3A_638 : vector<16xf32> to vector<16xf32>
        %max3A_640 = arith.maximumf %scan3A_614, %get3A_624 : vector<16xf32>
        %max3A_641 = arith.maximumf %scan3A_615, %get3A_629 : vector<16xf32>
        %max3A_642 = arith.maximumf %scan3A_616, %get3A_634 : vector<16xf32>
        %max3A_643 = arith.maximumf %scan3A_617, %get3A_639 : vector<16xf32>
        %scan3A_644 = arith.constant 1 : i32
        %scan3A_645 = arith.addi %scan3A_613, %scan3A_644 : i32
        %mul3A_646 = arith.constant 64 : i32
        %mul3A_647 = arith.muli %scan3A_645, %mul3A_646 : i32
        %add3A_648 = arith.addi %mul3A_600, %mul3A_647 : i32
        %add3A_649 = arith.constant 0 : i32
        %add3A_650 = arith.addi %add3A_648, %add3A_649 : i32
        %get3A_651 = arith.index_cast %add3A_650 : i32 to index
        %get3A_652 = tpu.vector_load %arg6[%get3A_651] {strides = array<i32>} : memref<8192xf32, #tpu.memory_space<vmem>>, vector<16xf32>,
        %get3A_653 = vector.shape_cast %get3A_652 : vector<16xf32> to vector<16xf32>
        %add3A_654 = arith.constant 16 : i32
        %add3A_655 = arith.addi %add3A_648, %add3A_654 : i32
        %get3A_656 = arith.index_cast %add3A_655 : i32 to index
        %get3A_657 = tpu.vector_load %arg6[%get3A_656] {strides = array<i32>} : memref<8192xf32, #tpu.memory_space<vmem>>, vector<16xf32>,
        %get3A_658 = vector.shape_cast %get3A_657 : vector<16xf32> to vector<16xf32>
        %add3A_659 = arith.constant 32 : i32
        %add3A_660 = arith.addi %add3A_648, %add3A_659 : i32
        %get3A_661 = arith.index_cast %add3A_660 : i32 to index
        %get3A_662 = tpu.vector_load %arg6[%get3A_661] {strides = array<i32>} : memref<8192xf32, #tpu.memory_space<vmem>>, vector<16xf32>,
        %get3A_663 = vector.shape_cast %get3A_662 : vector<16xf32> to vector<16xf32>
        %add3A_664 = arith.constant 48 : i32
        %add3A_665 = arith.addi %add3A_648, %add3A_664 : i32
        %get3A_666 = arith.index_cast %add3A_665 : i32 to index
        %get3A_667 = tpu.vector_load %arg6[%get3A_666] {strides = array<i32>} : memref<8192xf32, #tpu.memory_space<vmem>>, vector<16xf32>,
        %get3A_668 = vector.shape_cast %get3A_667 : vector<16xf32> to vector<16xf32>
        %max3A_669 = arith.maximumf %max3A_640, %get3A_653 : vector<16xf32>
        %max3A_670 = arith.maximumf %max3A_641, %get3A_658 : vector<16xf32>
        %max3A_671 = arith.maximumf %max3A_642, %get3A_663 : vector<16xf32>
        %max3A_672 = arith.maximumf %max3A_643, %get3A_668 : vector<16xf32>
        %scan3A_673 = arith.constant 2 : i32
        %scan3A_674 = arith.addi %scan3A_613, %scan3A_673 : i32
        %mul3A_675 = arith.constant 64 : i32
        %mul3A_676 = arith.muli %scan3A_674, %mul3A_675 : i32
        %add3A_677 = arith.addi %mul3A_600, %mul3A_676 : i32
        %add3A_678 = arith.constant 0 : i32
        %add3A_679 = arith.addi %add3A_677, %add3A_678 : i32
        %get3A_680 = arith.index_cast %add3A_679 : i32 to index
        %get3A_681 = tpu.vector_load %arg6[%get3A_680] {strides = array<i32>} : memref<8192xf32, #tpu.memory_space<vmem>>, vector<16xf32>,
        %get3A_682 = vector.shape_cast %get3A_681 : vector<16xf32> to vector<16xf32>
        %add3A_683 = arith.constant 16 : i32
        %add3A_684 = arith.addi %add3A_677, %add3A_683 : i32
        %get3A_685 = arith.index_cast %add3A_684 : i32 to index
        %get3A_686 = tpu.vector_load %arg6[%get3A_685] {strides = array<i32>} : memref<8192xf32, #tpu.memory_space<vmem>>, vector<16xf32>,
        %get3A_687 = vector.shape_cast %get3A_686 : vector<16xf32> to vector<16xf32>
        %add3A_688 = arith.constant 32 : i32
        %add3A_689 = arith.addi %add3A_677, %add3A_688 : i32
        %get3A_690 = arith.index_cast %add3A_689 : i32 to index
        %get3A_691 = tpu.vector_load %arg6[%get3A_690] {strides = array<i32>} : memref<8192xf32, #tpu.memory_space<vmem>>, vector<16xf32>,
        %get3A_692 = vector.shape_cast %get3A_691 : vector<16xf32> to vector<16xf32>
        %add3A_693 = arith.constant 48 : i32
        %add3A_694 = arith.addi %add3A_677, %add3A_693 : i32
        %get3A_695 = arith.index_cast %add3A_694 : i32 to index
        %get3A_696 = tpu.vector_load %arg6[%get3A_695] {strides = array<i32>} : memref<8192xf32, #tpu.memory_space<vmem>>, vector<16xf32>,
        %get3A_697 = vector.shape_cast %get3A_696 : vector<16xf32> to vector<16xf32>
        %max3A_698 = arith.maximumf %max3A_669, %get3A_682 : vector<16xf32>
        %max3A_699 = arith.maximumf %max3A_670, %get3A_687 : vector<16xf32>
        %max3A_700 = arith.maximumf %max3A_671, %get3A_692 : vector<16xf32>
        %max3A_701 = arith.maximumf %max3A_672, %get3A_697 : vector<16xf32>
        %scan3A_702 = arith.constant 3 : i32
        %scan3A_703 = arith.addi %scan3A_613, %scan3A_702 : i32
        %mul3A_704 = arith.constant 64 : i32
        %mul3A_705 = arith.muli %scan3A_703, %mul3A_704 : i32
        %add3A_706 = arith.addi %mul3A_600, %mul3A_705 : i32
        %add3A_707 = arith.constant 0 : i32
        %add3A_708 = arith.addi %add3A_706, %add3A_707 : i32
        %get3A_709 = arith.index_cast %add3A_708 : i32 to index
        %get3A_710 = tpu.vector_load %arg6[%get3A_709] {strides = array<i32>} : memref<8192xf32, #tpu.memory_space<vmem>>, vector<16xf32>,
        %get3A_711 = vector.shape_cast %get3A_710 : vector<16xf32> to vector<16xf32>
        %add3A_712 = arith.constant 16 : i32
        %add3A_713 = arith.addi %add3A_706, %add3A_712 : i32
        %get3A_714 = arith.index_cast %add3A_713 : i32 to index
        %get3A_715 = tpu.vector_load %arg6[%get3A_714] {strides = array<i32>} : memref<8192xf32, #tpu.memory_space<vmem>>, vector<16xf32>,
        %get3A_716 = vector.shape_cast %get3A_715 : vector<16xf32> to vector<16xf32>
        %add3A_717 = arith.constant 32 : i32
        %add3A_718 = arith.addi %add3A_706, %add3A_717 : i32
        %get3A_719 = arith.index_cast %add3A_718 : i32 to index
        %get3A_720 = tpu.vector_load %arg6[%get3A_719] {strides = array<i32>} : memref<8192xf32, #tpu.memory_space<vmem>>, vector<16xf32>,
        %get3A_721 = vector.shape_cast %get3A_720 : vector<16xf32> to vector<16xf32>
        %add3A_722 = arith.constant 48 : i32
        %add3A_723 = arith.addi %add3A_706, %add3A_722 : i32
        %get3A_724 = arith.index_cast %add3A_723 : i32 to index
        %get3A_725 = tpu.vector_load %arg6[%get3A_724] {strides = array<i32>} : memref<8192xf32, #tpu.memory_space<vmem>>, vector<16xf32>,
        %get3A_726 = vector.shape_cast %get3A_725 : vector<16xf32> to vector<16xf32>
        %max3A_727 = arith.maximumf %max3A_698, %get3A_711 : vector<16xf32>
        %max3A_728 = arith.maximumf %max3A_699, %get3A_716 : vector<16xf32>
        %max3A_729 = arith.maximumf %max3A_700, %get3A_721 : vector<16xf32>
        %max3A_730 = arith.maximumf %max3A_701, %get3A_726 : vector<16xf32>
        scf.yield %max3A_727, %max3A_728, %max3A_729, %max3A_730 : vector<16xf32>, vector<16xf32>, vector<16xf32>, vector<16xf32>
      }
      %scan3A_606 = arith.constant 16 : i32
      %max3A_607 = arith.maximumf %scan3A_605#0, %scan3A_605#1 : vector<16xf32>
      %max3A_608 = arith.maximumf %scan3A_605#2, %scan3A_605#3 : vector<16xf32>
      %max3A_609 = arith.maximumf %max3A_607, %max3A_608 : vector<16xf32>
      %gt3A = arith.cmpf ogt, %max3A_609, %scan3A_597 : vector<16xf32>
      %select_n3A_610 = arith.select %gt3A, %max3A_609, %scan3A_597 : vector<16xi1>, vector<16xf32>
      %broadcast_in_dim3A_611 = vector.broadcast %scan3A_596 : i32 to vector<16xi32>
      %select_n3A_612 = arith.select %gt3A, %broadcast_in_dim3A_611, %scan3A_598 : vector<16xi1>, vector<16xi32>
      scf.yield %select_n3A_610, %select_n3A_612 : vector<16xf32>, vector<16xi32>
    }
    %scan3A_187 = arith.constant 8 : i32
    %iota3A_188 = tpu.iota {dimensions = array<i32: 0>} : vector<16xi32>
    %xor3A_189 = arith.constant 8 : i32
    %xor3A_190 = vector.broadcast %xor3A_189 : i32 to vector<16xi32>
    %xor3A_191 = arith.xori %iota3A_188, %xor3A_190 : vector<16xi32>
    %broadcast_in_dim3A_192 = vector.shape_cast %xor3A_191 : vector<16xi32> to vector<16x1xi32>
    %gather3A_193 = vector.shape_cast %broadcast_in_dim3A_192 : vector<16x1xi32> to vector<16xi32>
    %gather3A_194 = tpu.dynamic_gather %scan3A_186#0[%gather3A_193] in [0] : vector<16xf32>, vector<16xi32> -> vector<16xf32>
    %max3A_195 = arith.maximumf %scan3A_186#0, %gather3A_194 : vector<16xf32>
    %xor3A_196 = arith.constant 4 : i32
    %xor3A_197 = vector.broadcast %xor3A_196 : i32 to vector<16xi32>
    %xor3A_198 = arith.xori %iota3A_188, %xor3A_197 : vector<16xi32>
    %broadcast_in_dim3A_199 = vector.shape_cast %xor3A_198 : vector<16xi32> to vector<16x1xi32>
    %gather3A_200 = vector.shape_cast %broadcast_in_dim3A_199 : vector<16x1xi32> to vector<16xi32>
    %gather3A_201 = tpu.dynamic_gather %max3A_195[%gather3A_200] in [0] : vector<16xf32>, vector<16xi32> -> vector<16xf32>
    %max3A_202 = arith.maximumf %max3A_195, %gather3A_201 : vector<16xf32>
    %xor3A_203 = arith.constant 2 : i32
    %xor3A_204 = vector.broadcast %xor3A_203 : i32 to vector<16xi32>
    %xor3A_205 = arith.xori %iota3A_188, %xor3A_204 : vector<16xi32>
    %broadcast_in_dim3A_206 = vector.shape_cast %xor3A_205 : vector<16xi32> to vector<16x1xi32>
    %gather3A_207 = vector.shape_cast %broadcast_in_dim3A_206 : vector<16x1xi32> to vector<16xi32>
    %gather3A_208 = tpu.dynamic_gather %max3A_202[%gather3A_207] in [0] : vector<16xf32>, vector<16xi32> -> vector<16xf32>
    %max3A_209 = arith.maximumf %max3A_202, %gather3A_208 : vector<16xf32>
    %xor3A_210 = arith.constant 1 : i32
    %xor3A_211 = vector.broadcast %xor3A_210 : i32 to vector<16xi32>
    %xor3A_212 = arith.xori %iota3A_188, %xor3A_211 : vector<16xi32>
    %broadcast_in_dim3A_213 = vector.shape_cast %xor3A_212 : vector<16xi32> to vector<16x1xi32>
    %gather3A_214 = vector.shape_cast %broadcast_in_dim3A_213 : vector<16x1xi32> to vector<16xi32>
    %gather3A_215 = tpu.dynamic_gather %max3A_209[%gather3A_214] in [0] : vector<16xf32>, vector<16xi32> -> vector<16xf32>
    %max3A_216 = arith.maximumf %max3A_209, %gather3A_215 : vector<16xf32>
    %eq3A_217 = arith.cmpf oeq, %scan3A_186#0, %max3A_216 : vector<16xf32>
    %jit3A_218 = arith.constant 8 : i32
    %broadcast_in_dim3A_219 = vector.broadcast %jit3A_218 : i32 to vector<16xi32>
    %select_n3A_220 = arith.select %eq3A_217, %scan3A_186#1, %broadcast_in_dim3A_219 : vector<16xi1>, vector<16xi32>
    %iota3A_221 = tpu.iota {dimensions = array<i32: 0>} : vector<16xi32>
    %xor3A_222 = arith.constant 8 : i32
    %xor3A_223 = vector.broadcast %xor3A_222 : i32 to vector<16xi32>
    %xor3A_224 = arith.xori %iota3A_221, %xor3A_223 : vector<16xi32>
    %broadcast_in_dim3A_225 = vector.shape_cast %xor3A_224 : vector<16xi32> to vector<16x1xi32>
    %gather3A_226 = vector.shape_cast %broadcast_in_dim3A_225 : vector<16x1xi32> to vector<16xi32>
    %gather3A_227 = tpu.dynamic_gather %select_n3A_220[%gather3A_226] in [0] : vector<16xi32>, vector<16xi32> -> vector<16xi32>
    %min3A_228 = arith.minsi %select_n3A_220, %gather3A_227 : vector<16xi32>
    %xor3A_229 = arith.constant 4 : i32
    %xor3A_230 = vector.broadcast %xor3A_229 : i32 to vector<16xi32>
    %xor3A_231 = arith.xori %iota3A_221, %xor3A_230 : vector<16xi32>
    %broadcast_in_dim3A_232 = vector.shape_cast %xor3A_231 : vector<16xi32> to vector<16x1xi32>
    %gather3A_233 = vector.shape_cast %broadcast_in_dim3A_232 : vector<16x1xi32> to vector<16xi32>
    %gather3A_234 = tpu.dynamic_gather %min3A_228[%gather3A_233] in [0] : vector<16xi32>, vector<16xi32> -> vector<16xi32>
    %min3A_235 = arith.minsi %min3A_228, %gather3A_234 : vector<16xi32>
    %xor3A_236 = arith.constant 2 : i32
    %xor3A_237 = vector.broadcast %xor3A_236 : i32 to vector<16xi32>
    %xor3A_238 = arith.xori %iota3A_221, %xor3A_237 : vector<16xi32>
    %broadcast_in_dim3A_239 = vector.shape_cast %xor3A_238 : vector<16xi32> to vector<16x1xi32>
    %gather3A_240 = vector.shape_cast %broadcast_in_dim3A_239 : vector<16x1xi32> to vector<16xi32>
    %gather3A_241 = tpu.dynamic_gather %min3A_235[%gather3A_240] in [0] : vector<16xi32>, vector<16xi32> -> vector<16xi32>
    %min3A_242 = arith.minsi %min3A_235, %gather3A_241 : vector<16xi32>
    %xor3A_243 = arith.constant 1 : i32
    %xor3A_244 = vector.broadcast %xor3A_243 : i32 to vector<16xi32>
    %xor3A_245 = arith.xori %iota3A_221, %xor3A_244 : vector<16xi32>
    %broadcast_in_dim3A_246 = vector.shape_cast %xor3A_245 : vector<16xi32> to vector<16x1xi32>
    %gather3A_247 = vector.shape_cast %broadcast_in_dim3A_246 : vector<16x1xi32> to vector<16xi32>
    %gather3A_248 = tpu.dynamic_gather %min3A_242[%gather3A_247] in [0] : vector<16xi32>, vector<16xi32> -> vector<16xi32>
    %min3A_249 = arith.minsi %min3A_242, %gather3A_248 : vector<16xi32>
    %slice3A_250 = vector.extract_strided_slice %min3A_249 {offsets = [0], sizes = [1], strides = [1]} : vector<16xi32> to vector<1xi32>
    %squeeze3A_251 = vector.extract %slice3A_250[0] : i32 from vector<1xi32>
    %mul3A_252 = arith.constant 1024 : i32
    %mul3A_253 = arith.muli %squeeze3A_251, %mul3A_252 : i32
    %add3A_254 = vector.broadcast %mul3A_253 : i32 to vector<16xi32>
    %add3A_255 = arith.addi %iota3A_175, %add3A_254 : vector<16xi32>
    %scan3A_256 = arith.constant 0 : i32
    %scan3A_257 = arith.constant 32 : i32
    %scan3A_258 = arith.addi %scan3A_256, %scan3A_257 : i32
    %scan3A_259 = arith.constant 2 : i32
    %scan3A_260:3 = scf.for %scan3A_596 = %scan3A_256 to %scan3A_258 step %scan3A_259 iter_args(%scan3A_597 = %broadcast_in_dim3A_179, %scan3A_598 = %broadcast_in_dim3A_179, %scan3A_599 = %add3A_255) -> (vector<16xi32>, vector<16xi32>, vector<16xi32>)  : i32 {
      %mul3A_600 = arith.constant 32 : i32
      %mul3A_601 = arith.muli %scan3A_596, %mul3A_600 : i32
      %add3A_602 = arith.addi %mul3A_253, %mul3A_601 : i32
      %get3A = arith.index_cast %add3A_602 : i32 to index
      %get3A_603 = tpu.vector_load %arg6[%get3A] {strides = array<i32>} : memref<8192xf32, #tpu.memory_space<vmem>>, vector<16xf32>,
      %get3A_604 = vector.shape_cast %get3A_603 : vector<16xf32> to vector<16xf32>
      %mul3A_605 = arith.constant 32 : i32
      %mul3A_606 = arith.muli %scan3A_596, %mul3A_605 : i32
      %add3A_607 = arith.addi %mul3A_253, %mul3A_606 : i32
      %add3A_608 = arith.constant 16 : i32
      %add3A_609 = arith.addi %add3A_607, %add3A_608 : i32
      %get3A_610 = arith.index_cast %add3A_609 : i32 to index
      %get3A_611 = tpu.vector_load %arg6[%get3A_610] {strides = array<i32>} : memref<8192xf32, #tpu.memory_space<vmem>>, vector<16xf32>,
      %get3A_612 = vector.shape_cast %get3A_611 : vector<16xf32> to vector<16xf32>
      %eq3A_613 = arith.cmpf oeq, %get3A_604, %max3A_216 : vector<16xf32>
      %select_n3A_614 = arith.select %eq3A_613, %scan3A_599, %broadcast_in_dim3A_179 : vector<16xi1>, vector<16xi32>
      %min3A_615 = arith.minsi %scan3A_597, %select_n3A_614 : vector<16xi32>
      %eq3A_616 = arith.cmpf oeq, %get3A_612, %max3A_216 : vector<16xf32>
      %add3A_617 = arith.constant 16 : i32
      %add3A_618 = vector.broadcast %add3A_617 : i32 to vector<16xi32>
      %add3A_619 = arith.addi %scan3A_599, %add3A_618 : vector<16xi32>
      %select_n3A_620 = arith.select %eq3A_616, %add3A_619, %broadcast_in_dim3A_179 : vector<16xi1>, vector<16xi32>
      %min3A_621 = arith.minsi %scan3A_598, %select_n3A_620 : vector<16xi32>
      %add3A_622 = arith.constant 32 : i32
      %add3A_623 = vector.broadcast %add3A_622 : i32 to vector<16xi32>
      %add3A_624 = arith.addi %scan3A_599, %add3A_623 : vector<16xi32>
      %scan3A_625 = arith.constant 1 : i32
      %scan3A_626 = arith.addi %scan3A_596, %scan3A_625 : i32
      %mul3A_627 = arith.constant 32 : i32
      %mul3A_628 = arith.muli %scan3A_626, %mul3A_627 : i32
      %add3A_629 = arith.addi %mul3A_253, %mul3A_628 : i32
      %get3A_630 = arith.index_cast %add3A_629 : i32 to index
      %get3A_631 = tpu.vector_load %arg6[%get3A_630] {strides = array<i32>} : memref<8192xf32, #tpu.memory_space<vmem>>, vector<16xf32>,
      %get3A_632 = vector.shape_cast %get3A_631 : vector<16xf32> to vector<16xf32>
      %mul3A_633 = arith.constant 32 : i32
      %mul3A_634 = arith.muli %scan3A_626, %mul3A_633 : i32
      %add3A_635 = arith.addi %mul3A_253, %mul3A_634 : i32
      %add3A_636 = arith.constant 16 : i32
      %add3A_637 = arith.addi %add3A_635, %add3A_636 : i32
      %get3A_638 = arith.index_cast %add3A_637 : i32 to index
      %get3A_639 = tpu.vector_load %arg6[%get3A_638] {strides = array<i32>} : memref<8192xf32, #tpu.memory_space<vmem>>, vector<16xf32>,
      %get3A_640 = vector.shape_cast %get3A_639 : vector<16xf32> to vector<16xf32>
      %eq3A_641 = arith.cmpf oeq, %get3A_632, %max3A_216 : vector<16xf32>
      %select_n3A_642 = arith.select %eq3A_641, %add3A_624, %broadcast_in_dim3A_179 : vector<16xi1>, vector<16xi32>
      %min3A_643 = arith.minsi %min3A_615, %select_n3A_642 : vector<16xi32>
      %eq3A_644 = arith.cmpf oeq, %get3A_640, %max3A_216 : vector<16xf32>
      %add3A_645 = arith.constant 16 : i32
      %add3A_646 = vector.broadcast %add3A_645 : i32 to vector<16xi32>
      %add3A_647 = arith.addi %add3A_624, %add3A_646 : vector<16xi32>
      %select_n3A_648 = arith.select %eq3A_644, %add3A_647, %broadcast_in_dim3A_179 : vector<16xi1>, vector<16xi32>
      %min3A_649 = arith.minsi %min3A_621, %select_n3A_648 : vector<16xi32>
      %add3A_650 = arith.constant 32 : i32
      %add3A_651 = vector.broadcast %add3A_650 : i32 to vector<16xi32>
      %add3A_652 = arith.addi %add3A_624, %add3A_651 : vector<16xi32>
      scf.yield %min3A_643, %min3A_649, %add3A_652 : vector<16xi32>, vector<16xi32>, vector<16xi32>
    }
    %scan3A_261 = arith.constant 32 : i32
    %min3A_262 = arith.minsi %scan3A_260#0, %scan3A_260#1 : vector<16xi32>
    %iota3A_263 = tpu.iota {dimensions = array<i32: 0>} : vector<16xi32>
    %xor3A_264 = arith.constant 8 : i32
    %xor3A_265 = vector.broadcast %xor3A_264 : i32 to vector<16xi32>
    %xor3A_266 = arith.xori %iota3A_263, %xor3A_265 : vector<16xi32>
    %broadcast_in_dim3A_267 = vector.shape_cast %xor3A_266 : vector<16xi32> to vector<16x1xi32>
    %gather3A_268 = vector.shape_cast %broadcast_in_dim3A_267 : vector<16x1xi32> to vector<16xi32>
    %gather3A_269 = tpu.dynamic_gather %min3A_262[%gather3A_268] in [0] : vector<16xi32>, vector<16xi32> -> vector<16xi32>
    %min3A_270 = arith.minsi %min3A_262, %gather3A_269 : vector<16xi32>
    %xor3A_271 = arith.constant 4 : i32
    %xor3A_272 = vector.broadcast %xor3A_271 : i32 to vector<16xi32>
    %xor3A_273 = arith.xori %iota3A_263, %xor3A_272 : vector<16xi32>
    %broadcast_in_dim3A_274 = vector.shape_cast %xor3A_273 : vector<16xi32> to vector<16x1xi32>
    %gather3A_275 = vector.shape_cast %broadcast_in_dim3A_274 : vector<16x1xi32> to vector<16xi32>
    %gather3A_276 = tpu.dynamic_gather %min3A_270[%gather3A_275] in [0] : vector<16xi32>, vector<16xi32> -> vector<16xi32>
    %min3A_277 = arith.minsi %min3A_270, %gather3A_276 : vector<16xi32>
    %xor3A_278 = arith.constant 2 : i32
    %xor3A_279 = vector.broadcast %xor3A_278 : i32 to vector<16xi32>
    %xor3A_280 = arith.xori %iota3A_263, %xor3A_279 : vector<16xi32>
    %broadcast_in_dim3A_281 = vector.shape_cast %xor3A_280 : vector<16xi32> to vector<16x1xi32>
    %gather3A_282 = vector.shape_cast %broadcast_in_dim3A_281 : vector<16x1xi32> to vector<16xi32>
    %gather3A_283 = tpu.dynamic_gather %min3A_277[%gather3A_282] in [0] : vector<16xi32>, vector<16xi32> -> vector<16xi32>
    %min3A_284 = arith.minsi %min3A_277, %gather3A_283 : vector<16xi32>
    %xor3A_285 = arith.constant 1 : i32
    %xor3A_286 = vector.broadcast %xor3A_285 : i32 to vector<16xi32>
    %xor3A_287 = arith.xori %iota3A_263, %xor3A_286 : vector<16xi32>
    %broadcast_in_dim3A_288 = vector.shape_cast %xor3A_287 : vector<16xi32> to vector<16x1xi32>
    %gather3A_289 = vector.shape_cast %broadcast_in_dim3A_288 : vector<16x1xi32> to vector<16xi32>
    %gather3A_290 = tpu.dynamic_gather %min3A_284[%gather3A_289] in [0] : vector<16xi32>, vector<16xi32> -> vector<16xi32>
    %min3A_291 = arith.minsi %min3A_284, %gather3A_290 : vector<16xi32>
    %add3A_292 = arith.constant 1 : i32
    %add3A_293 = arith.addi %mul3A_2, %add3A_292 : i32
    %add3A_294 = arith.constant 2 : i32
    %add3A_295 = arith.addi %add3A_293, %add3A_294 : i32
    %dma_start3A_296 = arith.constant 0 : i32
    %dma_start3A_297 = tpu.memref_slice %arg2[%add3A_295, %dma_start3A_296] : memref<128x32768xf32, #tpu.memory_space<hbm>> -> memref<1x32768xf32, #tpu.memory_space<hbm>>
    %dma_start3A_298 = tpu.memref_squeeze %dma_start3A_297 : memref<1x32768xf32, #tpu.memory_space<hbm>> -> memref<32768xf32, #tpu.memory_space<hbm>>
    %dma_start3A_299 = arith.constant 0 : i32
    %dma_start3A_300 = tpu.memref_slice %dma_start3A_298[%dma_start3A_299] : memref<32768xf32, #tpu.memory_space<hbm>> -> memref<8192xf32, #tpu.memory_space<hbm>>
    %dma_start3A_301 = arith.constant 0 : i32
    %dma_start3A_302 = tpu.memref_slice %arg2[%add3A_295, %dma_start3A_301] : memref<128x32768xf32, #tpu.memory_space<hbm>> -> memref<1x32768xf32, #tpu.memory_space<hbm>>
    %dma_start3A_303 = tpu.memref_squeeze %dma_start3A_302 : memref<1x32768xf32, #tpu.memory_space<hbm>> -> memref<32768xf32, #tpu.memory_space<hbm>>
    %dma_start3A_304 = arith.constant 0 : i32
    %dma_start3A_305 = tpu.memref_slice %dma_start3A_303[%dma_start3A_304] : memref<32768xf32, #tpu.memory_space<hbm>> -> memref<8192xf32, #tpu.memory_space<hbm>>
    tpu.enqueue_dma source(%dma_start3A_305 : memref<8192xf32, #tpu.memory_space<hbm>>) target(%arg6 : memref<8192xf32, #tpu.memory_space<vmem>>) target_semaphore(%arg10 : memref<!tpu.dma_semaphore, #tpu.memory_space<semaphore_mem>>)
    %swap3A_306 = arith.constant 1 : i32
    %swap3A_307 = arith.index_cast %swap3A_306 : i32 to index
    %swap3A_308 = arith.constant 0 : index
    %swap3A_309 = tpu.vector_load %arg7[%swap3A_307, %swap3A_308] {strides = array<i32>} : memref<4x16xf32, #tpu.memory_space<vmem>>, vector<1x16xf32>,
    %swap3A_310 = vector.shape_cast %swap3A_309 : vector<1x16xf32> to vector<16xf32>
    %swap3A_311 = vector.shape_cast %max3A_216 : vector<16xf32> to vector<1x16xf32>
    tpu.vector_store %arg7[%swap3A_307, %swap3A_308], %swap3A_311 {strides = array<i32>} : memref<4x16xf32, #tpu.memory_space<vmem>>, vector<1x16xf32>,
    %swap3A_312 = arith.constant 1 : i32
    %swap3A_313 = arith.index_cast %swap3A_312 : i32 to index
    %swap3A_314 = arith.constant 0 : index
    %swap3A_315 = tpu.vector_load %arg8[%swap3A_313, %swap3A_314] {strides = array<i32>} : memref<4x16xi32, #tpu.memory_space<vmem>>, vector<1x16xi32>,
    %swap3A_316 = vector.shape_cast %swap3A_315 : vector<1x16xi32> to vector<16xi32>
    %swap3A_317 = vector.shape_cast %min3A_291 : vector<16xi32> to vector<1x16xi32>
    tpu.vector_store %arg8[%swap3A_313, %swap3A_314], %swap3A_317 {strides = array<i32>} : memref<4x16xi32, #tpu.memory_space<vmem>>, vector<1x16xi32>,
    %dma_wait3A_318 = arith.constant 0 : i32
    %dma_wait3A_319 = tpu.memref_slice %arg2[%add3A_143, %dma_wait3A_318] : memref<128x32768xf32, #tpu.memory_space<hbm>> -> memref<1x32768xf32, #tpu.memory_space<hbm>>
    %dma_wait3A_320 = tpu.memref_squeeze %dma_wait3A_319 : memref<1x32768xf32, #tpu.memory_space<hbm>> -> memref<32768xf32, #tpu.memory_space<hbm>>
    %dma_wait3A_321 = arith.constant 0 : i32
    %dma_wait3A_322 = tpu.memref_slice %dma_wait3A_320[%dma_wait3A_321] : memref<32768xf32, #tpu.memory_space<hbm>> -> memref<8192xf32, #tpu.memory_space<hbm>>
    %dma_wait3A_323 = arith.constant 0 : i32
    %dma_wait3A_324 = tpu.memref_slice %arg2[%add3A_143, %dma_wait3A_323] : memref<128x32768xf32, #tpu.memory_space<hbm>> -> memref<1x32768xf32, #tpu.memory_space<hbm>>
    %dma_wait3A_325 = tpu.memref_squeeze %dma_wait3A_324 : memref<1x32768xf32, #tpu.memory_space<hbm>> -> memref<32768xf32, #tpu.memory_space<hbm>>
    %dma_wait3A_326 = arith.constant 0 : i32
    %dma_wait3A_327 = tpu.memref_slice %dma_wait3A_325[%dma_wait3A_326] : memref<32768xf32, #tpu.memory_space<hbm>> -> memref<8192xf32, #tpu.memory_space<hbm>>
    tpu.wait_dma2 semaphore(%arg9 : memref<!tpu.dma_semaphore, #tpu.memory_space<semaphore_mem>>) src(%dma_wait3A_327 : memref<8192xf32, #tpu.memory_space<hbm>>) dst(%arg5 : memref<8192xf32, #tpu.memory_space<vmem>>)
    %iota3A_328 = tpu.iota {dimensions = array<i32: 0>} : vector<16xi32>
    %broadcast_in_dim3A_329 = arith.constant 0xFF800000 : f32
    %broadcast_in_dim3A_330 = vector.broadcast %broadcast_in_dim3A_329 : f32 to vector<16xf32>
    %broadcast_in_dim3A_331 = arith.constant 32768 : i32
    %broadcast_in_dim3A_332 = vector.broadcast %broadcast_in_dim3A_331 : i32 to vector<16xi32>
    %broadcast_in_dim3A_333 = arith.constant 0 : i32
    %broadcast_in_dim3A_334 = vector.broadcast %broadcast_in_dim3A_333 : i32 to vector<16xi32>
    %scan3A_335 = arith.constant 0 : i32
    %scan3A_336 = arith.constant 8 : i32
    %scan3A_337 = arith.addi %scan3A_335, %scan3A_336 : i32
    %scan3A_338 = arith.constant 1 : i32
    %scan3A_339:2 = scf.for %scan3A_596 = %scan3A_335 to %scan3A_337 step %scan3A_338 iter_args(%scan3A_597 = %broadcast_in_dim3A_330, %scan3A_598 = %broadcast_in_dim3A_334) -> (vector<16xf32>, vector<16xi32>)  : i32 {
      %mul3A_599 = arith.constant 1024 : i32
      %mul3A_600 = arith.muli %scan3A_596, %mul3A_599 : i32
      %scan3A_601 = arith.constant 0 : i32
      %scan3A_602 = arith.constant 16 : i32
      %scan3A_603 = arith.addi %scan3A_601, %scan3A_602 : i32
      %scan3A_604 = arith.constant 4 : i32
      %scan3A_605:4 = scf.for %scan3A_613 = %scan3A_601 to %scan3A_603 step %scan3A_604 iter_args(%scan3A_614 = %broadcast_in_dim3A_330, %scan3A_615 = %broadcast_in_dim3A_330, %scan3A_616 = %broadcast_in_dim3A_330, %scan3A_617 = %broadcast_in_dim3A_330) -> (vector<16xf32>, vector<16xf32>, vector<16xf32>, vector<16xf32>)  : i32 {
        %mul3A_618 = arith.constant 64 : i32
        %mul3A_619 = arith.muli %scan3A_613, %mul3A_618 : i32
        %add3A_620 = arith.addi %mul3A_600, %mul3A_619 : i32
        %add3A_621 = arith.constant 0 : i32
        %add3A_622 = arith.addi %add3A_620, %add3A_621 : i32
        %get3A = arith.index_cast %add3A_622 : i32 to index
        %get3A_623 = tpu.vector_load %arg5[%get3A] {strides = array<i32>} : memref<8192xf32, #tpu.memory_space<vmem>>, vector<16xf32>,
        %get3A_624 = vector.shape_cast %get3A_623 : vector<16xf32> to vector<16xf32>
        %add3A_625 = arith.constant 16 : i32
        %add3A_626 = arith.addi %add3A_620, %add3A_625 : i32
        %get3A_627 = arith.index_cast %add3A_626 : i32 to index
        %get3A_628 = tpu.vector_load %arg5[%get3A_627] {strides = array<i32>} : memref<8192xf32, #tpu.memory_space<vmem>>, vector<16xf32>,
        %get3A_629 = vector.shape_cast %get3A_628 : vector<16xf32> to vector<16xf32>
        %add3A_630 = arith.constant 32 : i32
        %add3A_631 = arith.addi %add3A_620, %add3A_630 : i32
        %get3A_632 = arith.index_cast %add3A_631 : i32 to index
        %get3A_633 = tpu.vector_load %arg5[%get3A_632] {strides = array<i32>} : memref<8192xf32, #tpu.memory_space<vmem>>, vector<16xf32>,
        %get3A_634 = vector.shape_cast %get3A_633 : vector<16xf32> to vector<16xf32>
        %add3A_635 = arith.constant 48 : i32
        %add3A_636 = arith.addi %add3A_620, %add3A_635 : i32
        %get3A_637 = arith.index_cast %add3A_636 : i32 to index
        %get3A_638 = tpu.vector_load %arg5[%get3A_637] {strides = array<i32>} : memref<8192xf32, #tpu.memory_space<vmem>>, vector<16xf32>,
        %get3A_639 = vector.shape_cast %get3A_638 : vector<16xf32> to vector<16xf32>
        %max3A_640 = arith.maximumf %scan3A_614, %get3A_624 : vector<16xf32>
        %max3A_641 = arith.maximumf %scan3A_615, %get3A_629 : vector<16xf32>
        %max3A_642 = arith.maximumf %scan3A_616, %get3A_634 : vector<16xf32>
        %max3A_643 = arith.maximumf %scan3A_617, %get3A_639 : vector<16xf32>
        %scan3A_644 = arith.constant 1 : i32
        %scan3A_645 = arith.addi %scan3A_613, %scan3A_644 : i32
        %mul3A_646 = arith.constant 64 : i32
        %mul3A_647 = arith.muli %scan3A_645, %mul3A_646 : i32
        %add3A_648 = arith.addi %mul3A_600, %mul3A_647 : i32
        %add3A_649 = arith.constant 0 : i32
        %add3A_650 = arith.addi %add3A_648, %add3A_649 : i32
        %get3A_651 = arith.index_cast %add3A_650 : i32 to index
        %get3A_652 = tpu.vector_load %arg5[%get3A_651] {strides = array<i32>} : memref<8192xf32, #tpu.memory_space<vmem>>, vector<16xf32>,
        %get3A_653 = vector.shape_cast %get3A_652 : vector<16xf32> to vector<16xf32>
        %add3A_654 = arith.constant 16 : i32
        %add3A_655 = arith.addi %add3A_648, %add3A_654 : i32
        %get3A_656 = arith.index_cast %add3A_655 : i32 to index
        %get3A_657 = tpu.vector_load %arg5[%get3A_656] {strides = array<i32>} : memref<8192xf32, #tpu.memory_space<vmem>>, vector<16xf32>,
        %get3A_658 = vector.shape_cast %get3A_657 : vector<16xf32> to vector<16xf32>
        %add3A_659 = arith.constant 32 : i32
        %add3A_660 = arith.addi %add3A_648, %add3A_659 : i32
        %get3A_661 = arith.index_cast %add3A_660 : i32 to index
        %get3A_662 = tpu.vector_load %arg5[%get3A_661] {strides = array<i32>} : memref<8192xf32, #tpu.memory_space<vmem>>, vector<16xf32>,
        %get3A_663 = vector.shape_cast %get3A_662 : vector<16xf32> to vector<16xf32>
        %add3A_664 = arith.constant 48 : i32
        %add3A_665 = arith.addi %add3A_648, %add3A_664 : i32
        %get3A_666 = arith.index_cast %add3A_665 : i32 to index
        %get3A_667 = tpu.vector_load %arg5[%get3A_666] {strides = array<i32>} : memref<8192xf32, #tpu.memory_space<vmem>>, vector<16xf32>,
        %get3A_668 = vector.shape_cast %get3A_667 : vector<16xf32> to vector<16xf32>
        %max3A_669 = arith.maximumf %max3A_640, %get3A_653 : vector<16xf32>
        %max3A_670 = arith.maximumf %max3A_641, %get3A_658 : vector<16xf32>
        %max3A_671 = arith.maximumf %max3A_642, %get3A_663 : vector<16xf32>
        %max3A_672 = arith.maximumf %max3A_643, %get3A_668 : vector<16xf32>
        %scan3A_673 = arith.constant 2 : i32
        %scan3A_674 = arith.addi %scan3A_613, %scan3A_673 : i32
        %mul3A_675 = arith.constant 64 : i32
        %mul3A_676 = arith.muli %scan3A_674, %mul3A_675 : i32
        %add3A_677 = arith.addi %mul3A_600, %mul3A_676 : i32
        %add3A_678 = arith.constant 0 : i32
        %add3A_679 = arith.addi %add3A_677, %add3A_678 : i32
        %get3A_680 = arith.index_cast %add3A_679 : i32 to index
        %get3A_681 = tpu.vector_load %arg5[%get3A_680] {strides = array<i32>} : memref<8192xf32, #tpu.memory_space<vmem>>, vector<16xf32>,
        %get3A_682 = vector.shape_cast %get3A_681 : vector<16xf32> to vector<16xf32>
        %add3A_683 = arith.constant 16 : i32
        %add3A_684 = arith.addi %add3A_677, %add3A_683 : i32
        %get3A_685 = arith.index_cast %add3A_684 : i32 to index
        %get3A_686 = tpu.vector_load %arg5[%get3A_685] {strides = array<i32>} : memref<8192xf32, #tpu.memory_space<vmem>>, vector<16xf32>,
        %get3A_687 = vector.shape_cast %get3A_686 : vector<16xf32> to vector<16xf32>
        %add3A_688 = arith.constant 32 : i32
        %add3A_689 = arith.addi %add3A_677, %add3A_688 : i32
        %get3A_690 = arith.index_cast %add3A_689 : i32 to index
        %get3A_691 = tpu.vector_load %arg5[%get3A_690] {strides = array<i32>} : memref<8192xf32, #tpu.memory_space<vmem>>, vector<16xf32>,
        %get3A_692 = vector.shape_cast %get3A_691 : vector<16xf32> to vector<16xf32>
        %add3A_693 = arith.constant 48 : i32
        %add3A_694 = arith.addi %add3A_677, %add3A_693 : i32
        %get3A_695 = arith.index_cast %add3A_694 : i32 to index
        %get3A_696 = tpu.vector_load %arg5[%get3A_695] {strides = array<i32>} : memref<8192xf32, #tpu.memory_space<vmem>>, vector<16xf32>,
        %get3A_697 = vector.shape_cast %get3A_696 : vector<16xf32> to vector<16xf32>
        %max3A_698 = arith.maximumf %max3A_669, %get3A_682 : vector<16xf32>
        %max3A_699 = arith.maximumf %max3A_670, %get3A_687 : vector<16xf32>
        %max3A_700 = arith.maximumf %max3A_671, %get3A_692 : vector<16xf32>
        %max3A_701 = arith.maximumf %max3A_672, %get3A_697 : vector<16xf32>
        %scan3A_702 = arith.constant 3 : i32
        %scan3A_703 = arith.addi %scan3A_613, %scan3A_702 : i32
        %mul3A_704 = arith.constant 64 : i32
        %mul3A_705 = arith.muli %scan3A_703, %mul3A_704 : i32
        %add3A_706 = arith.addi %mul3A_600, %mul3A_705 : i32
        %add3A_707 = arith.constant 0 : i32
        %add3A_708 = arith.addi %add3A_706, %add3A_707 : i32
        %get3A_709 = arith.index_cast %add3A_708 : i32 to index
        %get3A_710 = tpu.vector_load %arg5[%get3A_709] {strides = array<i32>} : memref<8192xf32, #tpu.memory_space<vmem>>, vector<16xf32>,
        %get3A_711 = vector.shape_cast %get3A_710 : vector<16xf32> to vector<16xf32>
        %add3A_712 = arith.constant 16 : i32
        %add3A_713 = arith.addi %add3A_706, %add3A_712 : i32
        %get3A_714 = arith.index_cast %add3A_713 : i32 to index
        %get3A_715 = tpu.vector_load %arg5[%get3A_714] {strides = array<i32>} : memref<8192xf32, #tpu.memory_space<vmem>>, vector<16xf32>,
        %get3A_716 = vector.shape_cast %get3A_715 : vector<16xf32> to vector<16xf32>
        %add3A_717 = arith.constant 32 : i32
        %add3A_718 = arith.addi %add3A_706, %add3A_717 : i32
        %get3A_719 = arith.index_cast %add3A_718 : i32 to index
        %get3A_720 = tpu.vector_load %arg5[%get3A_719] {strides = array<i32>} : memref<8192xf32, #tpu.memory_space<vmem>>, vector<16xf32>,
        %get3A_721 = vector.shape_cast %get3A_720 : vector<16xf32> to vector<16xf32>
        %add3A_722 = arith.constant 48 : i32
        %add3A_723 = arith.addi %add3A_706, %add3A_722 : i32
        %get3A_724 = arith.index_cast %add3A_723 : i32 to index
        %get3A_725 = tpu.vector_load %arg5[%get3A_724] {strides = array<i32>} : memref<8192xf32, #tpu.memory_space<vmem>>, vector<16xf32>,
        %get3A_726 = vector.shape_cast %get3A_725 : vector<16xf32> to vector<16xf32>
        %max3A_727 = arith.maximumf %max3A_698, %get3A_711 : vector<16xf32>
        %max3A_728 = arith.maximumf %max3A_699, %get3A_716 : vector<16xf32>
        %max3A_729 = arith.maximumf %max3A_700, %get3A_721 : vector<16xf32>
        %max3A_730 = arith.maximumf %max3A_701, %get3A_726 : vector<16xf32>
        scf.yield %max3A_727, %max3A_728, %max3A_729, %max3A_730 : vector<16xf32>, vector<16xf32>, vector<16xf32>, vector<16xf32>
      }
      %scan3A_606 = arith.constant 16 : i32
      %max3A_607 = arith.maximumf %scan3A_605#0, %scan3A_605#1 : vector<16xf32>
      %max3A_608 = arith.maximumf %scan3A_605#2, %scan3A_605#3 : vector<16xf32>
      %max3A_609 = arith.maximumf %max3A_607, %max3A_608 : vector<16xf32>
      %gt3A = arith.cmpf ogt, %max3A_609, %scan3A_597 : vector<16xf32>
      %select_n3A_610 = arith.select %gt3A, %max3A_609, %scan3A_597 : vector<16xi1>, vector<16xf32>
      %broadcast_in_dim3A_611 = vector.broadcast %scan3A_596 : i32 to vector<16xi32>
      %select_n3A_612 = arith.select %gt3A, %broadcast_in_dim3A_611, %scan3A_598 : vector<16xi1>, vector<16xi32>
      scf.yield %select_n3A_610, %select_n3A_612 : vector<16xf32>, vector<16xi32>
    }
    %scan3A_340 = arith.constant 8 : i32
    %iota3A_341 = tpu.iota {dimensions = array<i32: 0>} : vector<16xi32>
    %xor3A_342 = arith.constant 8 : i32
    %xor3A_343 = vector.broadcast %xor3A_342 : i32 to vector<16xi32>
    %xor3A_344 = arith.xori %iota3A_341, %xor3A_343 : vector<16xi32>
    %broadcast_in_dim3A_345 = vector.shape_cast %xor3A_344 : vector<16xi32> to vector<16x1xi32>
    %gather3A_346 = vector.shape_cast %broadcast_in_dim3A_345 : vector<16x1xi32> to vector<16xi32>
    %gather3A_347 = tpu.dynamic_gather %scan3A_339#0[%gather3A_346] in [0] : vector<16xf32>, vector<16xi32> -> vector<16xf32>
    %max3A_348 = arith.maximumf %scan3A_339#0, %gather3A_347 : vector<16xf32>
    %xor3A_349 = arith.constant 4 : i32
    %xor3A_350 = vector.broadcast %xor3A_349 : i32 to vector<16xi32>
    %xor3A_351 = arith.xori %iota3A_341, %xor3A_350 : vector<16xi32>
    %broadcast_in_dim3A_352 = vector.shape_cast %xor3A_351 : vector<16xi32> to vector<16x1xi32>
    %gather3A_353 = vector.shape_cast %broadcast_in_dim3A_352 : vector<16x1xi32> to vector<16xi32>
    %gather3A_354 = tpu.dynamic_gather %max3A_348[%gather3A_353] in [0] : vector<16xf32>, vector<16xi32> -> vector<16xf32>
    %max3A_355 = arith.maximumf %max3A_348, %gather3A_354 : vector<16xf32>
    %xor3A_356 = arith.constant 2 : i32
    %xor3A_357 = vector.broadcast %xor3A_356 : i32 to vector<16xi32>
    %xor3A_358 = arith.xori %iota3A_341, %xor3A_357 : vector<16xi32>
    %broadcast_in_dim3A_359 = vector.shape_cast %xor3A_358 : vector<16xi32> to vector<16x1xi32>
    %gather3A_360 = vector.shape_cast %broadcast_in_dim3A_359 : vector<16x1xi32> to vector<16xi32>
    %gather3A_361 = tpu.dynamic_gather %max3A_355[%gather3A_360] in [0] : vector<16xf32>, vector<16xi32> -> vector<16xf32>
    %max3A_362 = arith.maximumf %max3A_355, %gather3A_361 : vector<16xf32>
    %xor3A_363 = arith.constant 1 : i32
    %xor3A_364 = vector.broadcast %xor3A_363 : i32 to vector<16xi32>
    %xor3A_365 = arith.xori %iota3A_341, %xor3A_364 : vector<16xi32>
    %broadcast_in_dim3A_366 = vector.shape_cast %xor3A_365 : vector<16xi32> to vector<16x1xi32>
    %gather3A_367 = vector.shape_cast %broadcast_in_dim3A_366 : vector<16x1xi32> to vector<16xi32>
    %gather3A_368 = tpu.dynamic_gather %max3A_362[%gather3A_367] in [0] : vector<16xf32>, vector<16xi32> -> vector<16xf32>
    %max3A_369 = arith.maximumf %max3A_362, %gather3A_368 : vector<16xf32>
    %eq3A_370 = arith.cmpf oeq, %scan3A_339#0, %max3A_369 : vector<16xf32>
    %jit3A_371 = arith.constant 8 : i32
    %broadcast_in_dim3A_372 = vector.broadcast %jit3A_371 : i32 to vector<16xi32>
    %select_n3A_373 = arith.select %eq3A_370, %scan3A_339#1, %broadcast_in_dim3A_372 : vector<16xi1>, vector<16xi32>
    %iota3A_374 = tpu.iota {dimensions = array<i32: 0>} : vector<16xi32>
    %xor3A_375 = arith.constant 8 : i32
    %xor3A_376 = vector.broadcast %xor3A_375 : i32 to vector<16xi32>
    %xor3A_377 = arith.xori %iota3A_374, %xor3A_376 : vector<16xi32>
    %broadcast_in_dim3A_378 = vector.shape_cast %xor3A_377 : vector<16xi32> to vector<16x1xi32>
    %gather3A_379 = vector.shape_cast %broadcast_in_dim3A_378 : vector<16x1xi32> to vector<16xi32>
    %gather3A_380 = tpu.dynamic_gather %select_n3A_373[%gather3A_379] in [0] : vector<16xi32>, vector<16xi32> -> vector<16xi32>
    %min3A_381 = arith.minsi %select_n3A_373, %gather3A_380 : vector<16xi32>
    %xor3A_382 = arith.constant 4 : i32
    %xor3A_383 = vector.broadcast %xor3A_382 : i32 to vector<16xi32>
    %xor3A_384 = arith.xori %iota3A_374, %xor3A_383 : vector<16xi32>
    %broadcast_in_dim3A_385 = vector.shape_cast %xor3A_384 : vector<16xi32> to vector<16x1xi32>
    %gather3A_386 = vector.shape_cast %broadcast_in_dim3A_385 : vector<16x1xi32> to vector<16xi32>
    %gather3A_387 = tpu.dynamic_gather %min3A_381[%gather3A_386] in [0] : vector<16xi32>, vector<16xi32> -> vector<16xi32>
    %min3A_388 = arith.minsi %min3A_381, %gather3A_387 : vector<16xi32>
    %xor3A_389 = arith.constant 2 : i32
    %xor3A_390 = vector.broadcast %xor3A_389 : i32 to vector<16xi32>
    %xor3A_391 = arith.xori %iota3A_374, %xor3A_390 : vector<16xi32>
    %broadcast_in_dim3A_392 = vector.shape_cast %xor3A_391 : vector<16xi32> to vector<16x1xi32>
    %gather3A_393 = vector.shape_cast %broadcast_in_dim3A_392 : vector<16x1xi32> to vector<16xi32>
    %gather3A_394 = tpu.dynamic_gather %min3A_388[%gather3A_393] in [0] : vector<16xi32>, vector<16xi32> -> vector<16xi32>
    %min3A_395 = arith.minsi %min3A_388, %gather3A_394 : vector<16xi32>
    %xor3A_396 = arith.constant 1 : i32
    %xor3A_397 = vector.broadcast %xor3A_396 : i32 to vector<16xi32>
    %xor3A_398 = arith.xori %iota3A_374, %xor3A_397 : vector<16xi32>
    %broadcast_in_dim3A_399 = vector.shape_cast %xor3A_398 : vector<16xi32> to vector<16x1xi32>
    %gather3A_400 = vector.shape_cast %broadcast_in_dim3A_399 : vector<16x1xi32> to vector<16xi32>
    %gather3A_401 = tpu.dynamic_gather %min3A_395[%gather3A_400] in [0] : vector<16xi32>, vector<16xi32> -> vector<16xi32>
    %min3A_402 = arith.minsi %min3A_395, %gather3A_401 : vector<16xi32>
    %slice3A_403 = vector.extract_strided_slice %min3A_402 {offsets = [0], sizes = [1], strides = [1]} : vector<16xi32> to vector<1xi32>
    %squeeze3A_404 = vector.extract %slice3A_403[0] : i32 from vector<1xi32>
    %mul3A_405 = arith.constant 1024 : i32
    %mul3A_406 = arith.muli %squeeze3A_404, %mul3A_405 : i32
    %add3A_407 = vector.broadcast %mul3A_406 : i32 to vector<16xi32>
    %add3A_408 = arith.addi %iota3A_328, %add3A_407 : vector<16xi32>
    %scan3A_409 = arith.constant 0 : i32
    %scan3A_410 = arith.constant 32 : i32
    %scan3A_411 = arith.addi %scan3A_409, %scan3A_410 : i32
    %scan3A_412 = arith.constant 2 : i32
    %scan3A_413:3 = scf.for %scan3A_596 = %scan3A_409 to %scan3A_411 step %scan3A_412 iter_args(%scan3A_597 = %broadcast_in_dim3A_332, %scan3A_598 = %broadcast_in_dim3A_332, %scan3A_599 = %add3A_408) -> (vector<16xi32>, vector<16xi32>, vector<16xi32>)  : i32 {
      %mul3A_600 = arith.constant 32 : i32
      %mul3A_601 = arith.muli %scan3A_596, %mul3A_600 : i32
      %add3A_602 = arith.addi %mul3A_406, %mul3A_601 : i32
      %get3A = arith.index_cast %add3A_602 : i32 to index
      %get3A_603 = tpu.vector_load %arg5[%get3A] {strides = array<i32>} : memref<8192xf32, #tpu.memory_space<vmem>>, vector<16xf32>,
      %get3A_604 = vector.shape_cast %get3A_603 : vector<16xf32> to vector<16xf32>
      %mul3A_605 = arith.constant 32 : i32
      %mul3A_606 = arith.muli %scan3A_596, %mul3A_605 : i32
      %add3A_607 = arith.addi %mul3A_406, %mul3A_606 : i32
      %add3A_608 = arith.constant 16 : i32
      %add3A_609 = arith.addi %add3A_607, %add3A_608 : i32
      %get3A_610 = arith.index_cast %add3A_609 : i32 to index
      %get3A_611 = tpu.vector_load %arg5[%get3A_610] {strides = array<i32>} : memref<8192xf32, #tpu.memory_space<vmem>>, vector<16xf32>,
      %get3A_612 = vector.shape_cast %get3A_611 : vector<16xf32> to vector<16xf32>
      %eq3A_613 = arith.cmpf oeq, %get3A_604, %max3A_369 : vector<16xf32>
      %select_n3A_614 = arith.select %eq3A_613, %scan3A_599, %broadcast_in_dim3A_332 : vector<16xi1>, vector<16xi32>
      %min3A_615 = arith.minsi %scan3A_597, %select_n3A_614 : vector<16xi32>
      %eq3A_616 = arith.cmpf oeq, %get3A_612, %max3A_369 : vector<16xf32>
      %add3A_617 = arith.constant 16 : i32
      %add3A_618 = vector.broadcast %add3A_617 : i32 to vector<16xi32>
      %add3A_619 = arith.addi %scan3A_599, %add3A_618 : vector<16xi32>
      %select_n3A_620 = arith.select %eq3A_616, %add3A_619, %broadcast_in_dim3A_332 : vector<16xi1>, vector<16xi32>
      %min3A_621 = arith.minsi %scan3A_598, %select_n3A_620 : vector<16xi32>
      %add3A_622 = arith.constant 32 : i32
      %add3A_623 = vector.broadcast %add3A_622 : i32 to vector<16xi32>
      %add3A_624 = arith.addi %scan3A_599, %add3A_623 : vector<16xi32>
      %scan3A_625 = arith.constant 1 : i32
      %scan3A_626 = arith.addi %scan3A_596, %scan3A_625 : i32
      %mul3A_627 = arith.constant 32 : i32
      %mul3A_628 = arith.muli %scan3A_626, %mul3A_627 : i32
      %add3A_629 = arith.addi %mul3A_406, %mul3A_628 : i32
      %get3A_630 = arith.index_cast %add3A_629 : i32 to index
      %get3A_631 = tpu.vector_load %arg5[%get3A_630] {strides = array<i32>} : memref<8192xf32, #tpu.memory_space<vmem>>, vector<16xf32>,
      %get3A_632 = vector.shape_cast %get3A_631 : vector<16xf32> to vector<16xf32>
      %mul3A_633 = arith.constant 32 : i32
      %mul3A_634 = arith.muli %scan3A_626, %mul3A_633 : i32
      %add3A_635 = arith.addi %mul3A_406, %mul3A_634 : i32
      %add3A_636 = arith.constant 16 : i32
      %add3A_637 = arith.addi %add3A_635, %add3A_636 : i32
      %get3A_638 = arith.index_cast %add3A_637 : i32 to index
      %get3A_639 = tpu.vector_load %arg5[%get3A_638] {strides = array<i32>} : memref<8192xf32, #tpu.memory_space<vmem>>, vector<16xf32>,
      %get3A_640 = vector.shape_cast %get3A_639 : vector<16xf32> to vector<16xf32>
      %eq3A_641 = arith.cmpf oeq, %get3A_632, %max3A_369 : vector<16xf32>
      %select_n3A_642 = arith.select %eq3A_641, %add3A_624, %broadcast_in_dim3A_332 : vector<16xi1>, vector<16xi32>
      %min3A_643 = arith.minsi %min3A_615, %select_n3A_642 : vector<16xi32>
      %eq3A_644 = arith.cmpf oeq, %get3A_640, %max3A_369 : vector<16xf32>
      %add3A_645 = arith.constant 16 : i32
      %add3A_646 = vector.broadcast %add3A_645 : i32 to vector<16xi32>
      %add3A_647 = arith.addi %add3A_624, %add3A_646 : vector<16xi32>
      %select_n3A_648 = arith.select %eq3A_644, %add3A_647, %broadcast_in_dim3A_332 : vector<16xi1>, vector<16xi32>
      %min3A_649 = arith.minsi %min3A_621, %select_n3A_648 : vector<16xi32>
      %add3A_650 = arith.constant 32 : i32
      %add3A_651 = vector.broadcast %add3A_650 : i32 to vector<16xi32>
      %add3A_652 = arith.addi %add3A_624, %add3A_651 : vector<16xi32>
      scf.yield %min3A_643, %min3A_649, %add3A_652 : vector<16xi32>, vector<16xi32>, vector<16xi32>
    }
    %scan3A_414 = arith.constant 32 : i32
    %min3A_415 = arith.minsi %scan3A_413#0, %scan3A_413#1 : vector<16xi32>
    %iota3A_416 = tpu.iota {dimensions = array<i32: 0>} : vector<16xi32>
    %xor3A_417 = arith.constant 8 : i32
    %xor3A_418 = vector.broadcast %xor3A_417 : i32 to vector<16xi32>
    %xor3A_419 = arith.xori %iota3A_416, %xor3A_418 : vector<16xi32>
    %broadcast_in_dim3A_420 = vector.shape_cast %xor3A_419 : vector<16xi32> to vector<16x1xi32>
    %gather3A_421 = vector.shape_cast %broadcast_in_dim3A_420 : vector<16x1xi32> to vector<16xi32>
    %gather3A_422 = tpu.dynamic_gather %min3A_415[%gather3A_421] in [0] : vector<16xi32>, vector<16xi32> -> vector<16xi32>
    %min3A_423 = arith.minsi %min3A_415, %gather3A_422 : vector<16xi32>
    %xor3A_424 = arith.constant 4 : i32
    %xor3A_425 = vector.broadcast %xor3A_424 : i32 to vector<16xi32>
    %xor3A_426 = arith.xori %iota3A_416, %xor3A_425 : vector<16xi32>
    %broadcast_in_dim3A_427 = vector.shape_cast %xor3A_426 : vector<16xi32> to vector<16x1xi32>
    %gather3A_428 = vector.shape_cast %broadcast_in_dim3A_427 : vector<16x1xi32> to vector<16xi32>
    %gather3A_429 = tpu.dynamic_gather %min3A_423[%gather3A_428] in [0] : vector<16xi32>, vector<16xi32> -> vector<16xi32>
    %min3A_430 = arith.minsi %min3A_423, %gather3A_429 : vector<16xi32>
    %xor3A_431 = arith.constant 2 : i32
    %xor3A_432 = vector.broadcast %xor3A_431 : i32 to vector<16xi32>
    %xor3A_433 = arith.xori %iota3A_416, %xor3A_432 : vector<16xi32>
    %broadcast_in_dim3A_434 = vector.shape_cast %xor3A_433 : vector<16xi32> to vector<16x1xi32>
    %gather3A_435 = vector.shape_cast %broadcast_in_dim3A_434 : vector<16x1xi32> to vector<16xi32>
    %gather3A_436 = tpu.dynamic_gather %min3A_430[%gather3A_435] in [0] : vector<16xi32>, vector<16xi32> -> vector<16xi32>
    %min3A_437 = arith.minsi %min3A_430, %gather3A_436 : vector<16xi32>
    %xor3A_438 = arith.constant 1 : i32
    %xor3A_439 = vector.broadcast %xor3A_438 : i32 to vector<16xi32>
    %xor3A_440 = arith.xori %iota3A_416, %xor3A_439 : vector<16xi32>
    %broadcast_in_dim3A_441 = vector.shape_cast %xor3A_440 : vector<16xi32> to vector<16x1xi32>
    %gather3A_442 = vector.shape_cast %broadcast_in_dim3A_441 : vector<16x1xi32> to vector<16xi32>
    %gather3A_443 = tpu.dynamic_gather %min3A_437[%gather3A_442] in [0] : vector<16xi32>, vector<16xi32> -> vector<16xi32>
    %min3A_444 = arith.minsi %min3A_437, %gather3A_443 : vector<16xi32>
    %swap3A_445 = arith.constant 2 : i32
    %swap3A_446 = arith.index_cast %swap3A_445 : i32 to index
    %swap3A_447 = arith.constant 0 : index
    %swap3A_448 = tpu.vector_load %arg7[%swap3A_446, %swap3A_447] {strides = array<i32>} : memref<4x16xf32, #tpu.memory_space<vmem>>, vector<1x16xf32>,
    %swap3A_449 = vector.shape_cast %swap3A_448 : vector<1x16xf32> to vector<16xf32>
    %swap3A_450 = vector.shape_cast %max3A_369 : vector<16xf32> to vector<1x16xf32>
    tpu.vector_store %arg7[%swap3A_446, %swap3A_447], %swap3A_450 {strides = array<i32>} : memref<4x16xf32, #tpu.memory_space<vmem>>, vector<1x16xf32>,
    %swap3A_451 = arith.constant 2 : i32
    %swap3A_452 = arith.index_cast %swap3A_451 : i32 to index
    %swap3A_453 = arith.constant 0 : index
    %swap3A_454 = tpu.vector_load %arg8[%swap3A_452, %swap3A_453] {strides = array<i32>} : memref<4x16xi32, #tpu.memory_space<vmem>>, vector<1x16xi32>,
    %swap3A_455 = vector.shape_cast %swap3A_454 : vector<1x16xi32> to vector<16xi32>
    %swap3A_456 = vector.shape_cast %min3A_444 : vector<16xi32> to vector<1x16xi32>
    tpu.vector_store %arg8[%swap3A_452, %swap3A_453], %swap3A_456 {strides = array<i32>} : memref<4x16xi32, #tpu.memory_space<vmem>>, vector<1x16xi32>,
    %dma_wait3A_457 = arith.constant 0 : i32
    %dma_wait3A_458 = tpu.memref_slice %arg2[%add3A_295, %dma_wait3A_457] : memref<128x32768xf32, #tpu.memory_space<hbm>> -> memref<1x32768xf32, #tpu.memory_space<hbm>>
    %dma_wait3A_459 = tpu.memref_squeeze %dma_wait3A_458 : memref<1x32768xf32, #tpu.memory_space<hbm>> -> memref<32768xf32, #tpu.memory_space<hbm>>
    %dma_wait3A_460 = arith.constant 0 : i32
    %dma_wait3A_461 = tpu.memref_slice %dma_wait3A_459[%dma_wait3A_460] : memref<32768xf32, #tpu.memory_space<hbm>> -> memref<8192xf32, #tpu.memory_space<hbm>>
    %dma_wait3A_462 = arith.constant 0 : i32
    %dma_wait3A_463 = tpu.memref_slice %arg2[%add3A_295, %dma_wait3A_462] : memref<128x32768xf32, #tpu.memory_space<hbm>> -> memref<1x32768xf32, #tpu.memory_space<hbm>>
    %dma_wait3A_464 = tpu.memref_squeeze %dma_wait3A_463 : memref<1x32768xf32, #tpu.memory_space<hbm>> -> memref<32768xf32, #tpu.memory_space<hbm>>
    %dma_wait3A_465 = arith.constant 0 : i32
    %dma_wait3A_466 = tpu.memref_slice %dma_wait3A_464[%dma_wait3A_465] : memref<32768xf32, #tpu.memory_space<hbm>> -> memref<8192xf32, #tpu.memory_space<hbm>>
    tpu.wait_dma2 semaphore(%arg10 : memref<!tpu.dma_semaphore, #tpu.memory_space<semaphore_mem>>) src(%dma_wait3A_466 : memref<8192xf32, #tpu.memory_space<hbm>>) dst(%arg6 : memref<8192xf32, #tpu.memory_space<vmem>>)
    %iota3A_467 = tpu.iota {dimensions = array<i32: 0>} : vector<16xi32>
    %broadcast_in_dim3A_468 = arith.constant 0xFF800000 : f32
    %broadcast_in_dim3A_469 = vector.broadcast %broadcast_in_dim3A_468 : f32 to vector<16xf32>
    %broadcast_in_dim3A_470 = arith.constant 32768 : i32
    %broadcast_in_dim3A_471 = vector.broadcast %broadcast_in_dim3A_470 : i32 to vector<16xi32>
    %broadcast_in_dim3A_472 = arith.constant 0 : i32
    %broadcast_in_dim3A_473 = vector.broadcast %broadcast_in_dim3A_472 : i32 to vector<16xi32>
    %scan3A_474 = arith.constant 0 : i32
    %scan3A_475 = arith.constant 8 : i32
    %scan3A_476 = arith.addi %scan3A_474, %scan3A_475 : i32
    %scan3A_477 = arith.constant 1 : i32
    %scan3A_478:2 = scf.for %scan3A_596 = %scan3A_474 to %scan3A_476 step %scan3A_477 iter_args(%scan3A_597 = %broadcast_in_dim3A_469, %scan3A_598 = %broadcast_in_dim3A_473) -> (vector<16xf32>, vector<16xi32>)  : i32 {
      %mul3A_599 = arith.constant 1024 : i32
      %mul3A_600 = arith.muli %scan3A_596, %mul3A_599 : i32
      %scan3A_601 = arith.constant 0 : i32
      %scan3A_602 = arith.constant 16 : i32
      %scan3A_603 = arith.addi %scan3A_601, %scan3A_602 : i32
      %scan3A_604 = arith.constant 4 : i32
      %scan3A_605:4 = scf.for %scan3A_613 = %scan3A_601 to %scan3A_603 step %scan3A_604 iter_args(%scan3A_614 = %broadcast_in_dim3A_469, %scan3A_615 = %broadcast_in_dim3A_469, %scan3A_616 = %broadcast_in_dim3A_469, %scan3A_617 = %broadcast_in_dim3A_469) -> (vector<16xf32>, vector<16xf32>, vector<16xf32>, vector<16xf32>)  : i32 {
        %mul3A_618 = arith.constant 64 : i32
        %mul3A_619 = arith.muli %scan3A_613, %mul3A_618 : i32
        %add3A_620 = arith.addi %mul3A_600, %mul3A_619 : i32
        %add3A_621 = arith.constant 0 : i32
        %add3A_622 = arith.addi %add3A_620, %add3A_621 : i32
        %get3A = arith.index_cast %add3A_622 : i32 to index
        %get3A_623 = tpu.vector_load %arg6[%get3A] {strides = array<i32>} : memref<8192xf32, #tpu.memory_space<vmem>>, vector<16xf32>,
        %get3A_624 = vector.shape_cast %get3A_623 : vector<16xf32> to vector<16xf32>
        %add3A_625 = arith.constant 16 : i32
        %add3A_626 = arith.addi %add3A_620, %add3A_625 : i32
        %get3A_627 = arith.index_cast %add3A_626 : i32 to index
        %get3A_628 = tpu.vector_load %arg6[%get3A_627] {strides = array<i32>} : memref<8192xf32, #tpu.memory_space<vmem>>, vector<16xf32>,
        %get3A_629 = vector.shape_cast %get3A_628 : vector<16xf32> to vector<16xf32>
        %add3A_630 = arith.constant 32 : i32
        %add3A_631 = arith.addi %add3A_620, %add3A_630 : i32
        %get3A_632 = arith.index_cast %add3A_631 : i32 to index
        %get3A_633 = tpu.vector_load %arg6[%get3A_632] {strides = array<i32>} : memref<8192xf32, #tpu.memory_space<vmem>>, vector<16xf32>,
        %get3A_634 = vector.shape_cast %get3A_633 : vector<16xf32> to vector<16xf32>
        %add3A_635 = arith.constant 48 : i32
        %add3A_636 = arith.addi %add3A_620, %add3A_635 : i32
        %get3A_637 = arith.index_cast %add3A_636 : i32 to index
        %get3A_638 = tpu.vector_load %arg6[%get3A_637] {strides = array<i32>} : memref<8192xf32, #tpu.memory_space<vmem>>, vector<16xf32>,
        %get3A_639 = vector.shape_cast %get3A_638 : vector<16xf32> to vector<16xf32>
        %max3A_640 = arith.maximumf %scan3A_614, %get3A_624 : vector<16xf32>
        %max3A_641 = arith.maximumf %scan3A_615, %get3A_629 : vector<16xf32>
        %max3A_642 = arith.maximumf %scan3A_616, %get3A_634 : vector<16xf32>
        %max3A_643 = arith.maximumf %scan3A_617, %get3A_639 : vector<16xf32>
        %scan3A_644 = arith.constant 1 : i32
        %scan3A_645 = arith.addi %scan3A_613, %scan3A_644 : i32
        %mul3A_646 = arith.constant 64 : i32
        %mul3A_647 = arith.muli %scan3A_645, %mul3A_646 : i32
        %add3A_648 = arith.addi %mul3A_600, %mul3A_647 : i32
        %add3A_649 = arith.constant 0 : i32
        %add3A_650 = arith.addi %add3A_648, %add3A_649 : i32
        %get3A_651 = arith.index_cast %add3A_650 : i32 to index
        %get3A_652 = tpu.vector_load %arg6[%get3A_651] {strides = array<i32>} : memref<8192xf32, #tpu.memory_space<vmem>>, vector<16xf32>,
        %get3A_653 = vector.shape_cast %get3A_652 : vector<16xf32> to vector<16xf32>
        %add3A_654 = arith.constant 16 : i32
        %add3A_655 = arith.addi %add3A_648, %add3A_654 : i32
        %get3A_656 = arith.index_cast %add3A_655 : i32 to index
        %get3A_657 = tpu.vector_load %arg6[%get3A_656] {strides = array<i32>} : memref<8192xf32, #tpu.memory_space<vmem>>, vector<16xf32>,
        %get3A_658 = vector.shape_cast %get3A_657 : vector<16xf32> to vector<16xf32>
        %add3A_659 = arith.constant 32 : i32
        %add3A_660 = arith.addi %add3A_648, %add3A_659 : i32
        %get3A_661 = arith.index_cast %add3A_660 : i32 to index
        %get3A_662 = tpu.vector_load %arg6[%get3A_661] {strides = array<i32>} : memref<8192xf32, #tpu.memory_space<vmem>>, vector<16xf32>,
        %get3A_663 = vector.shape_cast %get3A_662 : vector<16xf32> to vector<16xf32>
        %add3A_664 = arith.constant 48 : i32
        %add3A_665 = arith.addi %add3A_648, %add3A_664 : i32
        %get3A_666 = arith.index_cast %add3A_665 : i32 to index
        %get3A_667 = tpu.vector_load %arg6[%get3A_666] {strides = array<i32>} : memref<8192xf32, #tpu.memory_space<vmem>>, vector<16xf32>,
        %get3A_668 = vector.shape_cast %get3A_667 : vector<16xf32> to vector<16xf32>
        %max3A_669 = arith.maximumf %max3A_640, %get3A_653 : vector<16xf32>
        %max3A_670 = arith.maximumf %max3A_641, %get3A_658 : vector<16xf32>
        %max3A_671 = arith.maximumf %max3A_642, %get3A_663 : vector<16xf32>
        %max3A_672 = arith.maximumf %max3A_643, %get3A_668 : vector<16xf32>
        %scan3A_673 = arith.constant 2 : i32
        %scan3A_674 = arith.addi %scan3A_613, %scan3A_673 : i32
        %mul3A_675 = arith.constant 64 : i32
        %mul3A_676 = arith.muli %scan3A_674, %mul3A_675 : i32
        %add3A_677 = arith.addi %mul3A_600, %mul3A_676 : i32
        %add3A_678 = arith.constant 0 : i32
        %add3A_679 = arith.addi %add3A_677, %add3A_678 : i32
        %get3A_680 = arith.index_cast %add3A_679 : i32 to index
        %get3A_681 = tpu.vector_load %arg6[%get3A_680] {strides = array<i32>} : memref<8192xf32, #tpu.memory_space<vmem>>, vector<16xf32>,
        %get3A_682 = vector.shape_cast %get3A_681 : vector<16xf32> to vector<16xf32>
        %add3A_683 = arith.constant 16 : i32
        %add3A_684 = arith.addi %add3A_677, %add3A_683 : i32
        %get3A_685 = arith.index_cast %add3A_684 : i32 to index
        %get3A_686 = tpu.vector_load %arg6[%get3A_685] {strides = array<i32>} : memref<8192xf32, #tpu.memory_space<vmem>>, vector<16xf32>,
        %get3A_687 = vector.shape_cast %get3A_686 : vector<16xf32> to vector<16xf32>
        %add3A_688 = arith.constant 32 : i32
        %add3A_689 = arith.addi %add3A_677, %add3A_688 : i32
        %get3A_690 = arith.index_cast %add3A_689 : i32 to index
        %get3A_691 = tpu.vector_load %arg6[%get3A_690] {strides = array<i32>} : memref<8192xf32, #tpu.memory_space<vmem>>, vector<16xf32>,
        %get3A_692 = vector.shape_cast %get3A_691 : vector<16xf32> to vector<16xf32>
        %add3A_693 = arith.constant 48 : i32
        %add3A_694 = arith.addi %add3A_677, %add3A_693 : i32
        %get3A_695 = arith.index_cast %add3A_694 : i32 to index
        %get3A_696 = tpu.vector_load %arg6[%get3A_695] {strides = array<i32>} : memref<8192xf32, #tpu.memory_space<vmem>>, vector<16xf32>,
        %get3A_697 = vector.shape_cast %get3A_696 : vector<16xf32> to vector<16xf32>
        %max3A_698 = arith.maximumf %max3A_669, %get3A_682 : vector<16xf32>
        %max3A_699 = arith.maximumf %max3A_670, %get3A_687 : vector<16xf32>
        %max3A_700 = arith.maximumf %max3A_671, %get3A_692 : vector<16xf32>
        %max3A_701 = arith.maximumf %max3A_672, %get3A_697 : vector<16xf32>
        %scan3A_702 = arith.constant 3 : i32
        %scan3A_703 = arith.addi %scan3A_613, %scan3A_702 : i32
        %mul3A_704 = arith.constant 64 : i32
        %mul3A_705 = arith.muli %scan3A_703, %mul3A_704 : i32
        %add3A_706 = arith.addi %mul3A_600, %mul3A_705 : i32
        %add3A_707 = arith.constant 0 : i32
        %add3A_708 = arith.addi %add3A_706, %add3A_707 : i32
        %get3A_709 = arith.index_cast %add3A_708 : i32 to index
        %get3A_710 = tpu.vector_load %arg6[%get3A_709] {strides = array<i32>} : memref<8192xf32, #tpu.memory_space<vmem>>, vector<16xf32>,
        %get3A_711 = vector.shape_cast %get3A_710 : vector<16xf32> to vector<16xf32>
        %add3A_712 = arith.constant 16 : i32
        %add3A_713 = arith.addi %add3A_706, %add3A_712 : i32
        %get3A_714 = arith.index_cast %add3A_713 : i32 to index
        %get3A_715 = tpu.vector_load %arg6[%get3A_714] {strides = array<i32>} : memref<8192xf32, #tpu.memory_space<vmem>>, vector<16xf32>,
        %get3A_716 = vector.shape_cast %get3A_715 : vector<16xf32> to vector<16xf32>
        %add3A_717 = arith.constant 32 : i32
        %add3A_718 = arith.addi %add3A_706, %add3A_717 : i32
        %get3A_719 = arith.index_cast %add3A_718 : i32 to index
        %get3A_720 = tpu.vector_load %arg6[%get3A_719] {strides = array<i32>} : memref<8192xf32, #tpu.memory_space<vmem>>, vector<16xf32>,
        %get3A_721 = vector.shape_cast %get3A_720 : vector<16xf32> to vector<16xf32>
        %add3A_722 = arith.constant 48 : i32
        %add3A_723 = arith.addi %add3A_706, %add3A_722 : i32
        %get3A_724 = arith.index_cast %add3A_723 : i32 to index
        %get3A_725 = tpu.vector_load %arg6[%get3A_724] {strides = array<i32>} : memref<8192xf32, #tpu.memory_space<vmem>>, vector<16xf32>,
        %get3A_726 = vector.shape_cast %get3A_725 : vector<16xf32> to vector<16xf32>
        %max3A_727 = arith.maximumf %max3A_698, %get3A_711 : vector<16xf32>
        %max3A_728 = arith.maximumf %max3A_699, %get3A_716 : vector<16xf32>
        %max3A_729 = arith.maximumf %max3A_700, %get3A_721 : vector<16xf32>
        %max3A_730 = arith.maximumf %max3A_701, %get3A_726 : vector<16xf32>
        scf.yield %max3A_727, %max3A_728, %max3A_729, %max3A_730 : vector<16xf32>, vector<16xf32>, vector<16xf32>, vector<16xf32>
      }
      %scan3A_606 = arith.constant 16 : i32
      %max3A_607 = arith.maximumf %scan3A_605#0, %scan3A_605#1 : vector<16xf32>
      %max3A_608 = arith.maximumf %scan3A_605#2, %scan3A_605#3 : vector<16xf32>
      %max3A_609 = arith.maximumf %max3A_607, %max3A_608 : vector<16xf32>
      %gt3A = arith.cmpf ogt, %max3A_609, %scan3A_597 : vector<16xf32>
      %select_n3A_610 = arith.select %gt3A, %max3A_609, %scan3A_597 : vector<16xi1>, vector<16xf32>
      %broadcast_in_dim3A_611 = vector.broadcast %scan3A_596 : i32 to vector<16xi32>
      %select_n3A_612 = arith.select %gt3A, %broadcast_in_dim3A_611, %scan3A_598 : vector<16xi1>, vector<16xi32>
      scf.yield %select_n3A_610, %select_n3A_612 : vector<16xf32>, vector<16xi32>
    }
    %scan3A_479 = arith.constant 8 : i32
    %iota3A_480 = tpu.iota {dimensions = array<i32: 0>} : vector<16xi32>
    %xor3A_481 = arith.constant 8 : i32
    %xor3A_482 = vector.broadcast %xor3A_481 : i32 to vector<16xi32>
    %xor3A_483 = arith.xori %iota3A_480, %xor3A_482 : vector<16xi32>
    %broadcast_in_dim3A_484 = vector.shape_cast %xor3A_483 : vector<16xi32> to vector<16x1xi32>
    %gather3A_485 = vector.shape_cast %broadcast_in_dim3A_484 : vector<16x1xi32> to vector<16xi32>
    %gather3A_486 = tpu.dynamic_gather %scan3A_478#0[%gather3A_485] in [0] : vector<16xf32>, vector<16xi32> -> vector<16xf32>
    %max3A_487 = arith.maximumf %scan3A_478#0, %gather3A_486 : vector<16xf32>
    %xor3A_488 = arith.constant 4 : i32
    %xor3A_489 = vector.broadcast %xor3A_488 : i32 to vector<16xi32>
    %xor3A_490 = arith.xori %iota3A_480, %xor3A_489 : vector<16xi32>
    %broadcast_in_dim3A_491 = vector.shape_cast %xor3A_490 : vector<16xi32> to vector<16x1xi32>
    %gather3A_492 = vector.shape_cast %broadcast_in_dim3A_491 : vector<16x1xi32> to vector<16xi32>
    %gather3A_493 = tpu.dynamic_gather %max3A_487[%gather3A_492] in [0] : vector<16xf32>, vector<16xi32> -> vector<16xf32>
    %max3A_494 = arith.maximumf %max3A_487, %gather3A_493 : vector<16xf32>
    %xor3A_495 = arith.constant 2 : i32
    %xor3A_496 = vector.broadcast %xor3A_495 : i32 to vector<16xi32>
    %xor3A_497 = arith.xori %iota3A_480, %xor3A_496 : vector<16xi32>
    %broadcast_in_dim3A_498 = vector.shape_cast %xor3A_497 : vector<16xi32> to vector<16x1xi32>
    %gather3A_499 = vector.shape_cast %broadcast_in_dim3A_498 : vector<16x1xi32> to vector<16xi32>
    %gather3A_500 = tpu.dynamic_gather %max3A_494[%gather3A_499] in [0] : vector<16xf32>, vector<16xi32> -> vector<16xf32>
    %max3A_501 = arith.maximumf %max3A_494, %gather3A_500 : vector<16xf32>
    %xor3A_502 = arith.constant 1 : i32
    %xor3A_503 = vector.broadcast %xor3A_502 : i32 to vector<16xi32>
    %xor3A_504 = arith.xori %iota3A_480, %xor3A_503 : vector<16xi32>
    %broadcast_in_dim3A_505 = vector.shape_cast %xor3A_504 : vector<16xi32> to vector<16x1xi32>
    %gather3A_506 = vector.shape_cast %broadcast_in_dim3A_505 : vector<16x1xi32> to vector<16xi32>
    %gather3A_507 = tpu.dynamic_gather %max3A_501[%gather3A_506] in [0] : vector<16xf32>, vector<16xi32> -> vector<16xf32>
    %max3A_508 = arith.maximumf %max3A_501, %gather3A_507 : vector<16xf32>
    %eq3A_509 = arith.cmpf oeq, %scan3A_478#0, %max3A_508 : vector<16xf32>
    %jit3A_510 = arith.constant 8 : i32
    %broadcast_in_dim3A_511 = vector.broadcast %jit3A_510 : i32 to vector<16xi32>
    %select_n3A_512 = arith.select %eq3A_509, %scan3A_478#1, %broadcast_in_dim3A_511 : vector<16xi1>, vector<16xi32>
    %iota3A_513 = tpu.iota {dimensions = array<i32: 0>} : vector<16xi32>
    %xor3A_514 = arith.constant 8 : i32
    %xor3A_515 = vector.broadcast %xor3A_514 : i32 to vector<16xi32>
    %xor3A_516 = arith.xori %iota3A_513, %xor3A_515 : vector<16xi32>
    %broadcast_in_dim3A_517 = vector.shape_cast %xor3A_516 : vector<16xi32> to vector<16x1xi32>
    %gather3A_518 = vector.shape_cast %broadcast_in_dim3A_517 : vector<16x1xi32> to vector<16xi32>
    %gather3A_519 = tpu.dynamic_gather %select_n3A_512[%gather3A_518] in [0] : vector<16xi32>, vector<16xi32> -> vector<16xi32>
    %min3A_520 = arith.minsi %select_n3A_512, %gather3A_519 : vector<16xi32>
    %xor3A_521 = arith.constant 4 : i32
    %xor3A_522 = vector.broadcast %xor3A_521 : i32 to vector<16xi32>
    %xor3A_523 = arith.xori %iota3A_513, %xor3A_522 : vector<16xi32>
    %broadcast_in_dim3A_524 = vector.shape_cast %xor3A_523 : vector<16xi32> to vector<16x1xi32>
    %gather3A_525 = vector.shape_cast %broadcast_in_dim3A_524 : vector<16x1xi32> to vector<16xi32>
    %gather3A_526 = tpu.dynamic_gather %min3A_520[%gather3A_525] in [0] : vector<16xi32>, vector<16xi32> -> vector<16xi32>
    %min3A_527 = arith.minsi %min3A_520, %gather3A_526 : vector<16xi32>
    %xor3A_528 = arith.constant 2 : i32
    %xor3A_529 = vector.broadcast %xor3A_528 : i32 to vector<16xi32>
    %xor3A_530 = arith.xori %iota3A_513, %xor3A_529 : vector<16xi32>
    %broadcast_in_dim3A_531 = vector.shape_cast %xor3A_530 : vector<16xi32> to vector<16x1xi32>
    %gather3A_532 = vector.shape_cast %broadcast_in_dim3A_531 : vector<16x1xi32> to vector<16xi32>
    %gather3A_533 = tpu.dynamic_gather %min3A_527[%gather3A_532] in [0] : vector<16xi32>, vector<16xi32> -> vector<16xi32>
    %min3A_534 = arith.minsi %min3A_527, %gather3A_533 : vector<16xi32>
    %xor3A_535 = arith.constant 1 : i32
    %xor3A_536 = vector.broadcast %xor3A_535 : i32 to vector<16xi32>
    %xor3A_537 = arith.xori %iota3A_513, %xor3A_536 : vector<16xi32>
    %broadcast_in_dim3A_538 = vector.shape_cast %xor3A_537 : vector<16xi32> to vector<16x1xi32>
    %gather3A_539 = vector.shape_cast %broadcast_in_dim3A_538 : vector<16x1xi32> to vector<16xi32>
    %gather3A_540 = tpu.dynamic_gather %min3A_534[%gather3A_539] in [0] : vector<16xi32>, vector<16xi32> -> vector<16xi32>
    %min3A_541 = arith.minsi %min3A_534, %gather3A_540 : vector<16xi32>
    %slice3A_542 = vector.extract_strided_slice %min3A_541 {offsets = [0], sizes = [1], strides = [1]} : vector<16xi32> to vector<1xi32>
    %squeeze3A_543 = vector.extract %slice3A_542[0] : i32 from vector<1xi32>
    %mul3A_544 = arith.constant 1024 : i32
    %mul3A_545 = arith.muli %squeeze3A_543, %mul3A_544 : i32
    %add3A_546 = vector.broadcast %mul3A_545 : i32 to vector<16xi32>
    %add3A_547 = arith.addi %iota3A_467, %add3A_546 : vector<16xi32>
    %scan3A_548 = arith.constant 0 : i32
    %scan3A_549 = arith.constant 32 : i32
    %scan3A_550 = arith.addi %scan3A_548, %scan3A_549 : i32
    %scan3A_551 = arith.constant 2 : i32
    %scan3A_552:3 = scf.for %scan3A_596 = %scan3A_548 to %scan3A_550 step %scan3A_551 iter_args(%scan3A_597 = %broadcast_in_dim3A_471, %scan3A_598 = %broadcast_in_dim3A_471, %scan3A_599 = %add3A_547) -> (vector<16xi32>, vector<16xi32>, vector<16xi32>)  : i32 {
      %mul3A_600 = arith.constant 32 : i32
      %mul3A_601 = arith.muli %scan3A_596, %mul3A_600 : i32
      %add3A_602 = arith.addi %mul3A_545, %mul3A_601 : i32
      %get3A = arith.index_cast %add3A_602 : i32 to index
      %get3A_603 = tpu.vector_load %arg6[%get3A] {strides = array<i32>} : memref<8192xf32, #tpu.memory_space<vmem>>, vector<16xf32>,
      %get3A_604 = vector.shape_cast %get3A_603 : vector<16xf32> to vector<16xf32>
      %mul3A_605 = arith.constant 32 : i32
      %mul3A_606 = arith.muli %scan3A_596, %mul3A_605 : i32
      %add3A_607 = arith.addi %mul3A_545, %mul3A_606 : i32
      %add3A_608 = arith.constant 16 : i32
      %add3A_609 = arith.addi %add3A_607, %add3A_608 : i32
      %get3A_610 = arith.index_cast %add3A_609 : i32 to index
      %get3A_611 = tpu.vector_load %arg6[%get3A_610] {strides = array<i32>} : memref<8192xf32, #tpu.memory_space<vmem>>, vector<16xf32>,
      %get3A_612 = vector.shape_cast %get3A_611 : vector<16xf32> to vector<16xf32>
      %eq3A_613 = arith.cmpf oeq, %get3A_604, %max3A_508 : vector<16xf32>
      %select_n3A_614 = arith.select %eq3A_613, %scan3A_599, %broadcast_in_dim3A_471 : vector<16xi1>, vector<16xi32>
      %min3A_615 = arith.minsi %scan3A_597, %select_n3A_614 : vector<16xi32>
      %eq3A_616 = arith.cmpf oeq, %get3A_612, %max3A_508 : vector<16xf32>
      %add3A_617 = arith.constant 16 : i32
      %add3A_618 = vector.broadcast %add3A_617 : i32 to vector<16xi32>
      %add3A_619 = arith.addi %scan3A_599, %add3A_618 : vector<16xi32>
      %select_n3A_620 = arith.select %eq3A_616, %add3A_619, %broadcast_in_dim3A_471 : vector<16xi1>, vector<16xi32>
      %min3A_621 = arith.minsi %scan3A_598, %select_n3A_620 : vector<16xi32>
      %add3A_622 = arith.constant 32 : i32
      %add3A_623 = vector.broadcast %add3A_622 : i32 to vector<16xi32>
      %add3A_624 = arith.addi %scan3A_599, %add3A_623 : vector<16xi32>
      %scan3A_625 = arith.constant 1 : i32
      %scan3A_626 = arith.addi %scan3A_596, %scan3A_625 : i32
      %mul3A_627 = arith.constant 32 : i32
      %mul3A_628 = arith.muli %scan3A_626, %mul3A_627 : i32
      %add3A_629 = arith.addi %mul3A_545, %mul3A_628 : i32
      %get3A_630 = arith.index_cast %add3A_629 : i32 to index
      %get3A_631 = tpu.vector_load %arg6[%get3A_630] {strides = array<i32>} : memref<8192xf32, #tpu.memory_space<vmem>>, vector<16xf32>,
      %get3A_632 = vector.shape_cast %get3A_631 : vector<16xf32> to vector<16xf32>
      %mul3A_633 = arith.constant 32 : i32
      %mul3A_634 = arith.muli %scan3A_626, %mul3A_633 : i32
      %add3A_635 = arith.addi %mul3A_545, %mul3A_634 : i32
      %add3A_636 = arith.constant 16 : i32
      %add3A_637 = arith.addi %add3A_635, %add3A_636 : i32
      %get3A_638 = arith.index_cast %add3A_637 : i32 to index
      %get3A_639 = tpu.vector_load %arg6[%get3A_638] {strides = array<i32>} : memref<8192xf32, #tpu.memory_space<vmem>>, vector<16xf32>,
      %get3A_640 = vector.shape_cast %get3A_639 : vector<16xf32> to vector<16xf32>
      %eq3A_641 = arith.cmpf oeq, %get3A_632, %max3A_508 : vector<16xf32>
      %select_n3A_642 = arith.select %eq3A_641, %add3A_624, %broadcast_in_dim3A_471 : vector<16xi1>, vector<16xi32>
      %min3A_643 = arith.minsi %min3A_615, %select_n3A_642 : vector<16xi32>
      %eq3A_644 = arith.cmpf oeq, %get3A_640, %max3A_508 : vector<16xf32>
      %add3A_645 = arith.constant 16 : i32
      %add3A_646 = vector.broadcast %add3A_645 : i32 to vector<16xi32>
      %add3A_647 = arith.addi %add3A_624, %add3A_646 : vector<16xi32>
      %select_n3A_648 = arith.select %eq3A_644, %add3A_647, %broadcast_in_dim3A_471 : vector<16xi1>, vector<16xi32>
      %min3A_649 = arith.minsi %min3A_621, %select_n3A_648 : vector<16xi32>
      %add3A_650 = arith.constant 32 : i32
      %add3A_651 = vector.broadcast %add3A_650 : i32 to vector<16xi32>
      %add3A_652 = arith.addi %add3A_624, %add3A_651 : vector<16xi32>
      scf.yield %min3A_643, %min3A_649, %add3A_652 : vector<16xi32>, vector<16xi32>, vector<16xi32>
    }
    %scan3A_553 = arith.constant 32 : i32
    %min3A_554 = arith.minsi %scan3A_552#0, %scan3A_552#1 : vector<16xi32>
    %iota3A_555 = tpu.iota {dimensions = array<i32: 0>} : vector<16xi32>
    %xor3A_556 = arith.constant 8 : i32
    %xor3A_557 = vector.broadcast %xor3A_556 : i32 to vector<16xi32>
    %xor3A_558 = arith.xori %iota3A_555, %xor3A_557 : vector<16xi32>
    %broadcast_in_dim3A_559 = vector.shape_cast %xor3A_558 : vector<16xi32> to vector<16x1xi32>
    %gather3A_560 = vector.shape_cast %broadcast_in_dim3A_559 : vector<16x1xi32> to vector<16xi32>
    %gather3A_561 = tpu.dynamic_gather %min3A_554[%gather3A_560] in [0] : vector<16xi32>, vector<16xi32> -> vector<16xi32>
    %min3A_562 = arith.minsi %min3A_554, %gather3A_561 : vector<16xi32>
    %xor3A_563 = arith.constant 4 : i32
    %xor3A_564 = vector.broadcast %xor3A_563 : i32 to vector<16xi32>
    %xor3A_565 = arith.xori %iota3A_555, %xor3A_564 : vector<16xi32>
    %broadcast_in_dim3A_566 = vector.shape_cast %xor3A_565 : vector<16xi32> to vector<16x1xi32>
    %gather3A_567 = vector.shape_cast %broadcast_in_dim3A_566 : vector<16x1xi32> to vector<16xi32>
    %gather3A_568 = tpu.dynamic_gather %min3A_562[%gather3A_567] in [0] : vector<16xi32>, vector<16xi32> -> vector<16xi32>
    %min3A_569 = arith.minsi %min3A_562, %gather3A_568 : vector<16xi32>
    %xor3A_570 = arith.constant 2 : i32
    %xor3A_571 = vector.broadcast %xor3A_570 : i32 to vector<16xi32>
    %xor3A_572 = arith.xori %iota3A_555, %xor3A_571 : vector<16xi32>
    %broadcast_in_dim3A_573 = vector.shape_cast %xor3A_572 : vector<16xi32> to vector<16x1xi32>
    %gather3A_574 = vector.shape_cast %broadcast_in_dim3A_573 : vector<16x1xi32> to vector<16xi32>
    %gather3A_575 = tpu.dynamic_gather %min3A_569[%gather3A_574] in [0] : vector<16xi32>, vector<16xi32> -> vector<16xi32>
    %min3A_576 = arith.minsi %min3A_569, %gather3A_575 : vector<16xi32>
    %xor3A_577 = arith.constant 1 : i32
    %xor3A_578 = vector.broadcast %xor3A_577 : i32 to vector<16xi32>
    %xor3A_579 = arith.xori %iota3A_555, %xor3A_578 : vector<16xi32>
    %broadcast_in_dim3A_580 = vector.shape_cast %xor3A_579 : vector<16xi32> to vector<16x1xi32>
    %gather3A_581 = vector.shape_cast %broadcast_in_dim3A_580 : vector<16x1xi32> to vector<16xi32>
    %gather3A_582 = tpu.dynamic_gather %min3A_576[%gather3A_581] in [0] : vector<16xi32>, vector<16xi32> -> vector<16xi32>
    %min3A_583 = arith.minsi %min3A_576, %gather3A_582 : vector<16xi32>
    %swap3A_584 = arith.constant 3 : i32
    %swap3A_585 = arith.index_cast %swap3A_584 : i32 to index
    %swap3A_586 = arith.constant 0 : index
    %swap3A_587 = tpu.vector_load %arg7[%swap3A_585, %swap3A_586] {strides = array<i32>} : memref<4x16xf32, #tpu.memory_space<vmem>>, vector<1x16xf32>,
    %swap3A_588 = vector.shape_cast %swap3A_587 : vector<1x16xf32> to vector<16xf32>
    %swap3A_589 = vector.shape_cast %max3A_508 : vector<16xf32> to vector<1x16xf32>
    tpu.vector_store %arg7[%swap3A_585, %swap3A_586], %swap3A_589 {strides = array<i32>} : memref<4x16xf32, #tpu.memory_space<vmem>>, vector<1x16xf32>,
    %swap3A_590 = arith.constant 3 : i32
    %swap3A_591 = arith.index_cast %swap3A_590 : i32 to index
    %swap3A_592 = arith.constant 0 : index
    %swap3A_593 = tpu.vector_load %arg8[%swap3A_591, %swap3A_592] {strides = array<i32>} : memref<4x16xi32, #tpu.memory_space<vmem>>, vector<1x16xi32>,
    %swap3A_594 = vector.shape_cast %swap3A_593 : vector<1x16xi32> to vector<16xi32>
    %swap3A_595 = vector.shape_cast %min3A_583 : vector<16xi32> to vector<1x16xi32>
    tpu.vector_store %arg8[%swap3A_591, %swap3A_592], %swap3A_595 {strides = array<i32>} : memref<4x16xi32, #tpu.memory_space<vmem>>, vector<1x16xi32>,
    "tpu.region"() ({
      %run_scoped3A = tpu.sem_alloc : memref<!tpu.dma_semaphore, #tpu.memory_space<semaphore_mem>>
      %dma_start3A_596 = arith.constant 0 : i32
      %dma_start3A_597 = arith.constant 0 : i32
      %dma_start3A_598 = tpu.memref_slice %arg3[%add3A, %dma_start3A_596, %dma_start3A_597] : memref<32x4x16xf32, #tpu.memory_space<hbm>> -> memref<1x4x16xf32, #tpu.memory_space<hbm>>
      %dma_start3A_599 = tpu.memref_squeeze %dma_start3A_598 : memref<1x4x16xf32, #tpu.memory_space<hbm>> -> memref<4x16xf32, #tpu.memory_space<hbm>>
      %dma_start3A_600 = arith.constant 0 : i32
      %dma_start3A_601 = arith.constant 0 : i32
      %dma_start3A_602 = tpu.memref_slice %arg3[%add3A, %dma_start3A_600, %dma_start3A_601] : memref<32x4x16xf32, #tpu.memory_space<hbm>> -> memref<1x4x16xf32, #tpu.memory_space<hbm>>
      %dma_start3A_603 = tpu.memref_squeeze %dma_start3A_602 : memref<1x4x16xf32, #tpu.memory_space<hbm>> -> memref<4x16xf32, #tpu.memory_space<hbm>>
      tpu.enqueue_dma source(%arg7 : memref<4x16xf32, #tpu.memory_space<vmem>>) target(%dma_start3A_603 : memref<4x16xf32, #tpu.memory_space<hbm>>) target_semaphore(%run_scoped3A : memref<!tpu.dma_semaphore, #tpu.memory_space<semaphore_mem>>)
      %dma_wait3A_604 = arith.constant 0 : i32
      %dma_wait3A_605 = arith.constant 0 : i32
      %dma_wait3A_606 = tpu.memref_slice %arg3[%add3A, %dma_wait3A_604, %dma_wait3A_605] : memref<32x4x16xf32, #tpu.memory_space<hbm>> -> memref<1x4x16xf32, #tpu.memory_space<hbm>>
      %dma_wait3A_607 = tpu.memref_squeeze %dma_wait3A_606 : memref<1x4x16xf32, #tpu.memory_space<hbm>> -> memref<4x16xf32, #tpu.memory_space<hbm>>
      %dma_wait3A_608 = arith.constant 0 : i32
      %dma_wait3A_609 = arith.constant 0 : i32
      %dma_wait3A_610 = tpu.memref_slice %arg3[%add3A, %dma_wait3A_608, %dma_wait3A_609] : memref<32x4x16xf32, #tpu.memory_space<hbm>> -> memref<1x4x16xf32, #tpu.memory_space<hbm>>
      %dma_wait3A_611 = tpu.memref_squeeze %dma_wait3A_610 : memref<1x4x16xf32, #tpu.memory_space<hbm>> -> memref<4x16xf32, #tpu.memory_space<hbm>>
      tpu.wait_dma2 semaphore(%run_scoped3A : memref<!tpu.dma_semaphore, #tpu.memory_space<semaphore_mem>>) src(%arg7 : memref<4x16xf32, #tpu.memory_space<vmem>>) dst(%dma_wait3A_611 : memref<4x16xf32, #tpu.memory_space<hbm>>)
      tpu.yield
    }) : () -> ()
    "tpu.region"() ({
      %run_scoped3A = tpu.sem_alloc : memref<!tpu.dma_semaphore, #tpu.memory_space<semaphore_mem>>
      %dma_start3A_596 = arith.constant 0 : i32
      %dma_start3A_597 = arith.constant 0 : i32
      %dma_start3A_598 = tpu.memref_slice %arg4[%add3A, %dma_start3A_596, %dma_start3A_597] : memref<32x4x16xi32, #tpu.memory_space<hbm>> -> memref<1x4x16xi32, #tpu.memory_space<hbm>>
      %dma_start3A_599 = tpu.memref_squeeze %dma_start3A_598 : memref<1x4x16xi32, #tpu.memory_space<hbm>> -> memref<4x16xi32, #tpu.memory_space<hbm>>
      %dma_start3A_600 = arith.constant 0 : i32
      %dma_start3A_601 = arith.constant 0 : i32
      %dma_start3A_602 = tpu.memref_slice %arg4[%add3A, %dma_start3A_600, %dma_start3A_601] : memref<32x4x16xi32, #tpu.memory_space<hbm>> -> memref<1x4x16xi32, #tpu.memory_space<hbm>>
      %dma_start3A_603 = tpu.memref_squeeze %dma_start3A_602 : memref<1x4x16xi32, #tpu.memory_space<hbm>> -> memref<4x16xi32, #tpu.memory_space<hbm>>
      tpu.enqueue_dma source(%arg8 : memref<4x16xi32, #tpu.memory_space<vmem>>) target(%dma_start3A_603 : memref<4x16xi32, #tpu.memory_space<hbm>>) target_semaphore(%run_scoped3A : memref<!tpu.dma_semaphore, #tpu.memory_space<semaphore_mem>>)
      %dma_wait3A_604 = arith.constant 0 : i32
      %dma_wait3A_605 = arith.constant 0 : i32
      %dma_wait3A_606 = tpu.memref_slice %arg4[%add3A, %dma_wait3A_604, %dma_wait3A_605] : memref<32x4x16xi32, #tpu.memory_space<hbm>> -> memref<1x4x16xi32, #tpu.memory_space<hbm>>
      %dma_wait3A_607 = tpu.memref_squeeze %dma_wait3A_606 : memref<1x4x16xi32, #tpu.memory_space<hbm>> -> memref<4x16xi32, #tpu.memory_space<hbm>>
      %dma_wait3A_608 = arith.constant 0 : i32
      %dma_wait3A_609 = arith.constant 0 : i32
      %dma_wait3A_610 = tpu.memref_slice %arg4[%add3A, %dma_wait3A_608, %dma_wait3A_609] : memref<32x4x16xi32, #tpu.memory_space<hbm>> -> memref<1x4x16xi32, #tpu.memory_space<hbm>>
      %dma_wait3A_611 = tpu.memref_squeeze %dma_wait3A_610 : memref<1x4x16xi32, #tpu.memory_space<hbm>> -> memref<4x16xi32, #tpu.memory_space<hbm>>
      tpu.wait_dma2 semaphore(%run_scoped3A : memref<!tpu.dma_semaphore, #tpu.memory_space<semaphore_mem>>) src(%arg8 : memref<4x16xi32, #tpu.memory_space<vmem>>) dst(%dma_wait3A_611 : memref<4x16xi32, #tpu.memory_space<hbm>>)
      tpu.yield
    }) : () -> ()
    return
  }
}

module attributes {stable_mosaic.version = 14 : i64} {
  func.func @_merge_body(%arg0: memref<128x16xf32, #tpu.memory_space<vmem>>, %arg1: memref<128x16xi32, #tpu.memory_space<vmem>>, %arg2: memref<128xf32, #tpu.memory_space<vmem>>, %arg3: memref<128xi32, #tpu.memory_space<vmem>>, %arg4: memref<128xi32, #tpu.memory_space<vmem>>) attributes {dimension_semantics = [], scalar_prefetch = 0 : i64, scratch_operands = 0 : i64, tpu.core_type = #tpu.core_type<tc>} {
    %get3A = arith.constant 0 : index
    %get3A_0 = arith.constant 0 : index
    %get3A_1 = vector.load %arg0[%get3A, %get3A_0] : memref<128x16xf32, #tpu.memory_space<vmem>>, vector<128x16xf32>
    %slice3A = vector.extract_strided_slice %get3A_1 {offsets = [0, 0], sizes = [128, 1], strides = [1, 1]} : vector<128x16xf32> to vector<128x1xf32>
    %squeeze3A = vector.shape_cast %slice3A : vector<128x1xf32> to vector<128xf32>
    %get3A_2 = arith.constant 0 : index
    %get3A_3 = arith.constant 0 : index
    %get3A_4 = vector.load %arg1[%get3A_2, %get3A_3] : memref<128x16xi32, #tpu.memory_space<vmem>>, vector<128x16xi32>
    %slice3A_5 = vector.extract_strided_slice %get3A_4 {offsets = [0, 0], sizes = [128, 1], strides = [1, 1]} : vector<128x16xi32> to vector<128x1xi32>
    %squeeze3A_6 = vector.shape_cast %slice3A_5 : vector<128x1xi32> to vector<128xi32>
    %get3A_7 = arith.constant 0 : index
    %get3A_8 = vector.load %arg2[%get3A_7] : memref<128xf32, #tpu.memory_space<vmem>>, vector<128xf32>
    %ge3A = arith.cmpf oge, %squeeze3A, %get3A_8 : vector<128xf32>
    %get3A_9 = arith.constant 0 : index
    %get3A_10 = vector.load %arg3[%get3A_9] : memref<128xi32, #tpu.memory_space<vmem>>, vector<128xi32>
    %add3A = arith.constant 8192 : i32
    %add3A_11 = vector.broadcast %add3A : i32 to vector<128xi32>
    %add3A_12 = arith.addi %get3A_10, %add3A_11 : vector<128xi32>
    %select_n3A = arith.select %ge3A, %squeeze3A_6, %add3A_12 : vector<128xi1>, vector<128xi32>
    %swap3A = arith.constant 0 : index
    %swap3A_13 = vector.load %arg4[%swap3A] : memref<128xi32, #tpu.memory_space<vmem>>, vector<128xi32>
    tpu.vector_store %arg4[%swap3A], %select_n3A {strides = array<i32>} : memref<128xi32, #tpu.memory_space<vmem>>, vector<128xi32>,
    return
  }
}

module attributes {stable_mosaic.version = 14 : i64} {
  func.func @_tc_body(%arg0: i32, %arg1: memref<128x2048xf32, #tpu.memory_space<vmem>>, %arg2: memref<128xf32, #tpu.memory_space<vmem>>, %arg3: memref<128xi32, #tpu.memory_space<vmem>>, %arg4: memref<128xf32, #tpu.memory_space<vmem>>, %arg5: memref<128xi32, #tpu.memory_space<vmem>>) attributes {dimension_semantics = [#tpu.dimension_semantics<arbitrary>], iteration_bounds = array<i64: 12>, scalar_prefetch = 0 : i64, scratch_operands = 2 : i64, tpu.core_type = #tpu.core_type<tc>, window_params = [{transform_indices = @transform_0, window_bounds = array<i64: 128, 2048>}, {pipeline_mode = #tpu.pipeline_mode<synchronous>, transform_indices = @transform_1, window_bounds = array<i64: 128>}, {pipeline_mode = #tpu.pipeline_mode<synchronous>, transform_indices = @transform_2, window_bounds = array<i64: 128>}]} {
    %get3A = arith.constant 0 : index
    %get3A_0 = arith.constant 0 : index
    %get3A_1 = vector.load %arg1[%get3A, %get3A_0] : memref<128x2048xf32, #tpu.memory_space<vmem>>, vector<128x2048xf32>
    %reduce_max3A = arith.constant dense<0xFF800000> : vector<128xf32>
    %reduce_max3A_2 = vector.multi_reduction <maximumf>, %get3A_1, %reduce_max3A [1] : vector<128x2048xf32> to vector<128xf32>
    %iota3A = tpu.iota {dimensions = array<i32: 1>} : vector<128x2048xi32>
    %broadcast_in_dim3A = vector.shape_cast %reduce_max3A_2 : vector<128xf32> to vector<128x1xf32>
    %eq3A = vector.broadcast %broadcast_in_dim3A : vector<128x1xf32> to vector<128x2048xf32>
    %eq3A_3 = arith.cmpf oeq, %get3A_1, %eq3A : vector<128x2048xf32>
    %jit3A = arith.constant 2048 : i32
    %broadcast_in_dim3A_4 = vector.broadcast %jit3A : i32 to vector<128x2048xi32>
    %select_n3A = arith.select %eq3A_3, %iota3A, %broadcast_in_dim3A_4 : vector<128x2048xi1>, vector<128x2048xi32>
    %reduce_min3A = arith.constant dense<2147483647> : vector<128xi32>
    %reduce_min3A_5 = vector.multi_reduction <minsi>, %select_n3A, %reduce_min3A [1] : vector<128x2048xi32> to vector<128xi32>
    %mul3A = arith.constant 2048 : i32
    %mul3A_6 = arith.muli %arg0, %mul3A : i32
    %add3A = vector.broadcast %mul3A_6 : i32 to vector<128xi32>
    %add3A_7 = arith.addi %reduce_min3A_5, %add3A : vector<128xi32>
    %eq3A_8 = arith.constant 0 : i32
    %eq3A_9 = arith.cmpi eq, %arg0, %eq3A_8 : i32
    %convert_element_type3A = arith.extui %eq3A_9 : i1 to i32
    %cond3A = arith.constant 0 : i32
    %cond3A_10 = arith.cmpi ne, %convert_element_type3A, %cond3A : i32
    scf.if %cond3A_10 {
      %swap3A = arith.constant 0 : index
      %swap3A_20 = vector.load %arg4[%swap3A] : memref<128xf32, #tpu.memory_space<vmem>>, vector<128xf32>
      tpu.vector_store %arg4[%swap3A], %reduce_max3A_2 {strides = array<i32>} : memref<128xf32, #tpu.memory_space<vmem>>, vector<128xf32>,
      %swap3A_21 = arith.constant 0 : index
      %swap3A_22 = vector.load %arg5[%swap3A_21] : memref<128xi32, #tpu.memory_space<vmem>>, vector<128xi32>
      tpu.vector_store %arg5[%swap3A_21], %add3A_7 {strides = array<i32>} : memref<128xi32, #tpu.memory_space<vmem>>, vector<128xi32>,
    } else {
    }
    %gt3A = arith.constant 0 : i32
    %gt3A_11 = arith.cmpi sgt, %arg0, %gt3A : i32
    %convert_element_type3A_12 = arith.extui %gt3A_11 : i1 to i32
    %cond3A_13 = arith.constant 0 : i32
    %cond3A_14 = arith.cmpi ne, %convert_element_type3A_12, %cond3A_13 : i32
    scf.if %cond3A_14 {
      %get3A_20 = arith.constant 0 : index
      %get3A_21 = vector.load %arg4[%get3A_20] : memref<128xf32, #tpu.memory_space<vmem>>, vector<128xf32>
      %gt3A_22 = arith.cmpf ogt, %reduce_max3A_2, %get3A_21 : vector<128xf32>
      %get3A_23 = arith.constant 0 : index
      %get3A_24 = vector.load %arg4[%get3A_23] : memref<128xf32, #tpu.memory_space<vmem>>, vector<128xf32>
      %select_n3A_25 = arith.select %gt3A_22, %reduce_max3A_2, %get3A_24 : vector<128xi1>, vector<128xf32>
      %swap3A = arith.constant 0 : index
      %swap3A_26 = vector.load %arg4[%swap3A] : memref<128xf32, #tpu.memory_space<vmem>>, vector<128xf32>
      tpu.vector_store %arg4[%swap3A], %select_n3A_25 {strides = array<i32>} : memref<128xf32, #tpu.memory_space<vmem>>, vector<128xf32>,
      %get3A_27 = arith.constant 0 : index
      %get3A_28 = vector.load %arg5[%get3A_27] : memref<128xi32, #tpu.memory_space<vmem>>, vector<128xi32>
      %select_n3A_29 = arith.select %gt3A_22, %add3A_7, %get3A_28 : vector<128xi1>, vector<128xi32>
      %swap3A_30 = arith.constant 0 : index
      %swap3A_31 = vector.load %arg5[%swap3A_30] : memref<128xi32, #tpu.memory_space<vmem>>, vector<128xi32>
      tpu.vector_store %arg5[%swap3A_30], %select_n3A_29 {strides = array<i32>} : memref<128xi32, #tpu.memory_space<vmem>>, vector<128xi32>,
    } else {
    }
    %eq3A_15 = arith.constant 11 : i32
    %eq3A_16 = arith.cmpi eq, %arg0, %eq3A_15 : i32
    %convert_element_type3A_17 = arith.extui %eq3A_16 : i1 to i32
    %cond3A_18 = arith.constant 0 : i32
    %cond3A_19 = arith.cmpi ne, %convert_element_type3A_17, %cond3A_18 : i32
    scf.if %cond3A_19 {
      %get3A_20 = arith.constant 0 : index
      %get3A_21 = vector.load %arg4[%get3A_20] : memref<128xf32, #tpu.memory_space<vmem>>, vector<128xf32>
      %swap3A = arith.constant 0 : index
      %swap3A_22 = vector.load %arg2[%swap3A] : memref<128xf32, #tpu.memory_space<vmem>>, vector<128xf32>
      tpu.vector_store %arg2[%swap3A], %get3A_21 {strides = array<i32>} : memref<128xf32, #tpu.memory_space<vmem>>, vector<128xf32>,
      %get3A_23 = arith.constant 0 : index
      %get3A_24 = vector.load %arg5[%get3A_23] : memref<128xi32, #tpu.memory_space<vmem>>, vector<128xi32>
      %swap3A_25 = arith.constant 0 : index
      %swap3A_26 = vector.load %arg3[%swap3A_25] : memref<128xi32, #tpu.memory_space<vmem>>, vector<128xi32>
      tpu.vector_store %arg3[%swap3A_25], %get3A_24 {strides = array<i32>} : memref<128xi32, #tpu.memory_space<vmem>>, vector<128xi32>,
    } else {
    }
    return
  }
  func.func @transform_0(%arg0: i32) -> (i32, i32) {
    %add3A = arith.constant 4 : i32
    %add3A_0 = arith.addi %arg0, %add3A : i32
    %c0_i32 = arith.constant 0 : i32
    %c0_i32_1 = arith.constant 0 : i32
    return %c0_i32, %add3A_0 : i32, i32
  }
  func.func @transform_1(%arg0: i32) -> i32 {
    %c0_i32 = arith.constant 0 : i32
    %c0_i32_0 = arith.constant 0 : i32
    return %c0_i32 : i32
  }
  func.func @transform_2(%arg0: i32) -> i32 {
    %c0_i32 = arith.constant 0 : i32
    %c0_i32_0 = arith.constant 0 : i32
    return %c0_i32 : i32
  }
}

</mosaic_0001>

<sc_bundles>
// kernel: _argmax_hybrid.5.cloned.1.call-start
scs
__scs_entry_jumppad:
0x0: {  	(pc) =	sbr.rel $0x88, $3  }
0x1: {  	(tag) =	ssettag $0x0;
	lr =	simm.s32 $0x1  }
0x2: {  	[smem:$0x3FA0] =	sst lr;
	_ =	strace $0xD0000000  }
0x3: {  	_ = 	snop  }
0x4: {  	_ = 	snop  }
0x5: {  	_ = 	snop  }
0x6: {  	_ = 	snop  }
0x7: {  	_ = 	snop  }
__scs_overlays_trampoline_lowered:
0x8: {  	[smem:$0x3FAF] =	sst s0  }
0x9: {  	[smem:$0x3FB0] =	sst s1  }
0xa: {  	[smem:$0x3FB1] =	sst s2  }
0xb: {  	[smem:$0x3FB2] =	sst s3  }
0xc: {  	[smem:$0x3FB3] =	sst s4  }
0xd: {  	[smem:$0x3FB4] =	sst s5  }
0xe: {  	[smem:$0x3FB5] =	sst s6  }
0xf: {  	[smem:$0x3FB6] =	sst s7  }
0x10: {  	[smem:$0x3FB7] =	sst s8  }
0x11: {  	[smem:$0x3FB8] =	sst s9;
	s0 =	simm.s32 @!p0 $0x0  }
0x12: {  	s1 =	sld [smem:$0x3F9E];
	s0 =	simm.s32 @p0 $0x1  }
0x13: {  	[smem:$0x3FB9] =	sst s0;
	s0 =	simm.s32 @!p1 $0x0  }
0x14: {  	s2 =	sld [smem:$0x3F9D];
	s0 =	simm.s32 @p1 $0x1  }
0x15: {  	[smem:$0x3FBA] =	sst s0;
	s0 =	simm.s32 @!p2 $0x0  }
0x16: {  	s3 =	sld [smem:$0x3FDB];
	s0 =	simm.s32 @p2 $0x1  }
0x17: {  	s4 =	simm.s32 $0x1BF5;
	[smem:$0x3FBC] =	sst s0  }
0x18: {  	s0 =	sld [smem:$0x3F9F];
	_ =	swait.ge [sflag:s4], $0x0  }
0x19: {  	s7 =	sld [smem:$0x3FA0]  }
0x1a: {  	s8 =	sadd.s32 $0xFFFFE003, lr  }
0x1b: {  	s9 =	sadd.s32 $0xFFFFFEF7, lr;
	s5 =	simm.s32 $0xFFFFFFFF;
	p2 =	slt.u32 s8, $0xFFFFF086  }
0x1c: {  	p1 =	slt.u32 s9, $0xF7A;
	s5 =	simm.s32 @!p2 $0x0  }
0x1d: {  	s5 =	simm.s32 @p1 $0x1;
	p0 =	seq.s32 s7, s2  }
0x1e: {  	s7 =	smul.u32 @!p0 $0xF7A, s2;
	p2 =	seq.s32 @!p0 s5, $0x0  }
0x1f: {  	s9 =	smul.u32 $0xF7A, s1;
	s8 =	simm.s32 @!p0 $0x1BF5;
	p2 =	por !p2, p0  }
0x20: {  	[sflag:s8] =	ssyncset.s32 @!p0 $0xFFFFF086;
	s6 =	sadd.s32 @!p0 s3, s7;
	s7 =	simm.s32 @!p0 $0x108  }
0x21: {  	s3 =	sadd.s32 s3, s9;
	s6 =	sadd.s32 @!p0 $0x88, s6;
	s7 =	simm.s32 @p2 $0x1082  }
0x22: {  	[simem:s7], [sflag:s8] =	dma.local @!p0 [hbm:s6], $0xF7A  }
0x23: {  	s9 =	sor.u32 $0xD0000000, s2;
	s6 =	simm.s32 $0x108;
	_ =	swait.ge @!p0 [sflag:s8], $0x0  }
0x24: {  	s3 =	sadd.s32 $0x88, s3;
	s6 =	simm.s32 @!p1 $0x1082;
	[sflag:s4] =	ssyncset.s32 $0xFFFFF086  }
0x25: {  	[simem:s6], [sflag:s4] =	dma.local [hbm:s3], $0xF7A  }
0x26: {  	[smem:$0x3FA0] =	sst s1;
	(tag) =	ssettag s2;
	_ =	strace s9  }
0x27: {  	s1 =	sld [smem:$0x3FB0]  }
0x28: {  	s2 =	sld [smem:$0x3FB1]  }
0x29: {  	s4 =	sld [smem:$0x3FB3]  }
0x2a: {  	p0 =	seq.s32 s5, $0x0;
	s5 =	sld [smem:$0x3FB4]  }
0x2b: {  	s6 =	sld [smem:$0x3FB5]  }
0x2c: {  	s7 =	sld [smem:$0x3FB6]  }
0x2d: {  	s3 =	simm.s32 $0x108;
	s8 =	sld [smem:$0x3FB7]  }
0x2e: {  	s3 =	simm.s32 @!p0 $0x1082;
	s9 =	sld [smem:$0x3FB8]  }
0x2f: {  	lr =	sadd.s32 s0, s3;
	s0 =	sld [smem:$0x3FAF]  }
0x30: {  	s3 =	sld [smem:$0x3FB2]  }
0x31: {  	[smem:$0x3FBB] =	sst s10  }
0x32: {  	s10 =	sld [smem:$0x3FB9];
	_ =	sdelay $0x3  }
0x33: {  	p0 =	seq.s32 s10, $0x1;
	s10 =	sld [smem:$0x3FBB];
	_ =	sdelay $0x3  }
0x34: {  	[smem:$0x3FBB] =	sst s10  }
0x35: {  	s10 =	sld [smem:$0x3FBA];
	_ =	sdelay $0x3  }
0x36: {  	p1 =	seq.s32 s10, $0x1;
	s10 =	sld [smem:$0x3FBB];
	_ =	sdelay $0x3  }
0x37: {  	[smem:$0x3FBB] =	sst s10  }
0x38: {  	s10 =	sld [smem:$0x3FBC]  }
0x39: {  	_ = 	snop;
	(pc) =	sbr.ind lr, $3  }
0x3a: {  	_ = 	snop  }
0x3b: {  	_ = 	snop  }
0x3c: {  	p2 =	seq.s32 s10, $0x1;
	s10 =	sld [smem:$0x3FBB]  }
0x3d: {  	_ =	shalt  }
0x3e: {  	_ =	shalt  }
0x3f: {  	_ =	shalt  }
0x40: {  	_ =	shalt  }
0x41: {  	_ =	shalt  }
0x42: {  	_ =	shalt  }
0x43: {  	_ =	shalt  }
0x44: {  	_ =	shalt  }
0x45: {  	_ =	shalt  }
0x46: {  	_ =	shalt  }
0x47: {  	_ =	shalt  }
0x48: {  	_ =	shalt  }
0x49: {  	_ =	shalt  }
0x4a: {  	_ =	shalt  }
0x4b: {  	_ =	shalt  }
0x4c: {  	_ =	shalt  }
0x4d: {  	_ =	shalt  }
0x4e: {  	_ =	shalt  }
0x4f: {  	_ =	shalt  }
0x50: {  	_ =	shalt  }
0x51: {  	_ =	shalt  }
0x52: {  	_ =	shalt  }
0x53: {  	_ =	shalt  }
0x54: {  	_ =	shalt  }
0x55: {  	_ =	shalt  }
0x56: {  	_ =	shalt  }
0x57: {  	_ =	shalt  }
0x58: {  	_ =	shalt  }
0x59: {  	_ =	shalt  }
0x5a: {  	_ =	shalt  }
0x5b: {  	_ =	shalt  }
0x5c: {  	_ =	shalt  }
0x5d: {  	_ =	shalt  }
0x5e: {  	_ =	shalt  }
0x5f: {  	_ =	shalt  }
0x60: {  	_ =	shalt  }
0x61: {  	_ =	shalt  }
0x62: {  	_ =	shalt  }
0x63: {  	_ =	shalt  }
0x64: {  	_ =	shalt  }
0x65: {  	_ =	shalt  }
0x66: {  	_ =	shalt  }
0x67: {  	_ =	shalt  }
0x68: {  	_ =	shalt  }
0x69: {  	_ =	shalt  }
0x6a: {  	_ =	shalt  }
0x6b: {  	_ =	shalt  }
0x6c: {  	_ =	shalt  }
0x6d: {  	_ =	shalt  }
0x6e: {  	_ =	shalt  }
0x6f: {  	_ =	shalt  }
0x70: {  	_ =	shalt  }
0x71: {  	_ =	shalt  }
0x72: {  	_ =	shalt  }
0x73: {  	_ =	shalt  }
0x74: {  	_ =	shalt  }
0x75: {  	_ =	shalt  }
0x76: {  	_ =	shalt  }
0x77: {  	_ =	shalt  }
0x78: {  	_ =	shalt  }
0x79: {  	_ =	shalt  }
0x7a: {  	_ =	shalt  }
0x7b: {  	_ =	shalt  }
0x7c: {  	_ =	shalt  }
0x7d: {  	_ =	shalt  }
0x7e: {  	_ =	shalt  }
0x7f: {  	_ =	shalt  }
0x80: {  	_ =	shalt  }
0x81: {  	_ =	shalt  }
0x82: {  	_ =	shalt  }
0x83: {  	_ =	shalt  }
0x84: {  	_ =	shalt  }
0x85: {  	_ =	shalt  }
0x86: {  	_ =	shalt  }
0x87: {  	_ =	shalt  }
.Lfunc_end0:
.L_simem_size_0:
called_computation_lowered:
.L_overlay_start_0:
0x88: {  	s2 =	sld [smem:$0x3FD9]  }
0x89: {  	s3 =	sld [smem:$0x3FFE];
	_ =	sdelay $0x1  }
0x8a: {  	s1 =	srdreg.scid  }
0x8b: {  	s0 =	sand.u32 $0x1, s1  }
0x8c: {  	s17 =	sshll.u32 s0, $0xA;
	s2 =	sadd.s32 s3, s2  }
0x8d: {  	s2 =	sadd.s32 s2, s17  }
0x8e: {  	[smem:$0x3FC7] =	sst s2  }
0x8f: {  	_ = 	snop  }
0x90: {  	s2 =	sld [smem:$0x3FC9];
	(tm) =	ssettm $0x1  }
0x91: {  	s18 =	sld [smem:$0x3FFB];
	_ =	sdelay $0x3  }
0x92: {  	_ =	strace s18  }
0x93: {  	s3 =	sld [smem:$0x3FFC];
	_ =	sdelay $0x3  }
0x94: {  	_ =	strace s3  }
0x95: {  	s3 =	sld [smem:$0x3FFD];
	_ =	sdelay $0x3  }
0x96: {  	_ =	strace s3  }
0x97: {  	_ =	strace $0x8FFFFFFF  }
0x98: {  	s19 =	sld [smem:$0x3FDB];
	_ =	sdelay $0x1  }
0x99: {  	s4 =	simm.s32 $_scs_section_size  }
0x9a: {  	s5 =	simm.s32 $_size__tile_overlayer_lowered;
	s6 =	simm.s32 $_tile_overlayer_lowered  }
0x9b: {  	s22 =	simm.s32 $0x1BFF;
	s21 =	sshll.u32 s6, $0x1;
	s3 =	sadd.s32 s4, s19  }
0x9c: {  	s7 =	simm.s32 $0x0;
	s20 =	sshll.u32 s5, $0x1;
	s5 =	sadd.s32 s21, s3  }
0x9d: {  	[timem:s7], [sflag:s22] =	dma.local [hbm:s5], s20  }
0x9e: {  	_ =	swait.ge [sflag:s22], s20  }
0x9f: {  	s4 =	ssub.s32 $0x0, s20;
	[sflag:s22] =	ssyncset.done $0x0  }
0xa0: {  	[sflag:s22] =	ssyncadd.s32 s4;
	_ =	sdelay $0x1  }
0xa1: {  	s23 =	simm.s32 $0x1B8B  }
0xa2: {  	_ =	swait.ge [sflag:s23], $0x1  }
0xa3: {  	[sflag:s23] =	ssyncset.done $0x0  }
0xa4: {  	s25 =	simm.s32 $0x1B8E;
	s24 =	sld [smem:$0x3FFE];
	[sflag:s23] =	ssyncadd.s32 $0xFFFFFFFF  }
0xa5: {  	s26 =	simm.s32 $execute0_lowered;
	[smem:$0x3FD2] =	sst s25  }
0xa6: {  	s5 =	sshll.u32 s26, $0x1;
	_ =	strace $0x80000046;
	[dreg:$0x1] =	wrdreg $0xFFFFFFFF  }
0xa7: {  	s28 =	simm.s32 $_size_execute0_lowered;
	s3 =	sadd.s32 s3, s5;
	[dreg:$0x0] =	wrdreg $0x0  }
0xa8: {  	s5 =	sshll.u32 s28, $0x1;
	[dreg:$0x2] =	wrdreg s3  }
0xa9: {  	[dreg:$0x3] =	wrdreg s5  }
0xaa: {  	[dreg:$0x4] =	wrdreg $0xC0  }
0xab: {  	_ =	task [dreg:s7], $0x5FFFF  }
0xac: {  	[dreg:$0x1] =	wrdreg $0xFFFFFFFF  }
0xad: {  	[dreg:$0x0] =	wrdreg $0x60  }
0xae: {  	[dreg:$0x2] =	wrdreg s2  }
0xaf: {  	[dreg:$0x3] =	wrdreg s24  }
0xb0: {  	[dreg:$0x4] =	wrdreg $0x9  }
0xb1: {  	_ =	task.clear_ibuf [dreg:s7], $0x5FFFF;
	_ =	strace $0x90000046  }
0xb2: {  	s29 =	simm.s32 $0x9;
	_ =	strace $0x80000048  }
0xb3: {  	_ =	swait.ge [sflag:s29], $0x1  }
0xb4: {  	[sflag:s29] =	ssyncadd.s32 $0xFFFFFFFF  }
0xb5: {  	_ =	strace $0x90000048  }
0xb6: {  	_ =	sfence  }
0xb7: {  	s30 =	sld [smem:$0x0];
	_ =	sdelay $0x2  }
0xb8: {  	s31 =	sshll.u32 s1, $0xD;
	s1 =	sshrl.u32 s1, $0x2  }
0xb9: {  	s3 =	sand.u32 $0x4000, s31;
	s1 =	sadd.s32 s1, s30  }
0xba: {  	s0 =	sor.u32 s3, s0;
	s1 =	sshll.u32 s1, $0x11  }
0xbb: {  	s0 =	sor.u32 s1, s0  }
0xbc: {  	s0 =	sadd.s32 $0x8F2B, s0  }
0xbd: {  	[sflag:s0] =	ssyncadd.remote.s32 $0x1  }
0xbe: {  	_ =	sfence.sel $0xFFFF  }
0xbf: {  	[dreg:$0x0] =	wrdreg $0xFFFFFFFF;
	(pc) =	sbr.abs _section_cstart, $3  }
0xc0: {  	[dreg:$0x1] =	wrdreg $0xFFFFFFFF  }
0xc1: {  	_ =	task.clear_ibuf [dreg:s7], $0x2FFFF;
	_ =	strace $0x9FFFFFFF  }
0xc2: {  	(tm) =	ssettm $0x7FFFFFFF  }
0xc3: {  	_ =	shalt  }
tec
execute0_lowered:
.L_overlay_start_1:
0x0: {  	(tag) =	ssettag $0x1  }
0x1: {  	s3 =	rddreg [dreg:$0x0]  }
0x2: {  	v0 =	vimm.s32 $0xFEDCBA98;
	s4 =	rddreg [dreg:$0x1];
	v1 =	vimm.s32 $0x76543210  }
0x3: {  	s0 =	rddreg [dreg:$0x2];
	s1 =	simm.s32 $0x0;
	v3 =	vimm.s32 $0x32107654;
	v4 =	vimm.s32 $0xDCFE98BA;
	v5 =	vimm.s32 $0x54761032  }
0x4: {  	s5 =	srdreg.scid;
	s2 =	stileid.u32;
	v6 =	vimm.s32 $0xEFCDAB89;
	v7 =	vimm.s32 $0x67452301;
	s10 =	simm.s32 $0x80;
	v0 =	vunpack.c.l.s4.s8 v0  }
0x5: {  	s11 =	simm.s32 $0x400;
	s12 =	simm.s32 $0x2000;
	s13 =	simm.s32 $0x1;
	v1 =	vunpack.c.l.s4.s8 v1;
	v3 =	vunpack.c.l.s4.s8 v3;
	v4 =	vunpack.c.l.s4.s8 v4  }
0x6: {  	s14 =	simm.s32 $0x2;
	s15 =	simm.s32 $0x4000;
	s16 =	simm.s32 $0x3;
	v5 =	vunpack.c.l.s4.s8 v5;
	v2 =	vunpack.c.0.s8.s32 v0;
	v0 =	vimm.s32 $0xBA98FEDC  }
0x7: {  	s17 =	simm.s32 $0x4200;
	s18 =	simm.s32 $0x0;
	[smem:$0x7FF] =	sst s1;
	v6 =	vunpack.c.l.s4.s8 v6;
	v7 =	vunpack.c.l.s4.s8 v7;
	v0 =	vunpack.c.l.s4.s8 v0  }
0x8: {  	s5 =	sand.u32 $0x1, s5;
	s6 =	sshll.u32 s2, $0xF;
	s8 =	sshll.u32 s2, $0x7;
	v3 =	vunpack.c.0.s8.s32 v3;
	v4 =	vunpack.c.0.s8.s32 v4;
	v5 =	vunpack.c.0.s8.s32 v5  }
0x9: {  	_ =	strace $0x80000047;
	s7 =	sshll.u32 s5, $0x6;
	s5 =	ssub.s32 $0x2, s5;
	v6 =	vunpack.c.0.s8.s32 v6;
	v7 =	vunpack.c.0.s8.s32 v7;
	v0 =	vunpack.c.0.s8.s32 v0  }
0xa: {  	s8 =	sor.u32 s7, s8;
	s9 =	sshrl.u32 s5, $0x1;
	s6 =	sor.u32 s7, s6;
	v8 =	vunpack.c.0.s8.s32 v1;
	v1 =	vcombine.low v5, v4  }
0xb: {  	s8 =	sadd.s32 s8, s4;
	s9 =	ssub.s32 s5, s9;
	s3 =	sadd.s32 s3, s6;
	v0 =	vcombine.low v3, v0;
	v3 =	vand.u32 $0xF, v2;
	v2 =	vcombine.low v7, v6  }
0xc: {  	s4 =	sadd.s32 $0x10, s3;
	s5 =	sadd.s32 $0x20, s3;
	s6 =	sadd.s32 $0x30, s3;
	v5 =	vand.u32 $0xF, v1;
	v7 =	vlaneseq.u32  }
0xd: {  	s7 =	sadd.s32 $0x1000, s8;
	s8 =	sadd.s32 $0x1800, s8;
	s9 =	smax.u32 s9, $0x1;
	v3 =	vcombine.low v3, v8;
	v4 =	vand.u32 $0xF, v0;
	v6 =	vand.u32 $0xF, v2  }
.LBB2_1:
0xe: {  	[tilespmem:s1], [sflag:$0x1] =	stream.strided.gather [hbm4b:s3+s10], $0x2000, s11, s10, $0x38;
	[tilespmem:$0x4400] =	vst v63  }
0xf: {  	_ = 	snop  }
0x10: {  	[tilespmem:s12], [sflag:$0x2] =	stream.strided.gather [hbm4b:s4+s10], $0x2000, s11, s10, $0x38;
	[tilespmem:$0x4400] =	vst v63  }
0x11: {  	_ =	swait.ge [sflag:s13], $0x2000  }
0x12: {  	[sflag:s13] =	ssyncset.done $0x0  }
0x13: {  	s19 =	simm.s32 $0x200;
	[sflag:s13] =	ssyncadd.s32 $0xFFFFE000  }
0x14: {  	v8 =	vld [tilespmem:s19+$0x1C0]  }
0x15: {  	v10 =	vld [tilespmem:s19+$0x1D0]  }
0x16: {  	v11 =	vld [tilespmem:s19+$0x1E0]  }
0x17: {  	v9 =	vld [tilespmem:s19+$0x180]  }
0x18: {  	v12 =	vld [tilespmem:s19+$0x190]  }
0x19: {  	v13 =	vld [tilespmem:s19+$0x1A0]  }
0x1a: {  	v15 =	vld [tilespmem:s19+$0x140]  }
0x1b: {  	v17 =	vld [tilespmem:s19+$0x150]  }
0x1c: {  	v19 =	vld [tilespmem:s19+$0x100]  }
0x1d: {  	v18 =	vld [tilespmem:s19+$0x110]  }
0x1e: {  	v20 =	vld [tilespmem:s19+$0x120]  }
0x1f: {  	v22 =	vld [tilespmem:s19+$0xC0]  }
0x20: {  	v23 =	vld [tilespmem:s19+$0xD0]  }
0x21: {  	v21 =	vld [tilespmem:s19+$0xE0]  }
0x22: {  	v24 =	vld [tilespmem:s19+$0x80]  }
0x23: {  	v25 =	vld [tilespmem:s19+$0x90]  }
0x24: {  	v28 =	vld [tilespmem:s19+$0x40]  }
0x25: {  	v26 =	vld [tilespmem:s19+$0x50]  }
0x26: {  	v27 =	vld [tilespmem:s19+$0x60]  }
0x27: {  	v30 =	vld [tilespmem:s19+$0x0]  }
0x28: {  	v31 =	vld [tilespmem:s19+$0x10]  }
0x29: {  	v29 =	vld [tilespmem:s19+$0x20]  }
0x2a: {  	v32 =	vld [tilespmem:s19+$0xFFFFFFC0]  }
0x2b: {  	v33 =	vld [tilespmem:s19+$0xFFFFFFD0]  }
0x2c: {  	v36 =	vld [tilespmem:s19+$0xFFFFFF80]  }
0x2d: {  	v34 =	vld [tilespmem:s19+$0xFFFFFF90]  }
0x2e: {  	v35 =	vld [tilespmem:s19+$0xFFFFFFA0]  }
0x2f: {  	v38 =	vld [tilespmem:s19+$0xFFFFFF40]  }
0x30: {  	v39 =	vld [tilespmem:s19+$0xFFFFFF50]  }
0x31: {  	v37 =	vld [tilespmem:s19+$0xFFFFFF60]  }
0x32: {  	v40 =	vld [tilespmem:s19+$0xFFFFFF00]  }
0x33: {  	v41 =	vld [tilespmem:s19+$0xFFFFFF10]  }
0x34: {  	v44 =	vld [tilespmem:s19+$0xFFFFFEC0]  }
0x35: {  	v42 =	vld [tilespmem:s19+$0xFFFFFED0]  }
0x36: {  	v43 =	vld [tilespmem:s19+$0xFFFFFEE0]  }
0x37: {  	v46 =	vld [tilespmem:s19+$0xFFFFFE80]  }
0x38: {  	v47 =	vld [tilespmem:s19+$0xFFFFFE90]  }
0x39: {  	v45 =	vld [tilespmem:s19+$0xFFFFFEA0]  }
0x3a: {  	v50 =	vld [tilespmem:s19+$0xFFFFFE00]  }
0x3b: {  	v54 =	vld [tilespmem:s19+$0xFFFFFE10]  }
0x3c: {  	v57 =	vld [tilespmem:s19+$0xFFFFFE20]  }
0x3d: {  	v51 =	vld [tilespmem:s19+$0xFFFFFE30]  }
0x3e: {  	v55 =	vld [tilespmem:s19+$0xFFFFFE40]  }
0x3f: {  	v56 =	vld [tilespmem:s19+$0xFFFFFE50]  }
0x40: {  	v58 =	vld [tilespmem:s19+$0xFFFFFE60]  }
0x41: {  	v53 =	vld [tilespmem:s19+$0xFFFFFE70]  }
0x42: {  	v52 =	vld [tilespmem:s19+$0xFFFFFEB0]  }
0x43: {  	v49 =	vld [tilespmem:s19+$0xFFFFFEF0]  }
0x44: {  	v16 =	vimm.f32 $-Inf;
	v14 =	vimm.s32 $0x0;
	v48 =	vld [tilespmem:s19+$0xFFFFFF20]  }
0x45: {  	s21 =	simm.s32 $0x1;
	s20 =	simm.s32 $0x0;
	v55 =	vmax.f32 v50, v55;
	v56 =	vmax.f32 v54, v56;
	v54 =	vmax.f32 v57, v58;
	v50 =	vld [tilespmem:s19+$0xFFFFFF30]  }
.LBB2_2:
0x46: {  	p0 =	sne.s32 s21, $0x7;
	v51 =	vmax.f32 v51, v53;
	v46 =	vmax.f32 v55, v46;
	v47 =	vmax.f32 v56, v47;
	v53 =	vld [tilespmem:s19+$0xFFFFFF70]  }
0x47: {  	v45 =	vmax.f32 v54, v45;
	v51 =	vmax.f32 v51, v52;
	v44 =	vmax.f32 v46, v44;
	v46 =	vld [tilespmem:s19+$0xFFFFFFB0]  }
0x48: {  	v42 =	vmax.f32 v47, v42;
	v43 =	vmax.f32 v45, v43;
	v45 =	vmax.f32 v51, v49;
	v47 =	vld [tilespmem:s19+$0xFFFFFFE0]  }
0x49: {  	v40 =	vmax.f32 v44, v40;
	v41 =	vmax.f32 v42, v41;
	v42 =	vmax.f32 v43, v48;
	v43 =	vld [tilespmem:s19+$0xFFFFFFF0]  }
0x4a: {  	v38 =	vmax.f32 v40, v38;
	v39 =	vmax.f32 v41, v39;
	v44 =	vmax.f32 v45, v50;
	v40 =	vld [tilespmem:s19+$0x30]  }
0x4b: {  	v37 =	vmax.f32 v42, v37;
	v36 =	vmax.f32 v38, v36;
	v41 =	vmax.f32 v44, v53;
	v38 =	vld [tilespmem:s19+$0x70]  }
0x4c: {  	v34 =	vmax.f32 v39, v34;
	v35 =	vmax.f32 v37, v35;
	v37 =	vmax.f32 v41, v46;
	v39 =	vld [tilespmem:s19+$0xA0]  }
0x4d: {  	v32 =	vmax.f32 v36, v32;
	v33 =	vmax.f32 v34, v33;
	v34 =	vmax.f32 v35, v47;
	v35 =	vld [tilespmem:s19+$0xB0]  }
0x4e: {  	v30 =	vmax.f32 v32, v30;
	v31 =	vmax.f32 v33, v31;
	v36 =	vmax.f32 v37, v43;
	v32 =	vld [tilespmem:s19+$0xF0]  }
0x4f: {  	v28 =	vmax.f32 v30, v28;
	v29 =	vmax.f32 v34, v29;
	v33 =	vmax.f32 v36, v40;
	v30 =	vld [tilespmem:s19+$0x130]  }
0x50: {  	v26 =	vmax.f32 v31, v26;
	v27 =	vmax.f32 v29, v27;
	v29 =	vmax.f32 v33, v38;
	v31 =	vld [tilespmem:s19+$0x160]  }
0x51: {  	v24 =	vmax.f32 v28, v24;
	v25 =	vmax.f32 v26, v25;
	v26 =	vmax.f32 v27, v39;
	v27 =	vld [tilespmem:s19+$0x170]  }
0x52: {  	v22 =	vmax.f32 v24, v22;
	v23 =	vmax.f32 v25, v23;
	v28 =	vmax.f32 v29, v35;
	v24 =	vld [tilespmem:s19+$0x1B0]  }
0x53: {  	v19 =	vmax.f32 v22, v19;
	v21 =	vmax.f32 v26, v21;
	v25 =	vmax.f32 v28, v32;
	v22 =	vld [tilespmem:s19+$0x1F0];
	s19 =	sadd.s32 $0x400, s19  }
0x54: {  	v18 =	vmax.f32 v23, v18;
	v20 =	vmax.f32 v21, v20;
	v26 =	vld [tilespmem:s19+$0x1C0];
	v21 =	vmax.f32 v25, v30  }
0x55: {  	v15 =	vmax.f32 v19, v15;
	v17 =	vmax.f32 v18, v17;
	v23 =	vld [tilespmem:s19+$0x1D0];
	v18 =	vmax.f32 v20, v31  }
0x56: {  	v15 =	vmax.f32 v15, v9;
	v17 =	vmax.f32 v17, v12;
	v19 =	vld [tilespmem:s19+$0x1E0];
	v20 =	vmax.f32 v21, v27  }
0x57: {  	v13 =	vmax.f32 v18, v13;
	v9 =	vld [tilespmem:s19+$0x180];
	v18 =	vmax.f32 v20, v24;
	v20 =	vmax.f32 v15, v8  }
0x58: {  	v21 =	vmax.f32 v17, v10;
	v11 =	vmax.f32 v13, v11;
	v12 =	vld [tilespmem:s19+$0x190];
	v15 =	vmax.f32 v18, v22  }
0x59: {  	v17 =	vmax.f32 v20, v21;
	v13 =	vld [tilespmem:s19+$0x1A0];
	v20 =	vmax.f32 v11, v15;
	v8 =	vmov v26  }
0x5a: {  	v15 =	vld [tilespmem:s19+$0x140];
	v18 =	vmax.f32 v17, v20;
	v10 =	vmov v23  }
0x5b: {  	v17 =	vld [tilespmem:s19+$0x150];
	vm0 =	vgt.f32 v18, v16;
	v11 =	vmov v19  }
0x5c: {  	v19 =	vld [tilespmem:s19+$0x100];
	v16 =	vsel vm0, v18, v16;
	v14 =	vsel vm0, s20, v14;
	s20 =	smov.u32 s21  }
0x5d: {  	v18 =	vld [tilespmem:s19+$0x110]  }
0x5e: {  	v20 =	vld [tilespmem:s19+$0x120]  }
0x5f: {  	v22 =	vld [tilespmem:s19+$0xC0]  }
0x60: {  	v23 =	vld [tilespmem:s19+$0xD0]  }
0x61: {  	v21 =	vld [tilespmem:s19+$0xE0]  }
0x62: {  	v24 =	vld [tilespmem:s19+$0x80]  }
0x63: {  	v25 =	vld [tilespmem:s19+$0x90]  }
0x64: {  	v28 =	vld [tilespmem:s19+$0x40]  }
0x65: {  	v26 =	vld [tilespmem:s19+$0x50]  }
0x66: {  	v27 =	vld [tilespmem:s19+$0x60]  }
0x67: {  	v30 =	vld [tilespmem:s19+$0x0]  }
0x68: {  	v31 =	vld [tilespmem:s19+$0x10]  }
0x69: {  	v29 =	vld [tilespmem:s19+$0x20]  }
0x6a: {  	v32 =	vld [tilespmem:s19+$0xFFFFFFC0]  }
0x6b: {  	v33 =	vld [tilespmem:s19+$0xFFFFFFD0]  }
0x6c: {  	v36 =	vld [tilespmem:s19+$0xFFFFFF80]  }
0x6d: {  	v34 =	vld [tilespmem:s19+$0xFFFFFF90]  }
0x6e: {  	v35 =	vld [tilespmem:s19+$0xFFFFFFA0]  }
0x6f: {  	v38 =	vld [tilespmem:s19+$0xFFFFFF40]  }
0x70: {  	v39 =	vld [tilespmem:s19+$0xFFFFFF50]  }
0x71: {  	v37 =	vld [tilespmem:s19+$0xFFFFFF60]  }
0x72: {  	v40 =	vld [tilespmem:s19+$0xFFFFFF00]  }
0x73: {  	v41 =	vld [tilespmem:s19+$0xFFFFFF10]  }
0x74: {  	v44 =	vld [tilespmem:s19+$0xFFFFFEC0]  }
0x75: {  	v42 =	vld [tilespmem:s19+$0xFFFFFED0]  }
0x76: {  	v43 =	vld [tilespmem:s19+$0xFFFFFEE0]  }
0x77: {  	v46 =	vld [tilespmem:s19+$0xFFFFFE80]  }
0x78: {  	v47 =	vld [tilespmem:s19+$0xFFFFFE90]  }
0x79: {  	v45 =	vld [tilespmem:s19+$0xFFFFFEA0]  }
0x7a: {  	v50 =	vld [tilespmem:s19+$0xFFFFFE00]  }
0x7b: {  	v54 =	vld [tilespmem:s19+$0xFFFFFE10]  }
0x7c: {  	v57 =	vld [tilespmem:s19+$0xFFFFFE20]  }
0x7d: {  	v51 =	vld [tilespmem:s19+$0xFFFFFE30]  }
0x7e: {  	v55 =	vld [tilespmem:s19+$0xFFFFFE40]  }
0x7f: {  	v56 =	vld [tilespmem:s19+$0xFFFFFE50]  }
0x80: {  	v58 =	vld [tilespmem:s19+$0xFFFFFE60]  }
.Ltmp0:
0x81: {  	v53 =	vld [tilespmem:s19+$0xFFFFFE70];
	(pc) =	sbr.rel @p0 .LBB2_2-.Ltmp0, $4  }
0x82: {  	v52 =	vld [tilespmem:s19+$0xFFFFFEB0]  }
0x83: {  	v49 =	vld [tilespmem:s19+$0xFFFFFEF0]  }
0x84: {  	v48 =	vld [tilespmem:s19+$0xFFFFFF20]  }
0x85: {  	s21 =	sadd.s32 $0x1, s21;
	v55 =	vmax.f32 v50, v55;
	v56 =	vmax.f32 v54, v56;
	v54 =	vmax.f32 v57, v58;
	v50 =	vld [tilespmem:s19+$0xFFFFFF30]  }
0x86: {  	v51 =	vmax.f32 v51, v53;
	v46 =	vmax.f32 v55, v46;
	v47 =	vmax.f32 v56, v47;
	v63 =	vld [tilespmem:s19+$0xFFFFFF70]  }
0x87: {  	v45 =	vmax.f32 v54, v45;
	v56 =	vld [tilespmem:s19+$0xFFFFFFB0];
	v51 =	vmax.f32 v51, v52;
	v44 =	vmax.f32 v46, v44  }
0x88: {  	v58 =	vld [tilespmem:s19+$0xFFFFFFE0];
	v42 =	vmax.f32 v47, v42;
	v43 =	vmax.f32 v45, v43;
	v57 =	vmax.f32 v51, v49  }
0x89: {  	v60 =	vld [tilespmem:s19+$0xFFFFFFF0];
	v40 =	vmax.f32 v44, v40;
	v41 =	vmax.f32 v42, v41;
	v59 =	vmax.f32 v43, v48  }
0x8a: {  	v62 =	vld [tilespmem:s19+$0x30];
	v38 =	vmax.f32 v40, v38;
	v39 =	vmax.f32 v41, v39;
	v61 =	vmax.f32 v57, v50  }
0x8b: {  	v46 =	vld [tilespmem:s19+$0xA0];
	v37 =	vmax.f32 v59, v37;
	v36 =	vmax.f32 v38, v36;
	v34 =	vmax.f32 v39, v34  }
0x8c: {  	v44 =	vld [tilespmem:s19+$0x70];
	v63 =	vmax.f32 v61, v63;
	v35 =	vmax.f32 v37, v35;
	v32 =	vmax.f32 v36, v32  }
0x8d: {  	v49 =	vld [tilespmem:s19+$0xB0];
	v33 =	vmax.f32 v34, v33;
	v45 =	vmax.f32 v63, v56;
	v48 =	vmax.f32 v35, v58  }
0x8e: {  	v53 =	vld [tilespmem:s19+$0x130];
	v30 =	vmax.f32 v32, v30;
	v31 =	vmax.f32 v33, v31;
	v50 =	vmax.f32 v45, v60  }
0x8f: {  	v51 =	vld [tilespmem:s19+$0xF0];
	v29 =	vmax.f32 v48, v29;
	v28 =	vmax.f32 v30, v28;
	v26 =	vmax.f32 v31, v26  }
0x90: {  	v55 =	vld [tilespmem:s19+$0x160];
	v52 =	vmax.f32 v50, v62;
	v27 =	vmax.f32 v29, v27;
	v24 =	vmax.f32 v28, v24  }
0x91: {  	v57 =	vld [tilespmem:s19+$0x170];
	v25 =	vmax.f32 v26, v25;
	v54 =	vmax.f32 v52, v44;
	v56 =	vmax.f32 v27, v46  }
0x92: {  	v59 =	vld [tilespmem:s19+$0x1B0];
	v22 =	vmax.f32 v24, v22;
	v23 =	vmax.f32 v25, v23;
	v58 =	vmax.f32 v54, v49  }
0x93: {  	v61 =	vld [tilespmem:s19+$0x1F0];
	v21 =	vmax.f32 v56, v21;
	v19 =	vmax.f32 v22, v19;
	v18 =	vmax.f32 v23, v18  }
0x94: {  	v60 =	vmax.f32 v58, v51;
	v20 =	vmax.f32 v21, v20;
	v15 =	vmax.f32 v19, v15  }
0x95: {  	v17 =	vmax.f32 v18, v17;
	v62 =	vmax.f32 v60, v53;
	v18 =	vmax.f32 v20, v55  }
0x96: {  	v9 =	vmax.f32 v15, v9;
	v12 =	vmax.f32 v17, v12;
	v19 =	vmax.f32 v62, v57  }
0x97: {  	v13 =	vmax.f32 v18, v13;
	v8 =	vmax.f32 v9, v8;
	v15 =	vmax.f32 v19, v59  }
0x98: {  	v9 =	vmax.f32 v12, v10;
	v10 =	vmax.f32 v13, v11;
	v11 =	vmax.f32 v15, v61  }
0x99: {  	v8 =	vmax.f32 v8, v9;
	v9 =	vmax.f32 v10, v11  }
0x9a: {  	v8 =	vmax.f32 v8, v9  }
0x9b: {  	vm0 =	vgt.f32 v8, v16  }
0x9c: {  	v9 =	vsel vm0, v8, v16  }
0x9d: {  	v8 =	vperm.xlane v9, v3;
	_ =	sdelay $0x1  }
0x9e: {  	v8 =	vmax.f32 v9, v8  }
0x9f: {  	v10 =	vperm.xlane v8, v4;
	_ =	sdelay $0x1  }
0xa0: {  	v8 =	vmax.f32 v8, v10  }
0xa1: {  	v10 =	vperm.xlane v8, v5;
	_ =	sdelay $0x1  }
0xa2: {  	v8 =	vmax.f32 v8, v10  }
0xa3: {  	v10 =	vperm.xlane v8, v6;
	_ =	sdelay $0x1  }
0xa4: {  	v8 =	vmax.f32 v8, v10  }
0xa5: {  	v10 =	vsel vm0, s20, v14;
	vm12 =	veq.f32 v9, v8  }
0xa6: {  	v9 =	vnsel vm12, $0x8, v10  }
0xa7: {  	v10 =	vperm.xlane v9, v3;
	_ =	sdelay $0x1  }
0xa8: {  	vm0 =	vlt.s32 v9, v10  }
0xa9: {  	v9 =	vsel vm0, v9, v10  }
0xaa: {  	v10 =	vperm.xlane v9, v4;
	_ =	sdelay $0x1  }
0xab: {  	vm0 =	vlt.s32 v9, v10  }
0xac: {  	v9 =	vsel vm0, v9, v10  }
0xad: {  	v10 =	vperm.xlane v9, v5;
	_ =	sdelay $0x1  }
0xae: {  	vm0 =	vlt.s32 v9, v10  }
0xaf: {  	v9 =	vsel vm0, v9, v10  }
0xb0: {  	v10 =	vperm.xlane v9, v6;
	_ =	sdelay $0x1  }
0xb1: {  	vm0 =	vlt.s32 v9, v10  }
0xb2: {  	v9 =	vsel vm0, v9, v10  }
0xb3: {  	(v2sf) =	vpush v9, $0x0;
	_ =	sdelay $0xe  }
0xb4: {  	s29 =	simm.s32 $0x0;
	s28 =	spop (v2sf)  }
0xb5: {  	s21 =	sand.u32 $0x380, s29;
	s19 =	sshll.u32 s28, $0xA  }
0xb6: {  	s20 =	sand.u32 $0x40, s29;
	s21 =	sadd.s32 s21, s19  }
0xb7: {  	s20 =	sadd.s32 s20, s21  }
0xb8: {  	v11 =	vld [tilespmem:s20+$0x20]  }
0xb9: {  	v12 =	vld [tilespmem:s20+$0x0]  }
0xba: {  	v13 =	vld [tilespmem:s20+$0x10]  }
0xbb: {  	s30 =	simm.s32 $0x40;
	v14 =	vld [tilespmem:s20+$0x30]  }
0xbc: {  	s31 =	sand.u32 $0x380, s30  }
0xbd: {  	v16 =	vimm.s32 $0x8000;
	v9 =	vor.u32 s19, v7;
	s21 =	sadd.s32 s31, s19;
	s20 =	sand.u32 $0x40, s30  }
0xbe: {  	v15 =	vadd.s32 $0x10, v9;
	v17 =	vadd.s32 $0x20, v9;
	v18 =	vadd.s32 $0x30, v9;
	s21 =	sadd.s32 s20, s21  }
0xbf: {  	v10 =	vld [tilespmem:s21+$0x20];
	vm13 =	veq.f32 v12, v8;
	vm1 =	veq.f32 v13, v8;
	vm2 =	veq.f32 v11, v8  }
0xc0: {  	v11 =	vld [tilespmem:s21+$0x0];
	vm14 =	veq.f32 v14, v8;
	v19 =	vnsel vm13, $0x8000, v9;
	v63 =	vnsel vm1, $0x8000, v15  }
0xc1: {  	v13 =	vld [tilespmem:s21+$0x10];
	v14 =	vnsel vm2, $0x8000, v17;
	vm15 =	vlt.s32 v16, v19;
	vm3 =	vlt.s32 v16, v63  }
0xc2: {  	s20 =	simm.s32 $0x2;
	v12 =	vld [tilespmem:s21+$0x30];
	s21 =	simm.s32 $0x80;
	v17 =	vnsel vm14, $0x8000, v18;
	v15 =	vsel vm15, v16, v19;
	v16 =	vsel vm3, v16, v63  }
.LBB2_4:
0xc3: {  	s22 =	sand.u32 $0x380, s21;
	vm0 =	vlt.s32 v15, v14;
	vm1 =	vlt.s32 v16, v17;
	s20 =	sadd.s32 $0x2, s20  }
0xc4: {  	s23 =	sand.u32 $0x40, s21;
	v9 =	vadd.s32 $0x40, v9;
	s22 =	sadd.s32 s22, s19;
	v15 =	vsel vm0, v15, v14;
	v16 =	vsel vm1, v16, v17;
	p0 =	slt.u32 s20, $0x1E  }
.Ltmp1:
0xc5: {  	v14 =	vadd.s32 $0x10, v9;
	v17 =	vadd.s32 $0x20, v9;
	v18 =	vadd.s32 $0x30, v9;
	s22 =	sadd.s32 s23, s22;
	(pc) =	sbr.rel @p0 .LBB2_4-.Ltmp1, $4  }
0xc6: {  	vm2 =	veq.f32 v10, v8;
	vm0 =	veq.f32 v11, v8;
	vm1 =	veq.f32 v13, v8;
	v10 =	vld [tilespmem:s22+$0x20]  }
0xc7: {  	v19 =	vnsel vm0, $0x8000, v9;
	v11 =	vld [tilespmem:s22+$0x0];
	v20 =	vnsel vm1, $0x8000, v14;
	vm0 =	veq.f32 v12, v8  }
0xc8: {  	vm1 =	vlt.s32 v15, v19;
	v14 =	vnsel vm2, $0x8000, v17;
	v13 =	vld [tilespmem:s22+$0x10];
	vm3 =	vlt.s32 v16, v20  }
0xc9: {  	s21 =	sadd.s32 $0x40, s21;
	v15 =	vsel vm1, v15, v19;
	v17 =	vnsel vm0, $0x8000, v18;
	v12 =	vld [tilespmem:s22+$0x30];
	v16 =	vsel vm3, v16, v20  }
0xca: {  	vm0 =	vlt.s32 v15, v14;
	vm1 =	vlt.s32 v16, v17  }
0xcb: {  	v9 =	vadd.s32 $0x40, v9;
	v14 =	vsel vm0, v15, v14;
	v15 =	vsel vm1, v16, v17  }
0xcc: {  	v16 =	vadd.s32 $0x10, v9;
	v17 =	vadd.s32 $0x20, v9;
	v18 =	vadd.s32 $0x30, v9  }
0xcd: {  	vm2 =	veq.f32 v10, v8;
	vm10 =	veq.f32 v11, v8;
	vm11 =	veq.f32 v13, v8  }
0xce: {  	v11 =	vnsel vm2, $0x8000, v17;
	v9 =	vnsel vm10, $0x8000, v9;
	v10 =	vnsel vm11, $0x8000, v16  }
0xcf: {  	vm12 =	veq.f32 v12, v8;
	vm13 =	vlt.s32 v14, v9;
	vm3 =	vlt.s32 v15, v10  }
0xd0: {  	v9 =	vsel vm13, v14, v9;
	v12 =	vnsel vm12, $0x8000, v18;
	v10 =	vsel vm3, v15, v10  }
0xd1: {  	vm14 =	vlt.s32 v9, v11;
	vm15 =	vlt.s32 v10, v12  }
0xd2: {  	v9 =	vsel vm14, v9, v11;
	v10 =	vsel vm15, v10, v12  }
0xd3: {  	vm0 =	vlt.s32 v9, v10  }
0xd4: {  	v9 =	vsel vm0, v9, v10  }
0xd5: {  	v10 =	vperm.xlane v9, v3;
	_ =	sdelay $0x1  }
0xd6: {  	vm0 =	vlt.s32 v9, v10  }
0xd7: {  	v9 =	vsel vm0, v9, v10  }
0xd8: {  	v10 =	vperm.xlane v9, v0;
	_ =	sdelay $0x1  }
0xd9: {  	vm0 =	vlt.s32 v9, v10  }
0xda: {  	v9 =	vsel vm0, v9, v10  }
0xdb: {  	v10 =	vperm.xlane v9, v1;
	_ =	sdelay $0x1  }
0xdc: {  	vm0 =	vlt.s32 v9, v10  }
0xdd: {  	v9 =	vsel vm0, v9, v10  }
0xde: {  	v10 =	vperm.xlane v9, v2  }
0xdf: {  	s19 =	simm.s32 $0x0  }
0xe0: {  	[tilespmem:s19], [sflag:$0x1] =	stream.strided.gather [hbm4b:s5+s10], $0x2000, s11, s10, $0x38;
	vm0 =	vlt.s32 v9, v10;
	[tilespmem:$0x4400] =	vst v63  }
0xe1: {  	[tilespmem:$0x4000] =	vst v8;
	v9 =	vsel vm0, v9, v10  }
0xe2: {  	[tilespmem:$0x4200] =	vst v9  }
0xe3: {  	_ =	swait.ge [sflag:s14], $0x2000  }
0xe4: {  	[sflag:s14] =	ssyncset.done $0x0  }
0xe5: {  	s20 =	simm.s32 $0x2200;
	[sflag:s14] =	ssyncadd.s32 $0xFFFFE000  }
0xe6: {  	v8 =	vld [tilespmem:s20+$0x1C0]  }
0xe7: {  	v10 =	vld [tilespmem:s20+$0x1D0]  }
0xe8: {  	v11 =	vld [tilespmem:s20+$0x1E0]  }
0xe9: {  	v9 =	vld [tilespmem:s20+$0x180]  }
0xea: {  	v12 =	vld [tilespmem:s20+$0x190]  }
0xeb: {  	v13 =	vld [tilespmem:s20+$0x1A0]  }
0xec: {  	v15 =	vld [tilespmem:s20+$0x140]  }
0xed: {  	v17 =	vld [tilespmem:s20+$0x150]  }
0xee: {  	v19 =	vld [tilespmem:s20+$0x100]  }
0xef: {  	v18 =	vld [tilespmem:s20+$0x110]  }
0xf0: {  	v20 =	vld [tilespmem:s20+$0x120]  }
0xf1: {  	v22 =	vld [tilespmem:s20+$0xC0]  }
0xf2: {  	v23 =	vld [tilespmem:s20+$0xD0]  }
0xf3: {  	v21 =	vld [tilespmem:s20+$0xE0]  }
0xf4: {  	v24 =	vld [tilespmem:s20+$0x80]  }
0xf5: {  	v25 =	vld [tilespmem:s20+$0x90]  }
0xf6: {  	v28 =	vld [tilespmem:s20+$0x40]  }
0xf7: {  	v26 =	vld [tilespmem:s20+$0x50]  }
0xf8: {  	v27 =	vld [tilespmem:s20+$0x60]  }
0xf9: {  	v30 =	vld [tilespmem:s20+$0x0]  }
0xfa: {  	v31 =	vld [tilespmem:s20+$0x10]  }
0xfb: {  	v29 =	vld [tilespmem:s20+$0x20]  }
0xfc: {  	v32 =	vld [tilespmem:s20+$0xFFFFFFC0]  }
0xfd: {  	v33 =	vld [tilespmem:s20+$0xFFFFFFD0]  }
0xfe: {  	v36 =	vld [tilespmem:s20+$0xFFFFFF80]  }
0xff: {  	v34 =	vld [tilespmem:s20+$0xFFFFFF90]  }
0x100: {  	v35 =	vld [tilespmem:s20+$0xFFFFFFA0]  }
0x101: {  	v38 =	vld [tilespmem:s20+$0xFFFFFF40]  }
0x102: {  	v39 =	vld [tilespmem:s20+$0xFFFFFF50]  }
0x103: {  	v37 =	vld [tilespmem:s20+$0xFFFFFF60]  }
0x104: {  	v40 =	vld [tilespmem:s20+$0xFFFFFF00]  }
0x105: {  	v41 =	vld [tilespmem:s20+$0xFFFFFF10]  }
0x106: {  	v44 =	vld [tilespmem:s20+$0xFFFFFEC0]  }
0x107: {  	v42 =	vld [tilespmem:s20+$0xFFFFFED0]  }
0x108: {  	v43 =	vld [tilespmem:s20+$0xFFFFFEE0]  }
0x109: {  	v46 =	vld [tilespmem:s20+$0xFFFFFE80]  }
0x10a: {  	v47 =	vld [tilespmem:s20+$0xFFFFFE90]  }
0x10b: {  	v45 =	vld [tilespmem:s20+$0xFFFFFEA0]  }
0x10c: {  	v50 =	vld [tilespmem:s20+$0xFFFFFE00]  }
0x10d: {  	v54 =	vld [tilespmem:s20+$0xFFFFFE10]  }
0x10e: {  	v57 =	vld [tilespmem:s20+$0xFFFFFE20]  }
0x10f: {  	v51 =	vld [tilespmem:s20+$0xFFFFFE30]  }
0x110: {  	v55 =	vld [tilespmem:s20+$0xFFFFFE40]  }
0x111: {  	v56 =	vld [tilespmem:s20+$0xFFFFFE50]  }
0x112: {  	v58 =	vld [tilespmem:s20+$0xFFFFFE60]  }
0x113: {  	v53 =	vld [tilespmem:s20+$0xFFFFFE70]  }
0x114: {  	v52 =	vld [tilespmem:s20+$0xFFFFFEB0]  }
0x115: {  	v49 =	vld [tilespmem:s20+$0xFFFFFEF0]  }
0x116: {  	v16 =	vimm.f32 $-Inf;
	v14 =	vimm.s32 $0x0;
	v48 =	vld [tilespmem:s20+$0xFFFFFF20]  }
0x117: {  	s21 =	simm.s32 $0x1;
	v55 =	vmax.f32 v50, v55;
	v56 =	vmax.f32 v54, v56;
	v54 =	vmax.f32 v57, v58;
	v50 =	vld [tilespmem:s20+$0xFFFFFF30]  }
.LBB2_6:
0x118: {  	p0 =	sne.s32 s21, $0x7;
	v51 =	vmax.f32 v51, v53;
	v46 =	vmax.f32 v55, v46;
	v47 =	vmax.f32 v56, v47;
	v53 =	vld [tilespmem:s20+$0xFFFFFF70]  }
0x119: {  	v45 =	vmax.f32 v54, v45;
	v51 =	vmax.f32 v51, v52;
	v44 =	vmax.f32 v46, v44;
	v46 =	vld [tilespmem:s20+$0xFFFFFFB0]  }
0x11a: {  	v42 =	vmax.f32 v47, v42;
	v43 =	vmax.f32 v45, v43;
	v45 =	vmax.f32 v51, v49;
	v47 =	vld [tilespmem:s20+$0xFFFFFFE0]  }
0x11b: {  	v40 =	vmax.f32 v44, v40;
	v41 =	vmax.f32 v42, v41;
	v42 =	vmax.f32 v43, v48;
	v43 =	vld [tilespmem:s20+$0xFFFFFFF0]  }
0x11c: {  	v38 =	vmax.f32 v40, v38;
	v39 =	vmax.f32 v41, v39;
	v44 =	vmax.f32 v45, v50;
	v40 =	vld [tilespmem:s20+$0x30]  }
0x11d: {  	v37 =	vmax.f32 v42, v37;
	v36 =	vmax.f32 v38, v36;
	v41 =	vmax.f32 v44, v53;
	v38 =	vld [tilespmem:s20+$0x70]  }
0x11e: {  	v34 =	vmax.f32 v39, v34;
	v35 =	vmax.f32 v37, v35;
	v37 =	vmax.f32 v41, v46;
	v39 =	vld [tilespmem:s20+$0xA0]  }
0x11f: {  	v32 =	vmax.f32 v36, v32;
	v33 =	vmax.f32 v34, v33;
	v34 =	vmax.f32 v35, v47;
	v35 =	vld [tilespmem:s20+$0xB0]  }
0x120: {  	v30 =	vmax.f32 v32, v30;
	v31 =	vmax.f32 v33, v31;
	v36 =	vmax.f32 v37, v43;
	v32 =	vld [tilespmem:s20+$0xF0]  }
0x121: {  	v28 =	vmax.f32 v30, v28;
	v29 =	vmax.f32 v34, v29;
	v33 =	vmax.f32 v36, v40;
	v30 =	vld [tilespmem:s20+$0x130]  }
0x122: {  	v26 =	vmax.f32 v31, v26;
	v27 =	vmax.f32 v29, v27;
	v29 =	vmax.f32 v33, v38;
	v31 =	vld [tilespmem:s20+$0x160]  }
0x123: {  	v24 =	vmax.f32 v28, v24;
	v25 =	vmax.f32 v26, v25;
	v26 =	vmax.f32 v27, v39;
	v27 =	vld [tilespmem:s20+$0x170]  }
0x124: {  	v22 =	vmax.f32 v24, v22;
	v23 =	vmax.f32 v25, v23;
	v28 =	vmax.f32 v29, v35;
	v24 =	vld [tilespmem:s20+$0x1B0]  }
0x125: {  	v19 =	vmax.f32 v22, v19;
	v21 =	vmax.f32 v26, v21;
	v25 =	vmax.f32 v28, v32;
	v22 =	vld [tilespmem:s20+$0x1F0];
	s20 =	sadd.s32 $0x400, s20  }
0x126: {  	v18 =	vmax.f32 v23, v18;
	v20 =	vmax.f32 v21, v20;
	v26 =	vld [tilespmem:s20+$0x1C0];
	v21 =	vmax.f32 v25, v30  }
0x127: {  	v15 =	vmax.f32 v19, v15;
	v17 =	vmax.f32 v18, v17;
	v23 =	vld [tilespmem:s20+$0x1D0];
	v18 =	vmax.f32 v20, v31  }
0x128: {  	v15 =	vmax.f32 v15, v9;
	v17 =	vmax.f32 v17, v12;
	v19 =	vld [tilespmem:s20+$0x1E0];
	v20 =	vmax.f32 v21, v27  }
0x129: {  	v13 =	vmax.f32 v18, v13;
	v9 =	vld [tilespmem:s20+$0x180];
	v18 =	vmax.f32 v20, v24;
	v20 =	vmax.f32 v15, v8  }
0x12a: {  	v21 =	vmax.f32 v17, v10;
	v11 =	vmax.f32 v13, v11;
	v12 =	vld [tilespmem:s20+$0x190];
	v15 =	vmax.f32 v18, v22  }
0x12b: {  	v17 =	vmax.f32 v20, v21;
	v13 =	vld [tilespmem:s20+$0x1A0];
	v20 =	vmax.f32 v11, v15;
	v8 =	vmov v26  }
0x12c: {  	v15 =	vld [tilespmem:s20+$0x140];
	v18 =	vmax.f32 v17, v20;
	v10 =	vmov v23  }
0x12d: {  	v17 =	vld [tilespmem:s20+$0x150];
	vm0 =	vgt.f32 v18, v16;
	v11 =	vmov v19  }
0x12e: {  	v19 =	vld [tilespmem:s20+$0x100];
	v16 =	vsel vm0, v18, v16;
	v14 =	vsel vm0, s19, v14;
	s19 =	smov.u32 s21  }
0x12f: {  	v18 =	vld [tilespmem:s20+$0x110]  }
0x130: {  	v20 =	vld [tilespmem:s20+$0x120]  }
0x131: {  	v22 =	vld [tilespmem:s20+$0xC0]  }
0x132: {  	v23 =	vld [tilespmem:s20+$0xD0]  }
0x133: {  	v21 =	vld [tilespmem:s20+$0xE0]  }
0x134: {  	v24 =	vld [tilespmem:s20+$0x80]  }
0x135: {  	v25 =	vld [tilespmem:s20+$0x90]  }
0x136: {  	v28 =	vld [tilespmem:s20+$0x40]  }
0x137: {  	v26 =	vld [tilespmem:s20+$0x50]  }
0x138: {  	v27 =	vld [tilespmem:s20+$0x60]  }
0x139: {  	v30 =	vld [tilespmem:s20+$0x0]  }
0x13a: {  	v31 =	vld [tilespmem:s20+$0x10]  }
0x13b: {  	v29 =	vld [tilespmem:s20+$0x20]  }
0x13c: {  	v32 =	vld [tilespmem:s20+$0xFFFFFFC0]  }
0x13d: {  	v33 =	vld [tilespmem:s20+$0xFFFFFFD0]  }
0x13e: {  	v36 =	vld [tilespmem:s20+$0xFFFFFF80]  }
0x13f: {  	v34 =	vld [tilespmem:s20+$0xFFFFFF90]  }
0x140: {  	v35 =	vld [tilespmem:s20+$0xFFFFFFA0]  }
0x141: {  	v38 =	vld [tilespmem:s20+$0xFFFFFF40]  }
0x142: {  	v39 =	vld [tilespmem:s20+$0xFFFFFF50]  }
0x143: {  	v37 =	vld [tilespmem:s20+$0xFFFFFF60]  }
0x144: {  	v40 =	vld [tilespmem:s20+$0xFFFFFF00]  }
0x145: {  	v41 =	vld [tilespmem:s20+$0xFFFFFF10]  }
0x146: {  	v44 =	vld [tilespmem:s20+$0xFFFFFEC0]  }
0x147: {  	v42 =	vld [tilespmem:s20+$0xFFFFFED0]  }
0x148: {  	v43 =	vld [tilespmem:s20+$0xFFFFFEE0]  }
0x149: {  	v46 =	vld [tilespmem:s20+$0xFFFFFE80]  }
0x14a: {  	v47 =	vld [tilespmem:s20+$0xFFFFFE90]  }
0x14b: {  	v45 =	vld [tilespmem:s20+$0xFFFFFEA0]  }
0x14c: {  	v50 =	vld [tilespmem:s20+$0xFFFFFE00]  }
0x14d: {  	v54 =	vld [tilespmem:s20+$0xFFFFFE10]  }
0x14e: {  	v57 =	vld [tilespmem:s20+$0xFFFFFE20]  }
0x14f: {  	v51 =	vld [tilespmem:s20+$0xFFFFFE30]  }
0x150: {  	v55 =	vld [tilespmem:s20+$0xFFFFFE40]  }
0x151: {  	v56 =	vld [tilespmem:s20+$0xFFFFFE50]  }
0x152: {  	v58 =	vld [tilespmem:s20+$0xFFFFFE60]  }
.Ltmp2:
0x153: {  	v53 =	vld [tilespmem:s20+$0xFFFFFE70];
	(pc) =	sbr.rel @p0 .LBB2_6-.Ltmp2, $4  }
0x154: {  	v52 =	vld [tilespmem:s20+$0xFFFFFEB0]  }
0x155: {  	v49 =	vld [tilespmem:s20+$0xFFFFFEF0]  }
0x156: {  	v48 =	vld [tilespmem:s20+$0xFFFFFF20]  }
0x157: {  	s21 =	sadd.s32 $0x1, s21;
	v55 =	vmax.f32 v50, v55;
	v56 =	vmax.f32 v54, v56;
	v54 =	vmax.f32 v57, v58;
	v50 =	vld [tilespmem:s20+$0xFFFFFF30]  }
0x158: {  	v51 =	vmax.f32 v51, v53;
	v46 =	vmax.f32 v55, v46;
	v47 =	vmax.f32 v56, v47;
	v63 =	vld [tilespmem:s20+$0xFFFFFF70]  }
0x159: {  	v45 =	vmax.f32 v54, v45;
	v56 =	vld [tilespmem:s20+$0xFFFFFFB0];
	v51 =	vmax.f32 v51, v52;
	v44 =	vmax.f32 v46, v44  }
0x15a: {  	v58 =	vld [tilespmem:s20+$0xFFFFFFE0];
	v42 =	vmax.f32 v47, v42;
	v43 =	vmax.f32 v45, v43;
	v57 =	vmax.f32 v51, v49  }
0x15b: {  	v60 =	vld [tilespmem:s20+$0xFFFFFFF0];
	v40 =	vmax.f32 v44, v40;
	v41 =	vmax.f32 v42, v41;
	v59 =	vmax.f32 v43, v48  }
0x15c: {  	v62 =	vld [tilespmem:s20+$0x30];
	v38 =	vmax.f32 v40, v38;
	v39 =	vmax.f32 v41, v39;
	v61 =	vmax.f32 v57, v50  }
0x15d: {  	v46 =	vld [tilespmem:s20+$0xA0];
	v37 =	vmax.f32 v59, v37;
	v36 =	vmax.f32 v38, v36;
	v34 =	vmax.f32 v39, v34  }
0x15e: {  	v44 =	vld [tilespmem:s20+$0x70];
	v63 =	vmax.f32 v61, v63;
	v35 =	vmax.f32 v37, v35;
	v32 =	vmax.f32 v36, v32  }
0x15f: {  	v49 =	vld [tilespmem:s20+$0xB0];
	v33 =	vmax.f32 v34, v33;
	v45 =	vmax.f32 v63, v56;
	v48 =	vmax.f32 v35, v58  }
0x160: {  	v53 =	vld [tilespmem:s20+$0x130];
	v30 =	vmax.f32 v32, v30;
	v31 =	vmax.f32 v33, v31;
	v50 =	vmax.f32 v45, v60  }
0x161: {  	v51 =	vld [tilespmem:s20+$0xF0];
	v29 =	vmax.f32 v48, v29;
	v28 =	vmax.f32 v30, v28;
	v26 =	vmax.f32 v31, v26  }
0x162: {  	v55 =	vld [tilespmem:s20+$0x160];
	v52 =	vmax.f32 v50, v62;
	v27 =	vmax.f32 v29, v27;
	v24 =	vmax.f32 v28, v24  }
0x163: {  	v57 =	vld [tilespmem:s20+$0x170];
	v25 =	vmax.f32 v26, v25;
	v54 =	vmax.f32 v52, v44;
	v56 =	vmax.f32 v27, v46  }
0x164: {  	v59 =	vld [tilespmem:s20+$0x1B0];
	v22 =	vmax.f32 v24, v22;
	v23 =	vmax.f32 v25, v23;
	v58 =	vmax.f32 v54, v49  }
0x165: {  	v61 =	vld [tilespmem:s20+$0x1F0];
	v21 =	vmax.f32 v56, v21;
	v19 =	vmax.f32 v22, v19;
	v18 =	vmax.f32 v23, v18  }
0x166: {  	v60 =	vmax.f32 v58, v51;
	v20 =	vmax.f32 v21, v20;
	v15 =	vmax.f32 v19, v15  }
0x167: {  	v17 =	vmax.f32 v18, v17;
	v62 =	vmax.f32 v60, v53;
	v18 =	vmax.f32 v20, v55  }
0x168: {  	v9 =	vmax.f32 v15, v9;
	v12 =	vmax.f32 v17, v12;
	v19 =	vmax.f32 v62, v57  }
0x169: {  	v13 =	vmax.f32 v18, v13;
	v8 =	vmax.f32 v9, v8;
	v15 =	vmax.f32 v19, v59  }
0x16a: {  	v9 =	vmax.f32 v12, v10;
	v10 =	vmax.f32 v13, v11;
	v11 =	vmax.f32 v15, v61  }
0x16b: {  	v8 =	vmax.f32 v8, v9;
	v9 =	vmax.f32 v10, v11  }
0x16c: {  	v8 =	vmax.f32 v8, v9  }
0x16d: {  	vm0 =	vgt.f32 v8, v16  }
0x16e: {  	v9 =	vsel vm0, v8, v16  }
0x16f: {  	v8 =	vperm.xlane v9, v3;
	_ =	sdelay $0x1  }
0x170: {  	v8 =	vmax.f32 v9, v8  }
0x171: {  	v10 =	vperm.xlane v8, v4;
	_ =	sdelay $0x1  }
0x172: {  	v8 =	vmax.f32 v8, v10  }
0x173: {  	v10 =	vperm.xlane v8, v5;
	_ =	sdelay $0x1  }
0x174: {  	v8 =	vmax.f32 v8, v10  }
0x175: {  	v10 =	vperm.xlane v8, v6;
	_ =	sdelay $0x1  }
0x176: {  	v8 =	vmax.f32 v8, v10  }
0x177: {  	v10 =	vsel vm0, s19, v14;
	vm12 =	veq.f32 v9, v8  }
0x178: {  	v9 =	vnsel vm12, $0x8, v10  }
0x179: {  	v10 =	vperm.xlane v9, v3;
	_ =	sdelay $0x1  }
0x17a: {  	vm0 =	vlt.s32 v9, v10  }
0x17b: {  	v9 =	vsel vm0, v9, v10  }
0x17c: {  	v10 =	vperm.xlane v9, v4;
	_ =	sdelay $0x1  }
0x17d: {  	vm0 =	vlt.s32 v9, v10  }
0x17e: {  	v9 =	vsel vm0, v9, v10  }
0x17f: {  	v10 =	vperm.xlane v9, v5;
	_ =	sdelay $0x1  }
0x180: {  	vm0 =	vlt.s32 v9, v10  }
0x181: {  	v9 =	vsel vm0, v9, v10  }
0x182: {  	v10 =	vperm.xlane v9, v6;
	_ =	sdelay $0x1  }
0x183: {  	vm0 =	vlt.s32 v9, v10  }
0x184: {  	v9 =	vsel vm0, v9, v10  }
0x185: {  	(v2sf) =	vpush v9, $0x0;
	_ =	sdelay $0xe  }
0x186: {  	s25 =	spop (v2sf)  }
0x187: {  	s21 =	simm.s32 $0x0;
	s26 =	sshll.u32 s25, $0xA  }
0x188: {  	s22 =	sand.u32 $0x380, s21;
	s19 =	sadd.s32 $0x2000, s26  }
0x189: {  	s21 =	sand.u32 $0x40, s21;
	s22 =	sadd.s32 s22, s19  }
0x18a: {  	s21 =	sadd.s32 s21, s22  }
0x18b: {  	v11 =	vld [tilespmem:s21+$0x20]  }
0x18c: {  	v12 =	vld [tilespmem:s21+$0x0]  }
0x18d: {  	v13 =	vld [tilespmem:s21+$0x10]  }
0x18e: {  	s28 =	simm.s32 $0x40;
	v14 =	vld [tilespmem:s21+$0x30]  }
0x18f: {  	s29 =	sand.u32 $0x380, s28  }
0x190: {  	s30 =	sand.u32 $0x40, s28;
	v16 =	vimm.s32 $0x8000;
	v9 =	vor.u32 s26, v7;
	s31 =	sadd.s32 s29, s19  }
0x191: {  	v15 =	vadd.s32 $0x10, v9;
	v17 =	vadd.s32 $0x20, v9;
	v18 =	vadd.s32 $0x30, v9;
	s21 =	sadd.s32 s30, s31  }
0x192: {  	v10 =	vld [tilespmem:s21+$0x20];
	vm13 =	veq.f32 v12, v8;
	vm1 =	veq.f32 v13, v8;
	vm2 =	veq.f32 v11, v8  }
0x193: {  	v11 =	vld [tilespmem:s21+$0x0];
	vm14 =	veq.f32 v14, v8;
	v19 =	vnsel vm13, $0x8000, v9;
	v63 =	vnsel vm1, $0x8000, v15  }
0x194: {  	v13 =	vld [tilespmem:s21+$0x10];
	v14 =	vnsel vm2, $0x8000, v17;
	vm15 =	vlt.s32 v16, v19;
	vm3 =	vlt.s32 v16, v63  }
0x195: {  	s20 =	simm.s32 $0x2;
	v12 =	vld [tilespmem:s21+$0x30];
	s21 =	simm.s32 $0x80;
	v17 =	vnsel vm14, $0x8000, v18;
	v15 =	vsel vm15, v16, v19;
	v16 =	vsel vm3, v16, v63  }
.LBB2_8:
0x196: {  	s22 =	sand.u32 $0x380, s21;
	vm0 =	vlt.s32 v15, v14;
	vm1 =	vlt.s32 v16, v17;
	s20 =	sadd.s32 $0x2, s20  }
0x197: {  	s23 =	sand.u32 $0x40, s21;
	v9 =	vadd.s32 $0x40, v9;
	s22 =	sadd.s32 s22, s19;
	v15 =	vsel vm0, v15, v14;
	v16 =	vsel vm1, v16, v17;
	p0 =	slt.u32 s20, $0x1E  }
.Ltmp3:
0x198: {  	v14 =	vadd.s32 $0x10, v9;
	v17 =	vadd.s32 $0x20, v9;
	v18 =	vadd.s32 $0x30, v9;
	s22 =	sadd.s32 s23, s22;
	(pc) =	sbr.rel @p0 .LBB2_8-.Ltmp3, $4  }
0x199: {  	vm2 =	veq.f32 v10, v8;
	vm0 =	veq.f32 v11, v8;
	vm1 =	veq.f32 v13, v8;
	v10 =	vld [tilespmem:s22+$0x20]  }
0x19a: {  	v19 =	vnsel vm0, $0x8000, v9;
	v11 =	vld [tilespmem:s22+$0x0];
	v20 =	vnsel vm1, $0x8000, v14;
	vm0 =	veq.f32 v12, v8  }
0x19b: {  	vm1 =	vlt.s32 v15, v19;
	v14 =	vnsel vm2, $0x8000, v17;
	v13 =	vld [tilespmem:s22+$0x10];
	vm3 =	vlt.s32 v16, v20  }
0x19c: {  	s21 =	sadd.s32 $0x40, s21;
	v15 =	vsel vm1, v15, v19;
	v17 =	vnsel vm0, $0x8000, v18;
	v12 =	vld [tilespmem:s22+$0x30];
	v16 =	vsel vm3, v16, v20  }
0x19d: {  	vm0 =	vlt.s32 v15, v14;
	vm1 =	vlt.s32 v16, v17  }
0x19e: {  	v9 =	vadd.s32 $0x40, v9;
	v14 =	vsel vm0, v15, v14;
	v15 =	vsel vm1, v16, v17  }
0x19f: {  	v16 =	vadd.s32 $0x10, v9;
	v17 =	vadd.s32 $0x20, v9;
	v18 =	vadd.s32 $0x30, v9  }
0x1a0: {  	vm2 =	veq.f32 v10, v8;
	vm10 =	veq.f32 v11, v8;
	vm11 =	veq.f32 v13, v8  }
0x1a1: {  	v11 =	vnsel vm2, $0x8000, v17;
	v9 =	vnsel vm10, $0x8000, v9;
	v10 =	vnsel vm11, $0x8000, v16  }
0x1a2: {  	vm12 =	veq.f32 v12, v8;
	vm13 =	vlt.s32 v14, v9;
	vm3 =	vlt.s32 v15, v10  }
0x1a3: {  	v9 =	vsel vm13, v14, v9;
	v12 =	vnsel vm12, $0x8000, v18;
	v10 =	vsel vm3, v15, v10  }
0x1a4: {  	vm14 =	vlt.s32 v9, v11;
	vm15 =	vlt.s32 v10, v12  }
0x1a5: {  	v9 =	vsel vm14, v9, v11;
	v10 =	vsel vm15, v10, v12  }
0x1a6: {  	vm0 =	vlt.s32 v9, v10  }
0x1a7: {  	v9 =	vsel vm0, v9, v10  }
0x1a8: {  	v10 =	vperm.xlane v9, v3;
	_ =	sdelay $0x1  }
0x1a9: {  	vm0 =	vlt.s32 v9, v10  }
0x1aa: {  	v9 =	vsel vm0, v9, v10  }
0x1ab: {  	v10 =	vperm.xlane v9, v0;
	_ =	sdelay $0x1  }
0x1ac: {  	vm0 =	vlt.s32 v9, v10  }
0x1ad: {  	v9 =	vsel vm0, v9, v10  }
0x1ae: {  	v10 =	vperm.xlane v9, v1;
	_ =	sdelay $0x1  }
0x1af: {  	vm0 =	vlt.s32 v9, v10  }
0x1b0: {  	v9 =	vsel vm0, v9, v10  }
0x1b1: {  	v10 =	vperm.xlane v9, v2;
	_ =	sdelay $0x1  }
0x1b2: {  	[tilespmem:s12], [sflag:$0x2] =	stream.strided.gather [hbm4b:s6+s10], $0x2000, s11, s10, $0x38;
	vm0 =	vlt.s32 v9, v10;
	[tilespmem:$0x4400] =	vst v63  }
0x1b3: {  	[tilespmem:$0x4080] =	vst v8;
	v9 =	vsel vm0, v9, v10  }
0x1b4: {  	[tilespmem:$0x4280] =	vst v9  }
0x1b5: {  	_ =	swait.ge [sflag:s13], $0x2000  }
0x1b6: {  	[sflag:s13] =	ssyncset.done $0x0  }
0x1b7: {  	s19 =	simm.s32 $0x200;
	[sflag:s13] =	ssyncadd.s32 $0xFFFFE000  }
0x1b8: {  	v8 =	vld [tilespmem:s19+$0x1C0]  }
0x1b9: {  	v10 =	vld [tilespmem:s19+$0x1D0]  }
0x1ba: {  	v11 =	vld [tilespmem:s19+$0x1E0]  }
0x1bb: {  	v9 =	vld [tilespmem:s19+$0x180]  }
0x1bc: {  	v12 =	vld [tilespmem:s19+$0x190]  }
0x1bd: {  	v13 =	vld [tilespmem:s19+$0x1A0]  }
0x1be: {  	v15 =	vld [tilespmem:s19+$0x140]  }
0x1bf: {  	v17 =	vld [tilespmem:s19+$0x150]  }
0x1c0: {  	v19 =	vld [tilespmem:s19+$0x100]  }
0x1c1: {  	v18 =	vld [tilespmem:s19+$0x110]  }
0x1c2: {  	v20 =	vld [tilespmem:s19+$0x120]  }
0x1c3: {  	v22 =	vld [tilespmem:s19+$0xC0]  }
0x1c4: {  	v23 =	vld [tilespmem:s19+$0xD0]  }
0x1c5: {  	v21 =	vld [tilespmem:s19+$0xE0]  }
0x1c6: {  	v24 =	vld [tilespmem:s19+$0x80]  }
0x1c7: {  	v25 =	vld [tilespmem:s19+$0x90]  }
0x1c8: {  	v28 =	vld [tilespmem:s19+$0x40]  }
0x1c9: {  	v26 =	vld [tilespmem:s19+$0x50]  }
0x1ca: {  	v27 =	vld [tilespmem:s19+$0x60]  }
0x1cb: {  	v30 =	vld [tilespmem:s19+$0x0]  }
0x1cc: {  	v31 =	vld [tilespmem:s19+$0x10]  }
0x1cd: {  	v29 =	vld [tilespmem:s19+$0x20]  }
0x1ce: {  	v32 =	vld [tilespmem:s19+$0xFFFFFFC0]  }
0x1cf: {  	v33 =	vld [tilespmem:s19+$0xFFFFFFD0]  }
0x1d0: {  	v36 =	vld [tilespmem:s19+$0xFFFFFF80]  }
0x1d1: {  	v34 =	vld [tilespmem:s19+$0xFFFFFF90]  }
0x1d2: {  	v35 =	vld [tilespmem:s19+$0xFFFFFFA0]  }
0x1d3: {  	v38 =	vld [tilespmem:s19+$0xFFFFFF40]  }
0x1d4: {  	v39 =	vld [tilespmem:s19+$0xFFFFFF50]  }
0x1d5: {  	v37 =	vld [tilespmem:s19+$0xFFFFFF60]  }
0x1d6: {  	v40 =	vld [tilespmem:s19+$0xFFFFFF00]  }
0x1d7: {  	v41 =	vld [tilespmem:s19+$0xFFFFFF10]  }
0x1d8: {  	v44 =	vld [tilespmem:s19+$0xFFFFFEC0]  }
0x1d9: {  	v42 =	vld [tilespmem:s19+$0xFFFFFED0]  }
0x1da: {  	v43 =	vld [tilespmem:s19+$0xFFFFFEE0]  }
0x1db: {  	v46 =	vld [tilespmem:s19+$0xFFFFFE80]  }
0x1dc: {  	v47 =	vld [tilespmem:s19+$0xFFFFFE90]  }
0x1dd: {  	v45 =	vld [tilespmem:s19+$0xFFFFFEA0]  }
0x1de: {  	v50 =	vld [tilespmem:s19+$0xFFFFFE00]  }
0x1df: {  	v54 =	vld [tilespmem:s19+$0xFFFFFE10]  }
0x1e0: {  	v57 =	vld [tilespmem:s19+$0xFFFFFE20]  }
0x1e1: {  	v51 =	vld [tilespmem:s19+$0xFFFFFE30]  }
0x1e2: {  	v55 =	vld [tilespmem:s19+$0xFFFFFE40]  }
0x1e3: {  	v56 =	vld [tilespmem:s19+$0xFFFFFE50]  }
0x1e4: {  	v58 =	vld [tilespmem:s19+$0xFFFFFE60]  }
0x1e5: {  	v53 =	vld [tilespmem:s19+$0xFFFFFE70]  }
0x1e6: {  	v52 =	vld [tilespmem:s19+$0xFFFFFEB0]  }
0x1e7: {  	v49 =	vld [tilespmem:s19+$0xFFFFFEF0]  }
0x1e8: {  	v16 =	vimm.f32 $-Inf;
	v14 =	vimm.s32 $0x0;
	v48 =	vld [tilespmem:s19+$0xFFFFFF20]  }
0x1e9: {  	s20 =	simm.s32 $0x0;
	s21 =	simm.s32 $0x1;
	v55 =	vmax.f32 v50, v55;
	v56 =	vmax.f32 v54, v56;
	v54 =	vmax.f32 v57, v58;
	v50 =	vld [tilespmem:s19+$0xFFFFFF30]  }
.LBB2_10:
0x1ea: {  	p0 =	sne.s32 s21, $0x7;
	v51 =	vmax.f32 v51, v53;
	v46 =	vmax.f32 v55, v46;
	v47 =	vmax.f32 v56, v47;
	v53 =	vld [tilespmem:s19+$0xFFFFFF70]  }
0x1eb: {  	v45 =	vmax.f32 v54, v45;
	v51 =	vmax.f32 v51, v52;
	v44 =	vmax.f32 v46, v44;
	v46 =	vld [tilespmem:s19+$0xFFFFFFB0]  }
0x1ec: {  	v42 =	vmax.f32 v47, v42;
	v43 =	vmax.f32 v45, v43;
	v45 =	vmax.f32 v51, v49;
	v47 =	vld [tilespmem:s19+$0xFFFFFFE0]  }
0x1ed: {  	v40 =	vmax.f32 v44, v40;
	v41 =	vmax.f32 v42, v41;
	v42 =	vmax.f32 v43, v48;
	v43 =	vld [tilespmem:s19+$0xFFFFFFF0]  }
0x1ee: {  	v38 =	vmax.f32 v40, v38;
	v39 =	vmax.f32 v41, v39;
	v44 =	vmax.f32 v45, v50;
	v40 =	vld [tilespmem:s19+$0x30]  }
0x1ef: {  	v37 =	vmax.f32 v42, v37;
	v36 =	vmax.f32 v38, v36;
	v41 =	vmax.f32 v44, v53;
	v38 =	vld [tilespmem:s19+$0x70]  }
0x1f0: {  	v34 =	vmax.f32 v39, v34;
	v35 =	vmax.f32 v37, v35;
	v37 =	vmax.f32 v41, v46;
	v39 =	vld [tilespmem:s19+$0xA0]  }
0x1f1: {  	v32 =	vmax.f32 v36, v32;
	v33 =	vmax.f32 v34, v33;
	v34 =	vmax.f32 v35, v47;
	v35 =	vld [tilespmem:s19+$0xB0]  }
0x1f2: {  	v30 =	vmax.f32 v32, v30;
	v31 =	vmax.f32 v33, v31;
	v36 =	vmax.f32 v37, v43;
	v32 =	vld [tilespmem:s19+$0xF0]  }
0x1f3: {  	v28 =	vmax.f32 v30, v28;
	v29 =	vmax.f32 v34, v29;
	v33 =	vmax.f32 v36, v40;
	v30 =	vld [tilespmem:s19+$0x130]  }
0x1f4: {  	v26 =	vmax.f32 v31, v26;
	v27 =	vmax.f32 v29, v27;
	v29 =	vmax.f32 v33, v38;
	v31 =	vld [tilespmem:s19+$0x160]  }
0x1f5: {  	v24 =	vmax.f32 v28, v24;
	v25 =	vmax.f32 v26, v25;
	v26 =	vmax.f32 v27, v39;
	v27 =	vld [tilespmem:s19+$0x170]  }
0x1f6: {  	v22 =	vmax.f32 v24, v22;
	v23 =	vmax.f32 v25, v23;
	v28 =	vmax.f32 v29, v35;
	v24 =	vld [tilespmem:s19+$0x1B0]  }
0x1f7: {  	v19 =	vmax.f32 v22, v19;
	v21 =	vmax.f32 v26, v21;
	v25 =	vmax.f32 v28, v32;
	v22 =	vld [tilespmem:s19+$0x1F0];
	s19 =	sadd.s32 $0x400, s19  }
0x1f8: {  	v18 =	vmax.f32 v23, v18;
	v20 =	vmax.f32 v21, v20;
	v26 =	vld [tilespmem:s19+$0x1C0];
	v21 =	vmax.f32 v25, v30  }
0x1f9: {  	v15 =	vmax.f32 v19, v15;
	v17 =	vmax.f32 v18, v17;
	v23 =	vld [tilespmem:s19+$0x1D0];
	v18 =	vmax.f32 v20, v31  }
0x1fa: {  	v15 =	vmax.f32 v15, v9;
	v17 =	vmax.f32 v17, v12;
	v19 =	vld [tilespmem:s19+$0x1E0];
	v20 =	vmax.f32 v21, v27  }
0x1fb: {  	v13 =	vmax.f32 v18, v13;
	v9 =	vld [tilespmem:s19+$0x180];
	v18 =	vmax.f32 v20, v24;
	v20 =	vmax.f32 v15, v8  }
0x1fc: {  	v21 =	vmax.f32 v17, v10;
	v11 =	vmax.f32 v13, v11;
	v12 =	vld [tilespmem:s19+$0x190];
	v15 =	vmax.f32 v18, v22  }
0x1fd: {  	v17 =	vmax.f32 v20, v21;
	v13 =	vld [tilespmem:s19+$0x1A0];
	v20 =	vmax.f32 v11, v15;
	v8 =	vmov v26  }
0x1fe: {  	v15 =	vld [tilespmem:s19+$0x140];
	v18 =	vmax.f32 v17, v20;
	v10 =	vmov v23  }
0x1ff: {  	v17 =	vld [tilespmem:s19+$0x150];
	vm0 =	vgt.f32 v18, v16;
	v11 =	vmov v19  }
0x200: {  	v19 =	vld [tilespmem:s19+$0x100];
	v16 =	vsel vm0, v18, v16;
	v14 =	vsel vm0, s20, v14;
	s20 =	smov.u32 s21  }
0x201: {  	v18 =	vld [tilespmem:s19+$0x110]  }
0x202: {  	v20 =	vld [tilespmem:s19+$0x120]  }
0x203: {  	v22 =	vld [tilespmem:s19+$0xC0]  }
0x204: {  	v23 =	vld [tilespmem:s19+$0xD0]  }
0x205: {  	v21 =	vld [tilespmem:s19+$0xE0]  }
0x206: {  	v24 =	vld [tilespmem:s19+$0x80]  }
0x207: {  	v25 =	vld [tilespmem:s19+$0x90]  }
0x208: {  	v28 =	vld [tilespmem:s19+$0x40]  }
0x209: {  	v26 =	vld [tilespmem:s19+$0x50]  }
0x20a: {  	v27 =	vld [tilespmem:s19+$0x60]  }
0x20b: {  	v30 =	vld [tilespmem:s19+$0x0]  }
0x20c: {  	v31 =	vld [tilespmem:s19+$0x10]  }
0x20d: {  	v29 =	vld [tilespmem:s19+$0x20]  }
0x20e: {  	v32 =	vld [tilespmem:s19+$0xFFFFFFC0]  }
0x20f: {  	v33 =	vld [tilespmem:s19+$0xFFFFFFD0]  }
0x210: {  	v36 =	vld [tilespmem:s19+$0xFFFFFF80]  }
0x211: {  	v34 =	vld [tilespmem:s19+$0xFFFFFF90]  }
0x212: {  	v35 =	vld [tilespmem:s19+$0xFFFFFFA0]  }
0x213: {  	v38 =	vld [tilespmem:s19+$0xFFFFFF40]  }
0x214: {  	v39 =	vld [tilespmem:s19+$0xFFFFFF50]  }
0x215: {  	v37 =	vld [tilespmem:s19+$0xFFFFFF60]  }
0x216: {  	v40 =	vld [tilespmem:s19+$0xFFFFFF00]  }
0x217: {  	v41 =	vld [tilespmem:s19+$0xFFFFFF10]  }
0x218: {  	v44 =	vld [tilespmem:s19+$0xFFFFFEC0]  }
0x219: {  	v42 =	vld [tilespmem:s19+$0xFFFFFED0]  }
0x21a: {  	v43 =	vld [tilespmem:s19+$0xFFFFFEE0]  }
0x21b: {  	v46 =	vld [tilespmem:s19+$0xFFFFFE80]  }
0x21c: {  	v47 =	vld [tilespmem:s19+$0xFFFFFE90]  }
0x21d: {  	v45 =	vld [tilespmem:s19+$0xFFFFFEA0]  }
0x21e: {  	v50 =	vld [tilespmem:s19+$0xFFFFFE00]  }
0x21f: {  	v54 =	vld [tilespmem:s19+$0xFFFFFE10]  }
0x220: {  	v57 =	vld [tilespmem:s19+$0xFFFFFE20]  }
0x221: {  	v51 =	vld [tilespmem:s19+$0xFFFFFE30]  }
0x222: {  	v55 =	vld [tilespmem:s19+$0xFFFFFE40]  }
0x223: {  	v56 =	vld [tilespmem:s19+$0xFFFFFE50]  }
0x224: {  	v58 =	vld [tilespmem:s19+$0xFFFFFE60]  }
.Ltmp4:
0x225: {  	v53 =	vld [tilespmem:s19+$0xFFFFFE70];
	(pc) =	sbr.rel @p0 .LBB2_10-.Ltmp4, $4  }
0x226: {  	v52 =	vld [tilespmem:s19+$0xFFFFFEB0]  }
0x227: {  	v49 =	vld [tilespmem:s19+$0xFFFFFEF0]  }
0x228: {  	v48 =	vld [tilespmem:s19+$0xFFFFFF20]  }
0x229: {  	s21 =	sadd.s32 $0x1, s21;
	v55 =	vmax.f32 v50, v55;
	v56 =	vmax.f32 v54, v56;
	v54 =	vmax.f32 v57, v58;
	v50 =	vld [tilespmem:s19+$0xFFFFFF30]  }
0x22a: {  	v51 =	vmax.f32 v51, v53;
	v46 =	vmax.f32 v55, v46;
	v47 =	vmax.f32 v56, v47;
	v63 =	vld [tilespmem:s19+$0xFFFFFF70]  }
0x22b: {  	v45 =	vmax.f32 v54, v45;
	v56 =	vld [tilespmem:s19+$0xFFFFFFB0];
	v51 =	vmax.f32 v51, v52;
	v44 =	vmax.f32 v46, v44  }
0x22c: {  	v58 =	vld [tilespmem:s19+$0xFFFFFFE0];
	v42 =	vmax.f32 v47, v42;
	v43 =	vmax.f32 v45, v43;
	v57 =	vmax.f32 v51, v49  }
0x22d: {  	v60 =	vld [tilespmem:s19+$0xFFFFFFF0];
	v40 =	vmax.f32 v44, v40;
	v41 =	vmax.f32 v42, v41;
	v59 =	vmax.f32 v43, v48  }
0x22e: {  	v62 =	vld [tilespmem:s19+$0x30];
	v38 =	vmax.f32 v40, v38;
	v39 =	vmax.f32 v41, v39;
	v61 =	vmax.f32 v57, v50  }
0x22f: {  	v46 =	vld [tilespmem:s19+$0xA0];
	v37 =	vmax.f32 v59, v37;
	v36 =	vmax.f32 v38, v36;
	v34 =	vmax.f32 v39, v34  }
0x230: {  	v44 =	vld [tilespmem:s19+$0x70];
	v63 =	vmax.f32 v61, v63;
	v35 =	vmax.f32 v37, v35;
	v32 =	vmax.f32 v36, v32  }
0x231: {  	v49 =	vld [tilespmem:s19+$0xB0];
	v33 =	vmax.f32 v34, v33;
	v45 =	vmax.f32 v63, v56;
	v48 =	vmax.f32 v35, v58  }
0x232: {  	v53 =	vld [tilespmem:s19+$0x130];
	v30 =	vmax.f32 v32, v30;
	v31 =	vmax.f32 v33, v31;
	v50 =	vmax.f32 v45, v60  }
0x233: {  	v51 =	vld [tilespmem:s19+$0xF0];
	v29 =	vmax.f32 v48, v29;
	v28 =	vmax.f32 v30, v28;
	v26 =	vmax.f32 v31, v26  }
0x234: {  	v55 =	vld [tilespmem:s19+$0x160];
	v52 =	vmax.f32 v50, v62;
	v27 =	vmax.f32 v29, v27;
	v24 =	vmax.f32 v28, v24  }
0x235: {  	v57 =	vld [tilespmem:s19+$0x170];
	v25 =	vmax.f32 v26, v25;
	v54 =	vmax.f32 v52, v44;
	v56 =	vmax.f32 v27, v46  }
0x236: {  	v59 =	vld [tilespmem:s19+$0x1B0];
	v22 =	vmax.f32 v24, v22;
	v23 =	vmax.f32 v25, v23;
	v58 =	vmax.f32 v54, v49  }
0x237: {  	v61 =	vld [tilespmem:s19+$0x1F0];
	v21 =	vmax.f32 v56, v21;
	v19 =	vmax.f32 v22, v19;
	v18 =	vmax.f32 v23, v18  }
0x238: {  	v60 =	vmax.f32 v58, v51;
	v20 =	vmax.f32 v21, v20;
	v15 =	vmax.f32 v19, v15  }
0x239: {  	v17 =	vmax.f32 v18, v17;
	v62 =	vmax.f32 v60, v53;
	v18 =	vmax.f32 v20, v55  }
0x23a: {  	v9 =	vmax.f32 v15, v9;
	v12 =	vmax.f32 v17, v12;
	v19 =	vmax.f32 v62, v57  }
0x23b: {  	v13 =	vmax.f32 v18, v13;
	v8 =	vmax.f32 v9, v8;
	v15 =	vmax.f32 v19, v59  }
0x23c: {  	v9 =	vmax.f32 v12, v10;
	v10 =	vmax.f32 v13, v11;
	v11 =	vmax.f32 v15, v61  }
0x23d: {  	v8 =	vmax.f32 v8, v9;
	v9 =	vmax.f32 v10, v11  }
0x23e: {  	v8 =	vmax.f32 v8, v9  }
0x23f: {  	vm0 =	vgt.f32 v8, v16  }
0x240: {  	v9 =	vsel vm0, v8, v16  }
0x241: {  	v8 =	vperm.xlane v9, v3;
	_ =	sdelay $0x1  }
0x242: {  	v8 =	vmax.f32 v9, v8  }
0x243: {  	v10 =	vperm.xlane v8, v4;
	_ =	sdelay $0x1  }
0x244: {  	v8 =	vmax.f32 v8, v10  }
0x245: {  	v10 =	vperm.xlane v8, v5;
	_ =	sdelay $0x1  }
0x246: {  	v8 =	vmax.f32 v8, v10  }
0x247: {  	v10 =	vperm.xlane v8, v6;
	_ =	sdelay $0x1  }
0x248: {  	v8 =	vmax.f32 v8, v10  }
0x249: {  	v10 =	vsel vm0, s20, v14;
	vm12 =	veq.f32 v9, v8  }
0x24a: {  	v9 =	vnsel vm12, $0x8, v10  }
0x24b: {  	v10 =	vperm.xlane v9, v3;
	_ =	sdelay $0x1  }
0x24c: {  	vm0 =	vlt.s32 v9, v10  }
0x24d: {  	v9 =	vsel vm0, v9, v10  }
0x24e: {  	v10 =	vperm.xlane v9, v4;
	_ =	sdelay $0x1  }
0x24f: {  	vm0 =	vlt.s32 v9, v10  }
0x250: {  	v9 =	vsel vm0, v9, v10  }
0x251: {  	v10 =	vperm.xlane v9, v5;
	_ =	sdelay $0x1  }
0x252: {  	vm0 =	vlt.s32 v9, v10  }
0x253: {  	v9 =	vsel vm0, v9, v10  }
0x254: {  	v10 =	vperm.xlane v9, v6;
	_ =	sdelay $0x1  }
0x255: {  	vm0 =	vlt.s32 v9, v10  }
0x256: {  	v9 =	vsel vm0, v9, v10  }
0x257: {  	(v2sf) =	vpush v9, $0x0;
	_ =	sdelay $0xe  }
0x258: {  	s29 =	simm.s32 $0x0;
	s28 =	spop (v2sf)  }
0x259: {  	s21 =	sand.u32 $0x380, s29;
	s19 =	sshll.u32 s28, $0xA  }
0x25a: {  	s20 =	sand.u32 $0x40, s29;
	s21 =	sadd.s32 s21, s19  }
0x25b: {  	s20 =	sadd.s32 s20, s21  }
0x25c: {  	v11 =	vld [tilespmem:s20+$0x20]  }
0x25d: {  	v12 =	vld [tilespmem:s20+$0x0]  }
0x25e: {  	v13 =	vld [tilespmem:s20+$0x10]  }
0x25f: {  	s30 =	simm.s32 $0x40;
	v14 =	vld [tilespmem:s20+$0x30]  }
0x260: {  	s31 =	sand.u32 $0x380, s30  }
0x261: {  	v16 =	vimm.s32 $0x8000;
	v9 =	vor.u32 s19, v7;
	s21 =	sadd.s32 s31, s19;
	s20 =	sand.u32 $0x40, s30  }
0x262: {  	v15 =	vadd.s32 $0x10, v9;
	v17 =	vadd.s32 $0x20, v9;
	v18 =	vadd.s32 $0x30, v9;
	s21 =	sadd.s32 s20, s21  }
0x263: {  	v10 =	vld [tilespmem:s21+$0x20];
	vm13 =	veq.f32 v12, v8;
	vm1 =	veq.f32 v13, v8;
	vm2 =	veq.f32 v11, v8  }
0x264: {  	v11 =	vld [tilespmem:s21+$0x0];
	vm14 =	veq.f32 v14, v8;
	v19 =	vnsel vm13, $0x8000, v9;
	v63 =	vnsel vm1, $0x8000, v15  }
0x265: {  	v13 =	vld [tilespmem:s21+$0x10];
	v14 =	vnsel vm2, $0x8000, v17;
	vm15 =	vlt.s32 v16, v19;
	vm3 =	vlt.s32 v16, v63  }
0x266: {  	s20 =	simm.s32 $0x2;
	v12 =	vld [tilespmem:s21+$0x30];
	s21 =	simm.s32 $0x80;
	v17 =	vnsel vm14, $0x8000, v18;
	v15 =	vsel vm15, v16, v19;
	v16 =	vsel vm3, v16, v63  }
.LBB2_12:
0x267: {  	s22 =	sand.u32 $0x380, s21;
	vm0 =	vlt.s32 v15, v14;
	vm1 =	vlt.s32 v16, v17;
	s20 =	sadd.s32 $0x2, s20  }
0x268: {  	s23 =	sand.u32 $0x40, s21;
	v9 =	vadd.s32 $0x40, v9;
	s22 =	sadd.s32 s22, s19;
	v15 =	vsel vm0, v15, v14;
	v16 =	vsel vm1, v16, v17;
	p0 =	slt.u32 s20, $0x1E  }
.Ltmp5:
0x269: {  	v14 =	vadd.s32 $0x10, v9;
	v17 =	vadd.s32 $0x20, v9;
	v18 =	vadd.s32 $0x30, v9;
	s22 =	sadd.s32 s23, s22;
	(pc) =	sbr.rel @p0 .LBB2_12-.Ltmp5, $4  }
0x26a: {  	vm2 =	veq.f32 v10, v8;
	vm0 =	veq.f32 v11, v8;
	vm1 =	veq.f32 v13, v8;
	v10 =	vld [tilespmem:s22+$0x20]  }
0x26b: {  	v19 =	vnsel vm0, $0x8000, v9;
	v11 =	vld [tilespmem:s22+$0x0];
	v20 =	vnsel vm1, $0x8000, v14;
	vm0 =	veq.f32 v12, v8  }
0x26c: {  	vm1 =	vlt.s32 v15, v19;
	v14 =	vnsel vm2, $0x8000, v17;
	v13 =	vld [tilespmem:s22+$0x10];
	vm3 =	vlt.s32 v16, v20  }
0x26d: {  	s21 =	sadd.s32 $0x40, s21;
	v15 =	vsel vm1, v15, v19;
	v17 =	vnsel vm0, $0x8000, v18;
	v12 =	vld [tilespmem:s22+$0x30];
	v16 =	vsel vm3, v16, v20  }
0x26e: {  	vm0 =	vlt.s32 v15, v14;
	vm1 =	vlt.s32 v16, v17  }
0x26f: {  	v9 =	vadd.s32 $0x40, v9;
	v14 =	vsel vm0, v15, v14;
	v15 =	vsel vm1, v16, v17  }
0x270: {  	v16 =	vadd.s32 $0x10, v9;
	v17 =	vadd.s32 $0x20, v9;
	v18 =	vadd.s32 $0x30, v9  }
0x271: {  	vm2 =	veq.f32 v10, v8;
	vm10 =	veq.f32 v11, v8;
	vm11 =	veq.f32 v13, v8  }
0x272: {  	v11 =	vnsel vm2, $0x8000, v17;
	v9 =	vnsel vm10, $0x8000, v9;
	v10 =	vnsel vm11, $0x8000, v16  }
0x273: {  	vm12 =	veq.f32 v12, v8;
	vm13 =	vlt.s32 v14, v9;
	vm3 =	vlt.s32 v15, v10  }
0x274: {  	v9 =	vsel vm13, v14, v9;
	v12 =	vnsel vm12, $0x8000, v18;
	v10 =	vsel vm3, v15, v10  }
0x275: {  	vm14 =	vlt.s32 v9, v11;
	vm15 =	vlt.s32 v10, v12  }
0x276: {  	v9 =	vsel vm14, v9, v11;
	v10 =	vsel vm15, v10, v12  }
0x277: {  	vm0 =	vlt.s32 v9, v10  }
0x278: {  	v9 =	vsel vm0, v9, v10  }
0x279: {  	v10 =	vperm.xlane v9, v3;
	_ =	sdelay $0x1  }
0x27a: {  	vm0 =	vlt.s32 v9, v10  }
0x27b: {  	v9 =	vsel vm0, v9, v10  }
0x27c: {  	v10 =	vperm.xlane v9, v0;
	_ =	sdelay $0x1  }
0x27d: {  	vm0 =	vlt.s32 v9, v10  }
0x27e: {  	v9 =	vsel vm0, v9, v10  }
0x27f: {  	v10 =	vperm.xlane v9, v1;
	_ =	sdelay $0x1  }
0x280: {  	vm0 =	vlt.s32 v9, v10  }
0x281: {  	v9 =	vsel vm0, v9, v10  }
0x282: {  	v10 =	vperm.xlane v9, v2;
	_ =	sdelay $0x1  }
0x283: {  	vm0 =	vlt.s32 v9, v10  }
0x284: {  	[tilespmem:$0x4100] =	vst v8;
	v9 =	vsel vm0, v9, v10  }
0x285: {  	[tilespmem:$0x4300] =	vst v9  }
0x286: {  	_ =	swait.ge [sflag:s14], $0x2000  }
0x287: {  	[sflag:s14] =	ssyncset.done $0x0  }
0x288: {  	s19 =	simm.s32 $0x2200;
	[sflag:s14] =	ssyncadd.s32 $0xFFFFE000  }
0x289: {  	v8 =	vld [tilespmem:s19+$0x1C0]  }
0x28a: {  	v10 =	vld [tilespmem:s19+$0x1D0]  }
0x28b: {  	v11 =	vld [tilespmem:s19+$0x1E0]  }
0x28c: {  	v9 =	vld [tilespmem:s19+$0x180]  }
0x28d: {  	v12 =	vld [tilespmem:s19+$0x190]  }
0x28e: {  	v13 =	vld [tilespmem:s19+$0x1A0]  }
0x28f: {  	v15 =	vld [tilespmem:s19+$0x140]  }
0x290: {  	v17 =	vld [tilespmem:s19+$0x150]  }
0x291: {  	v19 =	vld [tilespmem:s19+$0x100]  }
0x292: {  	v18 =	vld [tilespmem:s19+$0x110]  }
0x293: {  	v20 =	vld [tilespmem:s19+$0x120]  }
0x294: {  	v22 =	vld [tilespmem:s19+$0xC0]  }
0x295: {  	v23 =	vld [tilespmem:s19+$0xD0]  }
0x296: {  	v21 =	vld [tilespmem:s19+$0xE0]  }
0x297: {  	v24 =	vld [tilespmem:s19+$0x80]  }
0x298: {  	v25 =	vld [tilespmem:s19+$0x90]  }
0x299: {  	v28 =	vld [tilespmem:s19+$0x40]  }
0x29a: {  	v26 =	vld [tilespmem:s19+$0x50]  }
0x29b: {  	v27 =	vld [tilespmem:s19+$0x60]  }
0x29c: {  	v30 =	vld [tilespmem:s19+$0x0]  }
0x29d: {  	v31 =	vld [tilespmem:s19+$0x10]  }
0x29e: {  	v29 =	vld [tilespmem:s19+$0x20]  }
0x29f: {  	v32 =	vld [tilespmem:s19+$0xFFFFFFC0]  }
0x2a0: {  	v33 =	vld [tilespmem:s19+$0xFFFFFFD0]  }
0x2a1: {  	v36 =	vld [tilespmem:s19+$0xFFFFFF80]  }
0x2a2: {  	v34 =	vld [tilespmem:s19+$0xFFFFFF90]  }
0x2a3: {  	v35 =	vld [tilespmem:s19+$0xFFFFFFA0]  }
0x2a4: {  	v38 =	vld [tilespmem:s19+$0xFFFFFF40]  }
0x2a5: {  	v39 =	vld [tilespmem:s19+$0xFFFFFF50]  }
0x2a6: {  	v37 =	vld [tilespmem:s19+$0xFFFFFF60]  }
0x2a7: {  	v40 =	vld [tilespmem:s19+$0xFFFFFF00]  }
0x2a8: {  	v41 =	vld [tilespmem:s19+$0xFFFFFF10]  }
0x2a9: {  	v44 =	vld [tilespmem:s19+$0xFFFFFEC0]  }
0x2aa: {  	v42 =	vld [tilespmem:s19+$0xFFFFFED0]  }
0x2ab: {  	v43 =	vld [tilespmem:s19+$0xFFFFFEE0]  }
0x2ac: {  	v46 =	vld [tilespmem:s19+$0xFFFFFE80]  }
0x2ad: {  	v47 =	vld [tilespmem:s19+$0xFFFFFE90]  }
0x2ae: {  	v45 =	vld [tilespmem:s19+$0xFFFFFEA0]  }
0x2af: {  	v50 =	vld [tilespmem:s19+$0xFFFFFE00]  }
0x2b0: {  	v54 =	vld [tilespmem:s19+$0xFFFFFE10]  }
0x2b1: {  	v57 =	vld [tilespmem:s19+$0xFFFFFE20]  }
0x2b2: {  	v51 =	vld [tilespmem:s19+$0xFFFFFE30]  }
0x2b3: {  	v55 =	vld [tilespmem:s19+$0xFFFFFE40]  }
0x2b4: {  	v56 =	vld [tilespmem:s19+$0xFFFFFE50]  }
0x2b5: {  	v58 =	vld [tilespmem:s19+$0xFFFFFE60]  }
0x2b6: {  	v53 =	vld [tilespmem:s19+$0xFFFFFE70]  }
0x2b7: {  	v52 =	vld [tilespmem:s19+$0xFFFFFEB0]  }
0x2b8: {  	v49 =	vld [tilespmem:s19+$0xFFFFFEF0]  }
0x2b9: {  	v16 =	vimm.f32 $-Inf;
	v14 =	vimm.s32 $0x0;
	v48 =	vld [tilespmem:s19+$0xFFFFFF20]  }
0x2ba: {  	s20 =	simm.s32 $0x0;
	s21 =	simm.s32 $0x1;
	v55 =	vmax.f32 v50, v55;
	v56 =	vmax.f32 v54, v56;
	v54 =	vmax.f32 v57, v58;
	v50 =	vld [tilespmem:s19+$0xFFFFFF30]  }
.LBB2_14:
0x2bb: {  	p0 =	sne.s32 s21, $0x7;
	v51 =	vmax.f32 v51, v53;
	v46 =	vmax.f32 v55, v46;
	v47 =	vmax.f32 v56, v47;
	v53 =	vld [tilespmem:s19+$0xFFFFFF70]  }
0x2bc: {  	v45 =	vmax.f32 v54, v45;
	v51 =	vmax.f32 v51, v52;
	v44 =	vmax.f32 v46, v44;
	v46 =	vld [tilespmem:s19+$0xFFFFFFB0]  }
0x2bd: {  	v42 =	vmax.f32 v47, v42;
	v43 =	vmax.f32 v45, v43;
	v45 =	vmax.f32 v51, v49;
	v47 =	vld [tilespmem:s19+$0xFFFFFFE0]  }
0x2be: {  	v40 =	vmax.f32 v44, v40;
	v41 =	vmax.f32 v42, v41;
	v42 =	vmax.f32 v43, v48;
	v43 =	vld [tilespmem:s19+$0xFFFFFFF0]  }
0x2bf: {  	v38 =	vmax.f32 v40, v38;
	v39 =	vmax.f32 v41, v39;
	v44 =	vmax.f32 v45, v50;
	v40 =	vld [tilespmem:s19+$0x30]  }
0x2c0: {  	v37 =	vmax.f32 v42, v37;
	v36 =	vmax.f32 v38, v36;
	v41 =	vmax.f32 v44, v53;
	v38 =	vld [tilespmem:s19+$0x70]  }
0x2c1: {  	v34 =	vmax.f32 v39, v34;
	v35 =	vmax.f32 v37, v35;
	v37 =	vmax.f32 v41, v46;
	v39 =	vld [tilespmem:s19+$0xA0]  }
0x2c2: {  	v32 =	vmax.f32 v36, v32;
	v33 =	vmax.f32 v34, v33;
	v34 =	vmax.f32 v35, v47;
	v35 =	vld [tilespmem:s19+$0xB0]  }
0x2c3: {  	v30 =	vmax.f32 v32, v30;
	v31 =	vmax.f32 v33, v31;
	v36 =	vmax.f32 v37, v43;
	v32 =	vld [tilespmem:s19+$0xF0]  }
0x2c4: {  	v28 =	vmax.f32 v30, v28;
	v29 =	vmax.f32 v34, v29;
	v33 =	vmax.f32 v36, v40;
	v30 =	vld [tilespmem:s19+$0x130]  }
0x2c5: {  	v26 =	vmax.f32 v31, v26;
	v27 =	vmax.f32 v29, v27;
	v29 =	vmax.f32 v33, v38;
	v31 =	vld [tilespmem:s19+$0x160]  }
0x2c6: {  	v24 =	vmax.f32 v28, v24;
	v25 =	vmax.f32 v26, v25;
	v26 =	vmax.f32 v27, v39;
	v27 =	vld [tilespmem:s19+$0x170]  }
0x2c7: {  	v22 =	vmax.f32 v24, v22;
	v23 =	vmax.f32 v25, v23;
	v28 =	vmax.f32 v29, v35;
	v24 =	vld [tilespmem:s19+$0x1B0]  }
0x2c8: {  	v19 =	vmax.f32 v22, v19;
	v21 =	vmax.f32 v26, v21;
	v25 =	vmax.f32 v28, v32;
	v22 =	vld [tilespmem:s19+$0x1F0];
	s19 =	sadd.s32 $0x400, s19  }
0x2c9: {  	v18 =	vmax.f32 v23, v18;
	v20 =	vmax.f32 v21, v20;
	v26 =	vld [tilespmem:s19+$0x1C0];
	v21 =	vmax.f32 v25, v30  }
0x2ca: {  	v15 =	vmax.f32 v19, v15;
	v17 =	vmax.f32 v18, v17;
	v23 =	vld [tilespmem:s19+$0x1D0];
	v18 =	vmax.f32 v20, v31  }
0x2cb: {  	v15 =	vmax.f32 v15, v9;
	v17 =	vmax.f32 v17, v12;
	v19 =	vld [tilespmem:s19+$0x1E0];
	v20 =	vmax.f32 v21, v27  }
0x2cc: {  	v13 =	vmax.f32 v18, v13;
	v9 =	vld [tilespmem:s19+$0x180];
	v18 =	vmax.f32 v20, v24;
	v20 =	vmax.f32 v15, v8  }
0x2cd: {  	v21 =	vmax.f32 v17, v10;
	v11 =	vmax.f32 v13, v11;
	v12 =	vld [tilespmem:s19+$0x190];
	v15 =	vmax.f32 v18, v22  }
0x2ce: {  	v17 =	vmax.f32 v20, v21;
	v13 =	vld [tilespmem:s19+$0x1A0];
	v20 =	vmax.f32 v11, v15;
	v8 =	vmov v26  }
0x2cf: {  	v15 =	vld [tilespmem:s19+$0x140];
	v18 =	vmax.f32 v17, v20;
	v10 =	vmov v23  }
0x2d0: {  	v17 =	vld [tilespmem:s19+$0x150];
	vm0 =	vgt.f32 v18, v16;
	v11 =	vmov v19  }
0x2d1: {  	v19 =	vld [tilespmem:s19+$0x100];
	v16 =	vsel vm0, v18, v16;
	v14 =	vsel vm0, s20, v14;
	s20 =	smov.u32 s21  }
0x2d2: {  	v18 =	vld [tilespmem:s19+$0x110]  }
0x2d3: {  	v20 =	vld [tilespmem:s19+$0x120]  }
0x2d4: {  	v22 =	vld [tilespmem:s19+$0xC0]  }
0x2d5: {  	v23 =	vld [tilespmem:s19+$0xD0]  }
0x2d6: {  	v21 =	vld [tilespmem:s19+$0xE0]  }
0x2d7: {  	v24 =	vld [tilespmem:s19+$0x80]  }
0x2d8: {  	v25 =	vld [tilespmem:s19+$0x90]  }
0x2d9: {  	v28 =	vld [tilespmem:s19+$0x40]  }
0x2da: {  	v26 =	vld [tilespmem:s19+$0x50]  }
0x2db: {  	v27 =	vld [tilespmem:s19+$0x60]  }
0x2dc: {  	v30 =	vld [tilespmem:s19+$0x0]  }
0x2dd: {  	v31 =	vld [tilespmem:s19+$0x10]  }
0x2de: {  	v29 =	vld [tilespmem:s19+$0x20]  }
0x2df: {  	v32 =	vld [tilespmem:s19+$0xFFFFFFC0]  }
0x2e0: {  	v33 =	vld [tilespmem:s19+$0xFFFFFFD0]  }
0x2e1: {  	v36 =	vld [tilespmem:s19+$0xFFFFFF80]  }
0x2e2: {  	v34 =	vld [tilespmem:s19+$0xFFFFFF90]  }
0x2e3: {  	v35 =	vld [tilespmem:s19+$0xFFFFFFA0]  }
0x2e4: {  	v38 =	vld [tilespmem:s19+$0xFFFFFF40]  }
0x2e5: {  	v39 =	vld [tilespmem:s19+$0xFFFFFF50]  }
0x2e6: {  	v37 =	vld [tilespmem:s19+$0xFFFFFF60]  }
0x2e7: {  	v40 =	vld [tilespmem:s19+$0xFFFFFF00]  }
0x2e8: {  	v41 =	vld [tilespmem:s19+$0xFFFFFF10]  }
0x2e9: {  	v44 =	vld [tilespmem:s19+$0xFFFFFEC0]  }
0x2ea: {  	v42 =	vld [tilespmem:s19+$0xFFFFFED0]  }
0x2eb: {  	v43 =	vld [tilespmem:s19+$0xFFFFFEE0]  }
0x2ec: {  	v46 =	vld [tilespmem:s19+$0xFFFFFE80]  }
0x2ed: {  	v47 =	vld [tilespmem:s19+$0xFFFFFE90]  }
0x2ee: {  	v45 =	vld [tilespmem:s19+$0xFFFFFEA0]  }
0x2ef: {  	v50 =	vld [tilespmem:s19+$0xFFFFFE00]  }
0x2f0: {  	v54 =	vld [tilespmem:s19+$0xFFFFFE10]  }
0x2f1: {  	v57 =	vld [tilespmem:s19+$0xFFFFFE20]  }
0x2f2: {  	v51 =	vld [tilespmem:s19+$0xFFFFFE30]  }
0x2f3: {  	v55 =	vld [tilespmem:s19+$0xFFFFFE40]  }
0x2f4: {  	v56 =	vld [tilespmem:s19+$0xFFFFFE50]  }
0x2f5: {  	v58 =	vld [tilespmem:s19+$0xFFFFFE60]  }
.Ltmp6:
0x2f6: {  	v53 =	vld [tilespmem:s19+$0xFFFFFE70];
	(pc) =	sbr.rel @p0 .LBB2_14-.Ltmp6, $4  }
0x2f7: {  	v52 =	vld [tilespmem:s19+$0xFFFFFEB0]  }
0x2f8: {  	v49 =	vld [tilespmem:s19+$0xFFFFFEF0]  }
0x2f9: {  	v48 =	vld [tilespmem:s19+$0xFFFFFF20]  }
0x2fa: {  	s21 =	sadd.s32 $0x1, s21;
	v55 =	vmax.f32 v50, v55;
	v56 =	vmax.f32 v54, v56;
	v54 =	vmax.f32 v57, v58;
	v50 =	vld [tilespmem:s19+$0xFFFFFF30]  }
0x2fb: {  	v51 =	vmax.f32 v51, v53;
	v46 =	vmax.f32 v55, v46;
	v47 =	vmax.f32 v56, v47;
	v63 =	vld [tilespmem:s19+$0xFFFFFF70]  }
0x2fc: {  	v45 =	vmax.f32 v54, v45;
	v56 =	vld [tilespmem:s19+$0xFFFFFFB0];
	v51 =	vmax.f32 v51, v52;
	v44 =	vmax.f32 v46, v44  }
0x2fd: {  	v58 =	vld [tilespmem:s19+$0xFFFFFFE0];
	v42 =	vmax.f32 v47, v42;
	v43 =	vmax.f32 v45, v43;
	v57 =	vmax.f32 v51, v49  }
0x2fe: {  	v60 =	vld [tilespmem:s19+$0xFFFFFFF0];
	v40 =	vmax.f32 v44, v40;
	v41 =	vmax.f32 v42, v41;
	v59 =	vmax.f32 v43, v48  }
0x2ff: {  	v62 =	vld [tilespmem:s19+$0x30];
	v38 =	vmax.f32 v40, v38;
	v39 =	vmax.f32 v41, v39;
	v61 =	vmax.f32 v57, v50  }
0x300: {  	v46 =	vld [tilespmem:s19+$0xA0];
	v37 =	vmax.f32 v59, v37;
	v36 =	vmax.f32 v38, v36;
	v34 =	vmax.f32 v39, v34  }
0x301: {  	v44 =	vld [tilespmem:s19+$0x70];
	v63 =	vmax.f32 v61, v63;
	v35 =	vmax.f32 v37, v35;
	v32 =	vmax.f32 v36, v32  }
0x302: {  	v49 =	vld [tilespmem:s19+$0xB0];
	v33 =	vmax.f32 v34, v33;
	v45 =	vmax.f32 v63, v56;
	v48 =	vmax.f32 v35, v58  }
0x303: {  	v53 =	vld [tilespmem:s19+$0x130];
	v30 =	vmax.f32 v32, v30;
	v31 =	vmax.f32 v33, v31;
	v50 =	vmax.f32 v45, v60  }
0x304: {  	v51 =	vld [tilespmem:s19+$0xF0];
	v29 =	vmax.f32 v48, v29;
	v28 =	vmax.f32 v30, v28;
	v26 =	vmax.f32 v31, v26  }
0x305: {  	v55 =	vld [tilespmem:s19+$0x160];
	v52 =	vmax.f32 v50, v62;
	v27 =	vmax.f32 v29, v27;
	v24 =	vmax.f32 v28, v24  }
0x306: {  	v57 =	vld [tilespmem:s19+$0x170];
	v25 =	vmax.f32 v26, v25;
	v54 =	vmax.f32 v52, v44;
	v56 =	vmax.f32 v27, v46  }
0x307: {  	v59 =	vld [tilespmem:s19+$0x1B0];
	v22 =	vmax.f32 v24, v22;
	v23 =	vmax.f32 v25, v23;
	v58 =	vmax.f32 v54, v49  }
0x308: {  	v61 =	vld [tilespmem:s19+$0x1F0];
	v21 =	vmax.f32 v56, v21;
	v19 =	vmax.f32 v22, v19;
	v18 =	vmax.f32 v23, v18  }
0x309: {  	v60 =	vmax.f32 v58, v51;
	v20 =	vmax.f32 v21, v20;
	v15 =	vmax.f32 v19, v15  }
0x30a: {  	v17 =	vmax.f32 v18, v17;
	v62 =	vmax.f32 v60, v53;
	v18 =	vmax.f32 v20, v55  }
0x30b: {  	v9 =	vmax.f32 v15, v9;
	v12 =	vmax.f32 v17, v12;
	v19 =	vmax.f32 v62, v57  }
0x30c: {  	v13 =	vmax.f32 v18, v13;
	v8 =	vmax.f32 v9, v8;
	v15 =	vmax.f32 v19, v59  }
0x30d: {  	v9 =	vmax.f32 v12, v10;
	v10 =	vmax.f32 v13, v11;
	v11 =	vmax.f32 v15, v61  }
0x30e: {  	v8 =	vmax.f32 v8, v9;
	v9 =	vmax.f32 v10, v11  }
0x30f: {  	v8 =	vmax.f32 v8, v9  }
0x310: {  	vm0 =	vgt.f32 v8, v16  }
0x311: {  	v9 =	vsel vm0, v8, v16  }
0x312: {  	v8 =	vperm.xlane v9, v3;
	_ =	sdelay $0x1  }
0x313: {  	v8 =	vmax.f32 v9, v8  }
0x314: {  	v10 =	vperm.xlane v8, v4;
	_ =	sdelay $0x1  }
0x315: {  	v8 =	vmax.f32 v8, v10  }
0x316: {  	v10 =	vperm.xlane v8, v5;
	_ =	sdelay $0x1  }
0x317: {  	v8 =	vmax.f32 v8, v10  }
0x318: {  	v10 =	vperm.xlane v8, v6;
	_ =	sdelay $0x1  }
0x319: {  	v8 =	vmax.f32 v8, v10  }
0x31a: {  	v10 =	vsel vm0, s20, v14;
	vm12 =	veq.f32 v9, v8  }
0x31b: {  	v9 =	vnsel vm12, $0x8, v10  }
0x31c: {  	v10 =	vperm.xlane v9, v3;
	_ =	sdelay $0x1  }
0x31d: {  	vm0 =	vlt.s32 v9, v10  }
0x31e: {  	v9 =	vsel vm0, v9, v10  }
0x31f: {  	v10 =	vperm.xlane v9, v4;
	_ =	sdelay $0x1  }
0x320: {  	vm0 =	vlt.s32 v9, v10  }
0x321: {  	v9 =	vsel vm0, v9, v10  }
0x322: {  	v10 =	vperm.xlane v9, v5;
	_ =	sdelay $0x1  }
0x323: {  	vm0 =	vlt.s32 v9, v10  }
0x324: {  	v9 =	vsel vm0, v9, v10  }
0x325: {  	v10 =	vperm.xlane v9, v6;
	_ =	sdelay $0x1  }
0x326: {  	vm0 =	vlt.s32 v9, v10  }
0x327: {  	v9 =	vsel vm0, v9, v10  }
0x328: {  	(v2sf) =	vpush v9, $0x0;
	_ =	sdelay $0xe  }
0x329: {  	s25 =	spop (v2sf)  }
0x32a: {  	s21 =	simm.s32 $0x0;
	s26 =	sshll.u32 s25, $0xA  }
0x32b: {  	s22 =	sand.u32 $0x380, s21;
	s19 =	sadd.s32 $0x2000, s26  }
0x32c: {  	s21 =	sand.u32 $0x40, s21;
	s22 =	sadd.s32 s22, s19  }
0x32d: {  	s21 =	sadd.s32 s21, s22  }
0x32e: {  	v11 =	vld [tilespmem:s21+$0x20]  }
0x32f: {  	v12 =	vld [tilespmem:s21+$0x0]  }
0x330: {  	v13 =	vld [tilespmem:s21+$0x10]  }
0x331: {  	s28 =	simm.s32 $0x40;
	v14 =	vld [tilespmem:s21+$0x30]  }
0x332: {  	s29 =	sand.u32 $0x380, s28  }
0x333: {  	s30 =	sand.u32 $0x40, s28;
	v16 =	vimm.s32 $0x8000;
	v9 =	vor.u32 s26, v7;
	s31 =	sadd.s32 s29, s19  }
0x334: {  	v15 =	vadd.s32 $0x10, v9;
	v17 =	vadd.s32 $0x20, v9;
	v18 =	vadd.s32 $0x30, v9;
	s21 =	sadd.s32 s30, s31  }
0x335: {  	v10 =	vld [tilespmem:s21+$0x20];
	vm13 =	veq.f32 v12, v8;
	vm1 =	veq.f32 v13, v8;
	vm2 =	veq.f32 v11, v8  }
0x336: {  	v11 =	vld [tilespmem:s21+$0x0];
	vm14 =	veq.f32 v14, v8;
	v19 =	vnsel vm13, $0x8000, v9;
	v63 =	vnsel vm1, $0x8000, v15  }
0x337: {  	v13 =	vld [tilespmem:s21+$0x10];
	v14 =	vnsel vm2, $0x8000, v17;
	vm15 =	vlt.s32 v16, v19;
	vm3 =	vlt.s32 v16, v63  }
0x338: {  	s20 =	simm.s32 $0x2;
	v12 =	vld [tilespmem:s21+$0x30];
	s21 =	simm.s32 $0x80;
	v17 =	vnsel vm14, $0x8000, v18;
	v15 =	vsel vm15, v16, v19;
	v16 =	vsel vm3, v16, v63  }
.LBB2_16:
0x339: {  	s22 =	sand.u32 $0x380, s21;
	vm0 =	vlt.s32 v15, v14;
	vm1 =	vlt.s32 v16, v17;
	s20 =	sadd.s32 $0x2, s20  }
0x33a: {  	s23 =	sand.u32 $0x40, s21;
	v9 =	vadd.s32 $0x40, v9;
	s22 =	sadd.s32 s22, s19;
	v15 =	vsel vm0, v15, v14;
	v16 =	vsel vm1, v16, v17;
	p0 =	slt.u32 s20, $0x1E  }
.Ltmp7:
0x33b: {  	v14 =	vadd.s32 $0x10, v9;
	v17 =	vadd.s32 $0x20, v9;
	v18 =	vadd.s32 $0x30, v9;
	s22 =	sadd.s32 s23, s22;
	(pc) =	sbr.rel @p0 .LBB2_16-.Ltmp7, $4  }
0x33c: {  	vm2 =	veq.f32 v10, v8;
	vm0 =	veq.f32 v11, v8;
	vm1 =	veq.f32 v13, v8;
	v10 =	vld [tilespmem:s22+$0x20]  }
0x33d: {  	v19 =	vnsel vm0, $0x8000, v9;
	v11 =	vld [tilespmem:s22+$0x0];
	v20 =	vnsel vm1, $0x8000, v14;
	vm0 =	veq.f32 v12, v8  }
0x33e: {  	vm1 =	vlt.s32 v15, v19;
	v14 =	vnsel vm2, $0x8000, v17;
	v13 =	vld [tilespmem:s22+$0x10];
	vm3 =	vlt.s32 v16, v20  }
0x33f: {  	s21 =	sadd.s32 $0x40, s21;
	v15 =	vsel vm1, v15, v19;
	v17 =	vnsel vm0, $0x8000, v18;
	v12 =	vld [tilespmem:s22+$0x30];
	v16 =	vsel vm3, v16, v20  }
0x340: {  	vm0 =	vlt.s32 v15, v14;
	vm1 =	vlt.s32 v16, v17  }
0x341: {  	v9 =	vadd.s32 $0x40, v9;
	v14 =	vsel vm0, v15, v14;
	v59 =	vsel vm1, v16, v17  }
0x342: {  	v60 =	vadd.s32 $0x10, v9;
	v61 =	vadd.s32 $0x20, v9;
	v18 =	vadd.s32 $0x30, v9  }
0x343: {  	vm2 =	veq.f32 v10, v8;
	vm10 =	veq.f32 v11, v8;
	vm11 =	veq.f32 v13, v8  }
0x344: {  	v63 =	vnsel vm2, $0x8000, v61;
	v9 =	vnsel vm10, $0x8000, v9;
	v62 =	vnsel vm11, $0x8000, v60  }
0x345: {  	vm12 =	veq.f32 v12, v8;
	vm13 =	vlt.s32 v14, v9;
	vm3 =	vlt.s32 v59, v62  }
0x346: {  	v9 =	vsel vm13, v14, v9;
	v12 =	vnsel vm12, $0x8000, v18;
	v10 =	vsel vm3, v59, v62  }
0x347: {  	vm14 =	vlt.s32 v9, v63;
	vm15 =	vlt.s32 v10, v12  }
0x348: {  	v9 =	vsel vm14, v9, v63;
	v10 =	vsel vm15, v10, v12  }
0x349: {  	vm0 =	vlt.s32 v9, v10  }
0x34a: {  	v9 =	vsel vm0, v9, v10  }
0x34b: {  	v10 =	vperm.xlane v9, v3;
	_ =	sdelay $0x1  }
0x34c: {  	vm0 =	vlt.s32 v9, v10  }
0x34d: {  	v9 =	vsel vm0, v9, v10  }
0x34e: {  	v10 =	vperm.xlane v9, v0;
	_ =	sdelay $0x1  }
0x34f: {  	vm0 =	vlt.s32 v9, v10  }
0x350: {  	v9 =	vsel vm0, v9, v10  }
0x351: {  	v10 =	vperm.xlane v9, v1;
	_ =	sdelay $0x1  }
0x352: {  	vm0 =	vlt.s32 v9, v10  }
0x353: {  	v9 =	vsel vm0, v9, v10  }
0x354: {  	v10 =	vperm.xlane v9, v2;
	_ =	sdelay $0x1  }
0x355: {  	vm0 =	vlt.s32 v9, v10  }
0x356: {  	[tilespmem:$0x4180] =	vst v8;
	v9 =	vsel vm0, v9, v10  }
0x357: {  	[tilespmem:$0x4380] =	vst v9  }
0x358: {  	[hbm4b:s7+s1] =	stream.linear.scatter [tilespmem:s15], [sflag:$0x3], $0x200, $0x38;
	[tilespmem:$0x4400] =	vst v63  }
0x359: {  	s18 =	sadd.s32 $0x1, s18;
	_ =	swait.ge [sflag:s16], $0x200  }
0x35a: {  	p0 =	sne.s32 s18, s9;
	[sflag:s16] =	ssyncset.done $0x0  }
.Ltmp8:
0x35b: {  	[sflag:s16] =	ssyncadd.s32 $0xFFFFFE00;
	(pc) =	sbr.rel @p0 .LBB2_1-.Ltmp8, $4  }
0x35c: {  	[hbm4b:s8+s1] =	stream.linear.scatter [tilespmem:s17], [sflag:$0x3], $0x200, $0x38;
	[tilespmem:$0x4400] =	vst v63  }
0x35d: {  	_ =	swait.ge [sflag:s16], $0x200  }
0x35e: {  	[sflag:s16] =	ssyncset.done $0x0  }
0x35f: {  	[sflag:s16] =	ssyncadd.s32 $0xFFFFFE00  }
0x360: {  	_ =	sfence.sel $0x180000  }
0x361: {  	[bflag:$0x0] =	sbarrier.arrive $0xFFFF  }
0x362: {  	p0 =	sne.s32 s2, $0x0;
	_ =	strace $0x90000047  }
0x363: {  	s0 =	sadd.s32 @!p0 $0x100000, s0;
	[bflag:$0x2] =	sbarrier.arrive $0xFFFF  }
0x364: {  	[sflag:s0] =	ssyncadd.tile.s32 @!p0 $0x1;
	_ =	shalt  }
.Lfunc_end2:
_tile_overlayer_lowered:
.L_overlay_start_2:
0x365: {  	(tag) =	ssettag $0x2  }
0x366: {  	s0 =	rddreg [dreg:$0x0];
	s2 =	stileid.u32  }
0x367: {  	s1 =	rddreg [dreg:$0x1];
	p0 =	sne.s32 s2, $0x0  }
0x368: {  	s3 =	rddreg [dreg:$0x2];
	[bflag:$0x3] =	sbarrier.arrive $0xFFFF;
	s2 =	simm.s32 @!p0 $0x1C03  }
0x369: {  	[timem:s3], [sflag:s2] =	dma.local @!p0 [hbm:s0], s1  }
0x36a: {  	s0 =	simm.s32 @!p0 $0x3  }
0x36b: {  	_ =	swait.ge @!p0 [sflag:s0], s1  }
0x36c: {  	s1 =	ssub.s32 @!p0 $0x0, s1;
	[sflag:s0] =	ssyncset.done @!p0 $0x0  }
0x36d: {  	[sflag:s0] =	ssyncadd.s32 @!p0 s1  }
0x36e: {  	[bflag:$0x3] =	sbarrier.arrive $0xFFFF  }
0x36f: {  	_ =	shalt  }

</sc_bundles>
